<compile_context>
chip_gen: v7x
topology: tpu7x:2x2x1
jax: 0.10.2.dev20260603
libtpu: 0.0.44.dev20260713+nightly
codegen_flags: <defaults>
</compile_context>

<pallas_src>
import functools

import jax
import jax.numpy as jnp
from jax import lax
from jax.experimental import pallas as pl
from jax.experimental.pallas import tpu as pltpu
from jax.experimental.pallas import tpu_sc as plsc

NC = 2
NS = 16
NW = NC * NS
LANES = 16
CHUNK = 128
SUP = 16
G = 128


def _sc_mesh():
    return plsc.VectorSubcoreMesh(
        core_axis_name="c", subcore_axis_name="s", num_cores=NC, num_subcores=NS
    )


_SC_PARAMS = pltpu.CompilerParams(use_tc_tiling_on_sc=False)


def _fill_f32(ref, rows, value):
    def body(i, _):
        ref[i] = jnp.full((LANES,), value, jnp.float32)
        return 0

    lax.fori_loop(0, rows, body, 0)


def _set_idx_row(ref, row, value):
    v = jnp.full((LANES,), value, jnp.int32)
    for q in range(CHUNK // LANES):
        ref[row, pl.ds(q * LANES, LANES)] = v


def _zero_spmem(zero_v, zrows, sh, tbase, rt):
    for p in range(rt // zrows):
        pltpu.sync_copy(zero_v, sh.at[pl.ds(tbase + p * zrows, zrows)])


def _load_edges(edge_hbm, which, base, full, rem, idx_v, mini_v, sem):
    def row(q, _):
        pltpu.async_copy(
            edge_hbm.at[which, pl.ds(base + q * CHUNK, CHUNK)], idx_v.at[q], sem
        )
        return 0

    lax.fori_loop(0, full, row, 0)
    if rem:
        pltpu.async_copy(
            edge_hbm.at[which, pl.ds(base + full * CHUNK, rem)],
            mini_v.at[0], sem,
        )

    def drain(q, _):
        pltpu.make_async_copy(
            edge_hbm.at[which, pl.ds(base, CHUNK)], idx_v.at[0], sem
        ).wait()
        return 0

    lax.fori_loop(0, full, drain, 0)
    if rem:
        pltpu.make_async_copy(
            edge_hbm.at[which, pl.ds(base, rem)], mini_v.at[0], sem
        ).wait()


def _make_hist_kernel(n, nr, ept):
    rt = nr // NS
    full = ept // CHUNK
    rem = ept - full * CHUNK
    zrows = rt // 4

    @functools.partial(
        pl.kernel,
        out_type=(
            jax.ShapeDtypeStruct((NC, nr, LANES), jnp.float32),
            jax.ShapeDtypeStruct((NC, nr, LANES), jnp.float32),
        ),
        mesh=_sc_mesh(),
        compiler_params=_SC_PARAMS,
        scratch_types=[
            pltpu.VMEM((full, CHUNK), jnp.int32),
            pltpu.VMEM((full, CHUNK), jnp.int32),
            pltpu.VMEM((1, LANES), jnp.int32),
            pltpu.VMEM((1, LANES), jnp.int32),
            pltpu.VMEM((CHUNK, LANES), jnp.float32),
            pltpu.VMEM((zrows, LANES), jnp.float32),
            pltpu.VMEM_SHARED((nr, LANES), jnp.float32),
            pltpu.VMEM_SHARED((nr, LANES), jnp.float32),
            pltpu.SemaphoreType.DMA,
            pltpu.SemaphoreType.DMA,
            pltpu.SemaphoreType.DMA,
        ],
    )
    def hist_kernel(edge_hbm, out0_hbm, out1_hbm,
                    src_v, dst_v, sx_v, dx_v, ones_v, zero_v,
                    h0_sh, h1_sh, lsem, semS, semD):
        c = lax.axis_index("c")
        s = lax.axis_index("s")
        wid = c * NS + s
        base = wid * ept
        tbase = s * rt

        _fill_f32(ones_v, CHUNK, 1.0)
        _fill_f32(zero_v, zrows, 0.0)
        _zero_spmem(zero_v, zrows, h0_sh, tbase, rt)
        _zero_spmem(zero_v, zrows, h1_sh, tbase, rt)
        _load_edges(edge_hbm, 0, base, full, rem, src_v, sx_v, lsem)
        _load_edges(edge_hbm, 1, base, full, rem, dst_v, dx_v, lsem)
        if rem:
            v = jnp.full((LANES,), n, jnp.int32)
            lanes = lax.broadcasted_iota(jnp.int32, (LANES,), 0)
            sx_v[0] = jnp.where(lanes < rem, sx_v[0], v)
            dx_v[0] = jnp.where(lanes < rem, dx_v[0], v)
        plsc.subcore_barrier()

        def chunk(j, _):
            pltpu.async_copy(ones_v, h0_sh.at[src_v.at[j]], semS, add=True)
            pltpu.async_copy(ones_v, h1_sh.at[dst_v.at[j]], semD, add=True)
            return 0

        lax.fori_loop(0, full, chunk, 0)
        if rem:
            pltpu.async_copy(
                ones_v.at[pl.ds(0, LANES)], h0_sh.at[sx_v.at[0]], semS, add=True
            )
            pltpu.async_copy(
                ones_v.at[pl.ds(0, LANES)], h1_sh.at[dx_v.at[0]], semD, add=True
            )

        def drain(j, _):
            pltpu.make_async_copy(ones_v, h0_sh.at[src_v.at[0]], semS).wait()
            pltpu.make_async_copy(ones_v, h1_sh.at[dst_v.at[0]], semD).wait()
            return 0

        lax.fori_loop(0, full, drain, 0)
        if rem:
            pltpu.make_async_copy(
                ones_v.at[pl.ds(0, LANES)], h0_sh.at[sx_v.at[0]], semS
            ).wait()
            pltpu.make_async_copy(
                ones_v.at[pl.ds(0, LANES)], h1_sh.at[dx_v.at[0]], semD
            ).wait()
        plsc.subcore_barrier()

        pltpu.sync_copy(h0_sh.at[pl.ds(tbase, rt)], out0_hbm.at[c, pl.ds(tbase, rt)])
        pltpu.sync_copy(h1_sh.at[pl.ds(tbase, rt)], out1_hbm.at[c, pl.ds(tbase, rt)])

    return hist_kernel


def _make_scatter_kernel(n, nr, ept):
    rt = nr // NS
    full = ept // CHUNK
    rem = ept - full * CHUNK
    full_s = ((full + SUP - 1) // SUP) * SUP
    nsup = full_s // SUP
    zrows = rt // 4

    @functools.partial(
        pl.kernel,
        out_type=jax.ShapeDtypeStruct((NC, nr, LANES), jnp.float32),
        mesh=_sc_mesh(),
        compiler_params=_SC_PARAMS,
        scratch_types=[
            pltpu.VMEM((full_s, CHUNK), jnp.int32),
            pltpu.VMEM((full_s, CHUNK), jnp.int32),
            pltpu.VMEM((1, LANES), jnp.int32),
            pltpu.VMEM((1, LANES), jnp.int32),
            [pltpu.VMEM((SUP * CHUNK, LANES), jnp.float32) for _ in range(2)],
            pltpu.VMEM((LANES, LANES), jnp.float32),
            pltpu.VMEM((zrows, LANES), jnp.float32),
            pltpu.VMEM_SHARED((nr, LANES), jnp.float32),
            pltpu.SemaphoreType.DMA,
            [pltpu.SemaphoreType.DMA for _ in range(2)],
            [pltpu.SemaphoreType.DMA for _ in range(2)],
        ],
    )
    def scatter_kernel(h_hbm, edge_hbm, out_hbm,
                       src_v, dst_v, sx_v, dx_v, bufs, rmini_v, zero_v,
                       agg_sh, lsem, gsems, ssems):
        c = lax.axis_index("c")
        s = lax.axis_index("s")
        wid = c * NS + s
        base = wid * ept
        tbase = s * rt

        _fill_f32(zero_v, zrows, 0.0)
        for r in range(full, full_s):
            _set_idx_row(src_v, r, 0)
            _set_idx_row(dst_v, r, n)
        _zero_spmem(zero_v, zrows, agg_sh, tbase, rt)
        _load_edges(edge_hbm, 0, base, full, rem, src_v, sx_v, lsem)
        _load_edges(edge_hbm, 1, base, full, rem, dst_v, dx_v, lsem)
        if rem:
            v0 = jnp.zeros((LANES,), jnp.int32)
            vn = jnp.full((LANES,), n, jnp.int32)
            lanes = lax.broadcasted_iota(jnp.int32, (LANES,), 0)
            sx_v[0] = jnp.where(lanes < rem, sx_v[0], v0)
            dx_v[0] = jnp.where(lanes < rem, dx_v[0], vn)
        plsc.subcore_barrier()

        def gathers(t, buf, gsem):
            def g(k, _):
                pltpu.async_copy(
                    h_hbm.at[src_v.at[t * SUP + k]],
                    buf.at[pl.ds(k * CHUNK, CHUNK)], gsem,
                )
                return 0
            lax.fori_loop(0, SUP, g, 0)

        def process(t, buf, gsem, ssem):
            def sc(k, _):
                pltpu.make_async_copy(
                    h_hbm.at[src_v.at[0]], buf.at[pl.ds(0, CHUNK)], gsem
                ).wait()
                pltpu.async_copy(
                    buf.at[pl.ds(k * CHUNK, CHUNK)],
                    agg_sh.at[dst_v.at[t * SUP + k]], ssem, add=True,
                )
                return 0
            lax.fori_loop(0, SUP, sc, 0)

        def drain_scatters(buf, ssem):
            def d(k, _):
                pltpu.make_async_copy(
                    buf.at[pl.ds(0, CHUNK)], agg_sh.at[dst_v.at[0]], ssem
                ).wait()
                return 0
            lax.fori_loop(0, SUP, d, 0)

        gathers(0, bufs[0], gsems[0])
        for t in range(nsup):
            p = t % 2
            o = 1 - p
            if t + 1 < nsup:
                if t >= 1:
                    drain_scatters(bufs[o], ssems[o])
                gathers(t + 1, bufs[o], gsems[o])
            process(t, bufs[p], gsems[p], ssems[p])
        drain_scatters(bufs[(nsup - 1) % 2], ssems[(nsup - 1) % 2])
        if nsup >= 2:
            drain_scatters(bufs[nsup % 2], ssems[nsup % 2])

        if rem:
            pltpu.sync_copy(h_hbm.at[sx_v.at[0]], rmini_v)
            pltpu.sync_copy(rmini_v, agg_sh.at[dx_v.at[0]], add=True)

        plsc.subcore_barrier()
        pltpu.sync_copy(agg_sh.at[pl.ds(tbase, rt)], out_hbm.at[c, pl.ds(tbase, rt)])

    return scatter_kernel


def _matmul_body(x_ref, w_ref, o_ref):
    o_ref[...] = jnp.dot(x_ref[...], w_ref[...],
                         preferred_element_type=jnp.float32)


def _scale_body(np8, deg_ref, h_ref, o_ref):
    d = deg_ref[0] + deg_ref[1]
    d = lax.slice(d, (0, 0), (np8, G))
    norm = lax.rsqrt(jnp.maximum(d, 1.0))
    o_ref[...] = h_ref[...] * norm


def _readout_body(n_valid, np8, agg_ref, deg_ref, ids_ref, b_ref, o_ref):
    a = agg_ref[0] + agg_ref[1]
    d = deg_ref[0] + deg_ref[1]
    norm = lax.rsqrt(jnp.maximum(d, 1.0))
    lane = lax.broadcasted_iota(jnp.int32, (np8, G), 1)
    prow = lax.broadcasted_iota(jnp.int32, (np8, G), 0)
    node = prow * 8 + lane // LANES
    hn = a * norm + b_ref[...]
    hn = hn + jnp.where(lane % LANES == 10, 1.0, 0.0)
    hn = jnp.where(node < n_valid, hn, 0.0)
    gids = lax.broadcasted_iota(jnp.int32, (np8, G), 1)
    acc = jnp.zeros((G, LANES), jnp.float32)
    for a8 in range(8):
        hn_a = lax.slice(hn, (0, a8 * LANES), (np8, (a8 + 1) * LANES))
        ids_a = ids_ref[a8]
        oh = jnp.where(ids_a[:, None] == gids, 1.0, 0.0)
        acc = acc + lax.dot_general(
            oh, hn_a, dimension_numbers=(((0,), (0,)), ((), ())),
            preferred_element_type=jnp.float32,
        )
    glane = lax.broadcasted_iota(jnp.int32, (G, LANES), 1)
    cnt = jnp.sum(jnp.where(glane == 10, acc, 0.0), axis=1, keepdims=True)
    o_ref[...] = acc / jnp.maximum(cnt, 1.0)


def kernel(in_feat, edge_index, node_graph_ids, W, b):
    n, d_in = in_feat.shape
    e = edge_index.shape[1]
    c_out = W.shape[1]

    nr = ((n + 1 + 127) // 128) * 128
    ept = e // NW
    np8 = n // 8
    nr8 = nr // 8

    w_pad = jnp.pad(W, ((0, 0), (0, LANES - c_out)))
    w_big = (jnp.eye(8, dtype=jnp.float32)[:, None, :, None]
             * w_pad[None, :, None, :]).reshape(8 * d_in, G)
    b_tile = jnp.tile(jnp.pad(b, (0, LANES - c_out)), 8).reshape(1, G)
    ids_pad = jnp.pad(node_graph_ids, (0, nr - n))
    ids_strided = ids_pad.reshape(nr8, 8).T

    deg_out, deg_in = _make_hist_kernel(n, nr, ept)(edge_index)
    deg_out_p = deg_out.reshape(NC, nr8, G)
    deg_in_p = deg_in.reshape(NC, nr8, G)

    x_packed = in_feat.reshape(np8, 8 * d_in)
    h_packed = pl.pallas_call(
        _matmul_body,
        grid=(1,),
        in_specs=[
            pl.BlockSpec((np8, 8 * d_in), lambda i: (0, 0)),
            pl.BlockSpec((8 * d_in, G), lambda i: (0, 0)),
        ],
        out_specs=pl.BlockSpec((np8, G), lambda i: (0, 0)),
        out_shape=jax.ShapeDtypeStruct((np8, G), jnp.float32),
    )(x_packed, w_big)

    h_scaled = pl.pallas_call(
        functools.partial(_scale_body, np8),
        grid=(1,),
        in_specs=[
            pl.BlockSpec((NC, nr8, G), lambda i: (0, 0, 0)),
            pl.BlockSpec((np8, G), lambda i: (0, 0)),
        ],
        out_specs=pl.BlockSpec((np8, G), lambda i: (0, 0)),
        out_shape=jax.ShapeDtypeStruct((np8, G), jnp.float32),
    )(deg_out_p, h_packed)

    agg = _make_scatter_kernel(n, nr, ept)(
        h_scaled.reshape(n, LANES), edge_index
    )
    agg_p = agg.reshape(NC, nr8, G)

    out16 = pl.pallas_call(
        functools.partial(_readout_body, n, nr8),
        grid=(1,),
        in_specs=[
            pl.BlockSpec((NC, nr8, G), lambda i: (0, 0, 0)),
            pl.BlockSpec((NC, nr8, G), lambda i: (0, 0, 0)),
            pl.BlockSpec((8, nr8), lambda i: (0, 0)),
            pl.BlockSpec((1, G), lambda i: (0, 0)),
        ],
        out_specs=pl.BlockSpec((G, LANES), lambda i: (0, 0)),
        out_shape=jax.ShapeDtypeStruct((G, LANES), jnp.float32),
    )(agg_p, deg_in_p, ids_strided, b_tile)

    return out16[:, :c_out]

# --- scband reference (transcript-rebuilt; emitter-appended) ---
"""Pipeline reference for scband-graph-classification-head-38792144618154 (READ-ONLY COPY).

The authoritative reference and input builder live on the scoring server;
editing this copy changes nothing except your own understanding.
"""

import jax, jax.numpy as jnp
import numpy as np

N = 10000
E = 320000
D = 128
C = 10
G = 128


def setup_inputs(seed: int = 0) -> dict:
    key = jax.random.key(seed)
    k1, k2, k3, k4, k5 = jax.random.split(key, 5)
    in_feat = jax.random.normal(k1, (N, D), dtype=jnp.float32)
    edge_index = jax.random.randint(k2, (2, E), 0, N, dtype=jnp.int32)
    node_graph_ids = jnp.sort(jax.random.randint(k3, (N,), 0, G, dtype=jnp.int32))
    # GraphConv params (glorot-style init)
    W = jax.random.normal(k4, (D, C), dtype=jnp.float32) * (1.0 / np.sqrt(D))
    b = jnp.zeros((C,), dtype=jnp.float32)
    return {"in_feat": in_feat, "edge_index": edge_index, "node_graph_ids": node_graph_ids, "W": W, "b": b}


def reference(in_feat, edge_index, node_graph_ids, W, b):
    # DGL GraphConv with norm='both': out = D_dst^{-1/2} * A @ (D_src^{-1/2} * X) W + b
    src = edge_index[0]
    dst = edge_index[1]
    deg_out = jnp.bincount(src, length=N).astype(in_feat.dtype)
    deg_in = jnp.bincount(dst, length=N).astype(in_feat.dtype)
    norm_src = jnp.clip(deg_out, 1.0) ** -0.5
    norm_dst = jnp.clip(deg_in, 1.0) ** -0.5
    h = in_feat * norm_src[:, None]
    # in_feats (128) > out_feats (10): weight applied before aggregation (DGL behavior)
    h = h @ W
    msg = jnp.take(h, src, axis=0)
    agg = jnp.zeros((N, C), dtype=h.dtype).at[dst].add(msg)
    h = agg * norm_dst[:, None] + b
    # dgl.mean_nodes over batched graph: per-graph mean of node features
    sums = jax.ops.segment_sum(h, node_graph_ids, num_segments=G)
    cnts = jax.ops.segment_sum(jnp.ones((N,), dtype=h.dtype), node_graph_ids, num_segments=G)
    cnts = jnp.clip(cnts, 1.0)
    return sums / cnts[:, None]

if __name__ == "__main__":
    import jax
    _d = setup_inputs()
    print(jax.jit(kernel)(*tuple(_d.values())))

</pallas_src>

<mosaic_0001>
#map = affine_map<(d0, d1) -> (0, 0)>
#map1 = affine_map<(d0, d1) -> (0, 0, 0)>
module attributes {stable_mosaic.version = 14 : i64} {
  func.func @hist_kernel(%arg0: i32, %arg1: i32, %arg2: memref<2x320000xi32, #tpu.memory_space<hbm>>, %arg3: memref<2x10112x16xf32, #tpu.memory_space<hbm>>, %arg4: memref<2x10112x16xf32, #tpu.memory_space<hbm>>, %arg5: memref<78x128xi32, #tpu.memory_space<vmem>>, %arg6: memref<78x128xi32, #tpu.memory_space<vmem>>, %arg7: memref<1x16xi32, #tpu.memory_space<vmem>>, %arg8: memref<1x16xi32, #tpu.memory_space<vmem>>, %arg9: memref<128x16xf32, #tpu.memory_space<vmem>>, %arg10: memref<158x16xf32, #tpu.memory_space<vmem>>, %arg11: memref<10112x16xf32, #tpu.memory_space<vmem_shared>>, %arg12: memref<10112x16xf32, #tpu.memory_space<vmem_shared>>, %arg13: memref<!tpu.dma_semaphore, #tpu.memory_space<semaphore_mem>>, %arg14: memref<!tpu.dma_semaphore, #tpu.memory_space<semaphore_mem>>, %arg15: memref<!tpu.dma_semaphore, #tpu.memory_space<semaphore_mem>>) attributes {dimension_semantics = [#tpu.dimension_semantics<core_parallel>, #tpu.dimension_semantics<subcore_parallel>], iteration_bounds = array<i64: 2, 16>, scalar_prefetch = 0 : i64, scratch_operands = 11 : i64, tpu.core_type = #tpu.core_type<sc_vector_subcore>, window_params = [{transform_indices = #map}, {transform_indices = #map1}, {transform_indices = #map1}]} {
    %mul3A = arith.constant 16 : i32
    %mul3A_0 = arith.muli %arg0, %mul3A : i32
    %add3A = arith.addi %mul3A_0, %arg1 : i32
    %mul3A_1 = arith.constant 10000 : i32
    %mul3A_2 = arith.muli %add3A, %mul3A_1 : i32
    %mul3A_3 = arith.constant 632 : i32
    %mul3A_4 = arith.muli %arg1, %mul3A_3 : i32
    %scan3A = arith.constant 0 : i32
    %scan3A_5 = arith.constant 0 : i32
    %scan3A_6 = arith.constant 128 : i32
    %scan3A_7 = arith.addi %scan3A_5, %scan3A_6 : i32
    %scan3A_8 = arith.constant 1 : i32
    %scan3A_9 = scf.for %scan3A_194 = %scan3A_5 to %scan3A_7 step %scan3A_8 iter_args(%scan3A_195 = %scan3A) -> (i32)  : i32 {
      %broadcast_in_dim3A_196 = arith.constant 1.000000e+00 : f32
      %broadcast_in_dim3A_197 = vector.broadcast %broadcast_in_dim3A_196 : f32 to vector<16xf32>
      %swap3A_198 = arith.index_cast %scan3A_194 : i32 to index
      %swap3A_199 = arith.constant 0 : index
      %swap3A_200 = tpu.vector_load %arg9[%swap3A_198, %swap3A_199] {strides = array<i32>} : memref<128x16xf32, #tpu.memory_space<vmem>>, vector<1x16xf32>,
      %swap3A_201 = vector.shape_cast %swap3A_200 : vector<1x16xf32> to vector<16xf32>
      %swap3A_202 = vector.shape_cast %broadcast_in_dim3A_197 : vector<16xf32> to vector<1x16xf32>
      tpu.vector_store %arg9[%swap3A_198, %swap3A_199], %swap3A_202 {strides = array<i32>} : memref<128x16xf32, #tpu.memory_space<vmem>>, vector<1x16xf32>,
      %scan3A_203 = arith.constant 0 : i32
      scf.yield %scan3A_203 : i32
    }
    %scan3A_10 = arith.constant 128 : i32
    %scan3A_11 = arith.constant 0 : i32
    %scan3A_12 = arith.constant 0 : i32
    %scan3A_13 = arith.constant 158 : i32
    %scan3A_14 = arith.addi %scan3A_12, %scan3A_13 : i32
    %scan3A_15 = arith.constant 1 : i32
    %scan3A_16 = scf.for %scan3A_194 = %scan3A_12 to %scan3A_14 step %scan3A_15 iter_args(%scan3A_195 = %scan3A_11) -> (i32)  : i32 {
      %broadcast_in_dim3A_196 = arith.constant 0.000000e+00 : f32
      %broadcast_in_dim3A_197 = vector.broadcast %broadcast_in_dim3A_196 : f32 to vector<16xf32>
      %swap3A_198 = arith.index_cast %scan3A_194 : i32 to index
      %swap3A_199 = arith.constant 0 : index
      %swap3A_200 = tpu.vector_load %arg10[%swap3A_198, %swap3A_199] {strides = array<i32>} : memref<158x16xf32, #tpu.memory_space<vmem>>, vector<1x16xf32>,
      %swap3A_201 = vector.shape_cast %swap3A_200 : vector<1x16xf32> to vector<16xf32>
      %swap3A_202 = vector.shape_cast %broadcast_in_dim3A_197 : vector<16xf32> to vector<1x16xf32>
      tpu.vector_store %arg10[%swap3A_198, %swap3A_199], %swap3A_202 {strides = array<i32>} : memref<158x16xf32, #tpu.memory_space<vmem>>, vector<1x16xf32>,
      %scan3A_203 = arith.constant 0 : i32
      scf.yield %scan3A_203 : i32
    }
    %scan3A_17 = arith.constant 158 : i32
    %add3A_18 = arith.constant 0 : i32
    %add3A_19 = arith.addi %mul3A_4, %add3A_18 : i32
    "tpu.region"() ({
      %run_scoped3A = tpu.sem_alloc : memref<!tpu.dma_semaphore, #tpu.memory_space<semaphore_mem>>
      %dma_start3A_194 = arith.constant 0 : i32
      %dma_start3A_195 = tpu.memref_slice %arg11[%add3A_19, %dma_start3A_194] : memref<10112x16xf32, #tpu.memory_space<vmem_shared>> -> memref<158x16xf32, #tpu.memory_space<vmem_shared>>
      %dma_start3A_196 = arith.constant 0 : i32
      %dma_start3A_197 = tpu.memref_slice %arg11[%add3A_19, %dma_start3A_196] : memref<10112x16xf32, #tpu.memory_space<vmem_shared>> -> memref<158x16xf32, #tpu.memory_space<vmem_shared>>
      tpu.enqueue_dma source(%arg10 : memref<158x16xf32, #tpu.memory_space<vmem>>) target(%dma_start3A_197 : memref<158x16xf32, #tpu.memory_space<vmem_shared>>) target_semaphore(%run_scoped3A : memref<!tpu.dma_semaphore, #tpu.memory_space<semaphore_mem>>)
      %dma_wait3A_198 = arith.constant 0 : i32
      %dma_wait3A_199 = tpu.memref_slice %arg11[%add3A_19, %dma_wait3A_198] : memref<10112x16xf32, #tpu.memory_space<vmem_shared>> -> memref<158x16xf32, #tpu.memory_space<vmem_shared>>
      %dma_wait3A_200 = arith.constant 0 : i32
      %dma_wait3A_201 = tpu.memref_slice %arg11[%add3A_19, %dma_wait3A_200] : memref<10112x16xf32, #tpu.memory_space<vmem_shared>> -> memref<158x16xf32, #tpu.memory_space<vmem_shared>>
      tpu.wait_dma2 semaphore(%run_scoped3A : memref<!tpu.dma_semaphore, #tpu.memory_space<semaphore_mem>>) src(%arg10 : memref<158x16xf32, #tpu.memory_space<vmem>>) dst(%dma_wait3A_201 : memref<158x16xf32, #tpu.memory_space<vmem_shared>>)
      tpu.yield
    }) : () -> ()
    %add3A_20 = arith.constant 158 : i32
    %add3A_21 = arith.addi %mul3A_4, %add3A_20 : i32
    "tpu.region"() ({
      %run_scoped3A = tpu.sem_alloc : memref<!tpu.dma_semaphore, #tpu.memory_space<semaphore_mem>>
      %dma_start3A_194 = arith.constant 0 : i32
      %dma_start3A_195 = tpu.memref_slice %arg11[%add3A_21, %dma_start3A_194] : memref<10112x16xf32, #tpu.memory_space<vmem_shared>> -> memref<158x16xf32, #tpu.memory_space<vmem_shared>>
      %dma_start3A_196 = arith.constant 0 : i32
      %dma_start3A_197 = tpu.memref_slice %arg11[%add3A_21, %dma_start3A_196] : memref<10112x16xf32, #tpu.memory_space<vmem_shared>> -> memref<158x16xf32, #tpu.memory_space<vmem_shared>>
      tpu.enqueue_dma source(%arg10 : memref<158x16xf32, #tpu.memory_space<vmem>>) target(%dma_start3A_197 : memref<158x16xf32, #tpu.memory_space<vmem_shared>>) target_semaphore(%run_scoped3A : memref<!tpu.dma_semaphore, #tpu.memory_space<semaphore_mem>>)
      %dma_wait3A_198 = arith.constant 0 : i32
      %dma_wait3A_199 = tpu.memref_slice %arg11[%add3A_21, %dma_wait3A_198] : memref<10112x16xf32, #tpu.memory_space<vmem_shared>> -> memref<158x16xf32, #tpu.memory_space<vmem_shared>>
      %dma_wait3A_200 = arith.constant 0 : i32
      %dma_wait3A_201 = tpu.memref_slice %arg11[%add3A_21, %dma_wait3A_200] : memref<10112x16xf32, #tpu.memory_space<vmem_shared>> -> memref<158x16xf32, #tpu.memory_space<vmem_shared>>
      tpu.wait_dma2 semaphore(%run_scoped3A : memref<!tpu.dma_semaphore, #tpu.memory_space<semaphore_mem>>) src(%arg10 : memref<158x16xf32, #tpu.memory_space<vmem>>) dst(%dma_wait3A_201 : memref<158x16xf32, #tpu.memory_space<vmem_shared>>)
      tpu.yield
    }) : () -> ()
    %add3A_22 = arith.constant 316 : i32
    %add3A_23 = arith.addi %mul3A_4, %add3A_22 : i32
    "tpu.region"() ({
      %run_scoped3A = tpu.sem_alloc : memref<!tpu.dma_semaphore, #tpu.memory_space<semaphore_mem>>
      %dma_start3A_194 = arith.constant 0 : i32
      %dma_start3A_195 = tpu.memref_slice %arg11[%add3A_23, %dma_start3A_194] : memref<10112x16xf32, #tpu.memory_space<vmem_shared>> -> memref<158x16xf32, #tpu.memory_space<vmem_shared>>
      %dma_start3A_196 = arith.constant 0 : i32
      %dma_start3A_197 = tpu.memref_slice %arg11[%add3A_23, %dma_start3A_196] : memref<10112x16xf32, #tpu.memory_space<vmem_shared>> -> memref<158x16xf32, #tpu.memory_space<vmem_shared>>
      tpu.enqueue_dma source(%arg10 : memref<158x16xf32, #tpu.memory_space<vmem>>) target(%dma_start3A_197 : memref<158x16xf32, #tpu.memory_space<vmem_shared>>) target_semaphore(%run_scoped3A : memref<!tpu.dma_semaphore, #tpu.memory_space<semaphore_mem>>)
      %dma_wait3A_198 = arith.constant 0 : i32
      %dma_wait3A_199 = tpu.memref_slice %arg11[%add3A_23, %dma_wait3A_198] : memref<10112x16xf32, #tpu.memory_space<vmem_shared>> -> memref<158x16xf32, #tpu.memory_space<vmem_shared>>
      %dma_wait3A_200 = arith.constant 0 : i32
      %dma_wait3A_201 = tpu.memref_slice %arg11[%add3A_23, %dma_wait3A_200] : memref<10112x16xf32, #tpu.memory_space<vmem_shared>> -> memref<158x16xf32, #tpu.memory_space<vmem_shared>>
      tpu.wait_dma2 semaphore(%run_scoped3A : memref<!tpu.dma_semaphore, #tpu.memory_space<semaphore_mem>>) src(%arg10 : memref<158x16xf32, #tpu.memory_space<vmem>>) dst(%dma_wait3A_201 : memref<158x16xf32, #tpu.memory_space<vmem_shared>>)
      tpu.yield
    }) : () -> ()
    %add3A_24 = arith.constant 474 : i32
    %add3A_25 = arith.addi %mul3A_4, %add3A_24 : i32
    "tpu.region"() ({
      %run_scoped3A = tpu.sem_alloc : memref<!tpu.dma_semaphore, #tpu.memory_space<semaphore_mem>>
      %dma_start3A_194 = arith.constant 0 : i32
      %dma_start3A_195 = tpu.memref_slice %arg11[%add3A_25, %dma_start3A_194] : memref<10112x16xf32, #tpu.memory_space<vmem_shared>> -> memref<158x16xf32, #tpu.memory_space<vmem_shared>>
      %dma_start3A_196 = arith.constant 0 : i32
      %dma_start3A_197 = tpu.memref_slice %arg11[%add3A_25, %dma_start3A_196] : memref<10112x16xf32, #tpu.memory_space<vmem_shared>> -> memref<158x16xf32, #tpu.memory_space<vmem_shared>>
      tpu.enqueue_dma source(%arg10 : memref<158x16xf32, #tpu.memory_space<vmem>>) target(%dma_start3A_197 : memref<158x16xf32, #tpu.memory_space<vmem_shared>>) target_semaphore(%run_scoped3A : memref<!tpu.dma_semaphore, #tpu.memory_space<semaphore_mem>>)
      %dma_wait3A_198 = arith.constant 0 : i32
      %dma_wait3A_199 = tpu.memref_slice %arg11[%add3A_25, %dma_wait3A_198] : memref<10112x16xf32, #tpu.memory_space<vmem_shared>> -> memref<158x16xf32, #tpu.memory_space<vmem_shared>>
      %dma_wait3A_200 = arith.constant 0 : i32
      %dma_wait3A_201 = tpu.memref_slice %arg11[%add3A_25, %dma_wait3A_200] : memref<10112x16xf32, #tpu.memory_space<vmem_shared>> -> memref<158x16xf32, #tpu.memory_space<vmem_shared>>
      tpu.wait_dma2 semaphore(%run_scoped3A : memref<!tpu.dma_semaphore, #tpu.memory_space<semaphore_mem>>) src(%arg10 : memref<158x16xf32, #tpu.memory_space<vmem>>) dst(%dma_wait3A_201 : memref<158x16xf32, #tpu.memory_space<vmem_shared>>)
      tpu.yield
    }) : () -> ()
    %add3A_26 = arith.constant 0 : i32
    %add3A_27 = arith.addi %mul3A_4, %add3A_26 : i32
    "tpu.region"() ({
      %run_scoped3A = tpu.sem_alloc : memref<!tpu.dma_semaphore, #tpu.memory_space<semaphore_mem>>
      %dma_start3A_194 = arith.constant 0 : i32
      %dma_start3A_195 = tpu.memref_slice %arg12[%add3A_27, %dma_start3A_194] : memref<10112x16xf32, #tpu.memory_space<vmem_shared>> -> memref<158x16xf32, #tpu.memory_space<vmem_shared>>
      %dma_start3A_196 = arith.constant 0 : i32
      %dma_start3A_197 = tpu.memref_slice %arg12[%add3A_27, %dma_start3A_196] : memref<10112x16xf32, #tpu.memory_space<vmem_shared>> -> memref<158x16xf32, #tpu.memory_space<vmem_shared>>
      tpu.enqueue_dma source(%arg10 : memref<158x16xf32, #tpu.memory_space<vmem>>) target(%dma_start3A_197 : memref<158x16xf32, #tpu.memory_space<vmem_shared>>) target_semaphore(%run_scoped3A : memref<!tpu.dma_semaphore, #tpu.memory_space<semaphore_mem>>)
      %dma_wait3A_198 = arith.constant 0 : i32
      %dma_wait3A_199 = tpu.memref_slice %arg12[%add3A_27, %dma_wait3A_198] : memref<10112x16xf32, #tpu.memory_space<vmem_shared>> -> memref<158x16xf32, #tpu.memory_space<vmem_shared>>
      %dma_wait3A_200 = arith.constant 0 : i32
      %dma_wait3A_201 = tpu.memref_slice %arg12[%add3A_27, %dma_wait3A_200] : memref<10112x16xf32, #tpu.memory_space<vmem_shared>> -> memref<158x16xf32, #tpu.memory_space<vmem_shared>>
      tpu.wait_dma2 semaphore(%run_scoped3A : memref<!tpu.dma_semaphore, #tpu.memory_space<semaphore_mem>>) src(%arg10 : memref<158x16xf32, #tpu.memory_space<vmem>>) dst(%dma_wait3A_201 : memref<158x16xf32, #tpu.memory_space<vmem_shared>>)
      tpu.yield
    }) : () -> ()
    %add3A_28 = arith.constant 158 : i32
    %add3A_29 = arith.addi %mul3A_4, %add3A_28 : i32
    "tpu.region"() ({
      %run_scoped3A = tpu.sem_alloc : memref<!tpu.dma_semaphore, #tpu.memory_space<semaphore_mem>>
      %dma_start3A_194 = arith.constant 0 : i32
      %dma_start3A_195 = tpu.memref_slice %arg12[%add3A_29, %dma_start3A_194] : memref<10112x16xf32, #tpu.memory_space<vmem_shared>> -> memref<158x16xf32, #tpu.memory_space<vmem_shared>>
      %dma_start3A_196 = arith.constant 0 : i32
      %dma_start3A_197 = tpu.memref_slice %arg12[%add3A_29, %dma_start3A_196] : memref<10112x16xf32, #tpu.memory_space<vmem_shared>> -> memref<158x16xf32, #tpu.memory_space<vmem_shared>>
      tpu.enqueue_dma source(%arg10 : memref<158x16xf32, #tpu.memory_space<vmem>>) target(%dma_start3A_197 : memref<158x16xf32, #tpu.memory_space<vmem_shared>>) target_semaphore(%run_scoped3A : memref<!tpu.dma_semaphore, #tpu.memory_space<semaphore_mem>>)
      %dma_wait3A_198 = arith.constant 0 : i32
      %dma_wait3A_199 = tpu.memref_slice %arg12[%add3A_29, %dma_wait3A_198] : memref<10112x16xf32, #tpu.memory_space<vmem_shared>> -> memref<158x16xf32, #tpu.memory_space<vmem_shared>>
      %dma_wait3A_200 = arith.constant 0 : i32
      %dma_wait3A_201 = tpu.memref_slice %arg12[%add3A_29, %dma_wait3A_200] : memref<10112x16xf32, #tpu.memory_space<vmem_shared>> -> memref<158x16xf32, #tpu.memory_space<vmem_shared>>
      tpu.wait_dma2 semaphore(%run_scoped3A : memref<!tpu.dma_semaphore, #tpu.memory_space<semaphore_mem>>) src(%arg10 : memref<158x16xf32, #tpu.memory_space<vmem>>) dst(%dma_wait3A_201 : memref<158x16xf32, #tpu.memory_space<vmem_shared>>)
      tpu.yield
    }) : () -> ()
    %add3A_30 = arith.constant 316 : i32
    %add3A_31 = arith.addi %mul3A_4, %add3A_30 : i32
    "tpu.region"() ({
      %run_scoped3A = tpu.sem_alloc : memref<!tpu.dma_semaphore, #tpu.memory_space<semaphore_mem>>
      %dma_start3A_194 = arith.constant 0 : i32
      %dma_start3A_195 = tpu.memref_slice %arg12[%add3A_31, %dma_start3A_194] : memref<10112x16xf32, #tpu.memory_space<vmem_shared>> -> memref<158x16xf32, #tpu.memory_space<vmem_shared>>
      %dma_start3A_196 = arith.constant 0 : i32
      %dma_start3A_197 = tpu.memref_slice %arg12[%add3A_31, %dma_start3A_196] : memref<10112x16xf32, #tpu.memory_space<vmem_shared>> -> memref<158x16xf32, #tpu.memory_space<vmem_shared>>
      tpu.enqueue_dma source(%arg10 : memref<158x16xf32, #tpu.memory_space<vmem>>) target(%dma_start3A_197 : memref<158x16xf32, #tpu.memory_space<vmem_shared>>) target_semaphore(%run_scoped3A : memref<!tpu.dma_semaphore, #tpu.memory_space<semaphore_mem>>)
      %dma_wait3A_198 = arith.constant 0 : i32
      %dma_wait3A_199 = tpu.memref_slice %arg12[%add3A_31, %dma_wait3A_198] : memref<10112x16xf32, #tpu.memory_space<vmem_shared>> -> memref<158x16xf32, #tpu.memory_space<vmem_shared>>
      %dma_wait3A_200 = arith.constant 0 : i32
      %dma_wait3A_201 = tpu.memref_slice %arg12[%add3A_31, %dma_wait3A_200] : memref<10112x16xf32, #tpu.memory_space<vmem_shared>> -> memref<158x16xf32, #tpu.memory_space<vmem_shared>>
      tpu.wait_dma2 semaphore(%run_scoped3A : memref<!tpu.dma_semaphore, #tpu.memory_space<semaphore_mem>>) src(%arg10 : memref<158x16xf32, #tpu.memory_space<vmem>>) dst(%dma_wait3A_201 : memref<158x16xf32, #tpu.memory_space<vmem_shared>>)
      tpu.yield
    }) : () -> ()
    %add3A_32 = arith.constant 474 : i32
    %add3A_33 = arith.addi %mul3A_4, %add3A_32 : i32
    "tpu.region"() ({
      %run_scoped3A = tpu.sem_alloc : memref<!tpu.dma_semaphore, #tpu.memory_space<semaphore_mem>>
      %dma_start3A_194 = arith.constant 0 : i32
      %dma_start3A_195 = tpu.memref_slice %arg12[%add3A_33, %dma_start3A_194] : memref<10112x16xf32, #tpu.memory_space<vmem_shared>> -> memref<158x16xf32, #tpu.memory_space<vmem_shared>>
      %dma_start3A_196 = arith.constant 0 : i32
      %dma_start3A_197 = tpu.memref_slice %arg12[%add3A_33, %dma_start3A_196] : memref<10112x16xf32, #tpu.memory_space<vmem_shared>> -> memref<158x16xf32, #tpu.memory_space<vmem_shared>>
      tpu.enqueue_dma source(%arg10 : memref<158x16xf32, #tpu.memory_space<vmem>>) target(%dma_start3A_197 : memref<158x16xf32, #tpu.memory_space<vmem_shared>>) target_semaphore(%run_scoped3A : memref<!tpu.dma_semaphore, #tpu.memory_space<semaphore_mem>>)
      %dma_wait3A_198 = arith.constant 0 : i32
      %dma_wait3A_199 = tpu.memref_slice %arg12[%add3A_33, %dma_wait3A_198] : memref<10112x16xf32, #tpu.memory_space<vmem_shared>> -> memref<158x16xf32, #tpu.memory_space<vmem_shared>>
      %dma_wait3A_200 = arith.constant 0 : i32
      %dma_wait3A_201 = tpu.memref_slice %arg12[%add3A_33, %dma_wait3A_200] : memref<10112x16xf32, #tpu.memory_space<vmem_shared>> -> memref<158x16xf32, #tpu.memory_space<vmem_shared>>
      tpu.wait_dma2 semaphore(%run_scoped3A : memref<!tpu.dma_semaphore, #tpu.memory_space<semaphore_mem>>) src(%arg10 : memref<158x16xf32, #tpu.memory_space<vmem>>) dst(%dma_wait3A_201 : memref<158x16xf32, #tpu.memory_space<vmem_shared>>)
      tpu.yield
    }) : () -> ()
    %scan3A_34 = arith.constant 0 : i32
    %scan3A_35 = arith.constant 0 : i32
    %scan3A_36 = arith.constant 78 : i32
    %scan3A_37 = arith.addi %scan3A_35, %scan3A_36 : i32
    %scan3A_38 = arith.constant 1 : i32
    %scan3A_39 = scf.for %scan3A_194 = %scan3A_35 to %scan3A_37 step %scan3A_38 iter_args(%scan3A_195 = %scan3A_34) -> (i32)  : i32 {
      %mul3A_196 = arith.constant 128 : i32
      %mul3A_197 = arith.muli %scan3A_194, %mul3A_196 : i32
      %add3A_198 = arith.addi %mul3A_2, %mul3A_197 : i32
      %dma_start3A_199 = arith.constant 0 : i32
      %dma_start3A_200 = arith.constant 0 : i32
      %dma_start3A_201 = tpu.memref_slice %arg5[%scan3A_194, %dma_start3A_200] : memref<78x128xi32, #tpu.memory_space<vmem>> -> memref<1x128xi32, #tpu.memory_space<vmem>>
      %dma_start3A_202 = tpu.memref_squeeze %dma_start3A_201 : memref<1x128xi32, #tpu.memory_space<vmem>> -> memref<128xi32, #tpu.memory_space<vmem>>
      %dma_start3A_203 = tpu.memref_slice %arg2[%dma_start3A_199, %add3A_198] : memref<2x320000xi32, #tpu.memory_space<hbm>> -> memref<1x128xi32, #tpu.memory_space<hbm>>
      %dma_start3A_204 = tpu.memref_squeeze %dma_start3A_203 : memref<1x128xi32, #tpu.memory_space<hbm>> -> memref<128xi32, #tpu.memory_space<hbm>>
      %dma_start3A_205 = arith.constant 0 : i32
      %dma_start3A_206 = tpu.memref_slice %arg5[%scan3A_194, %dma_start3A_205] : memref<78x128xi32, #tpu.memory_space<vmem>> -> memref<1x128xi32, #tpu.memory_space<vmem>>
      %dma_start3A_207 = tpu.memref_squeeze %dma_start3A_206 : memref<1x128xi32, #tpu.memory_space<vmem>> -> memref<128xi32, #tpu.memory_space<vmem>>
      %dma_start3A_208 = tpu.memref_slice %arg2[%dma_start3A_199, %add3A_198] : memref<2x320000xi32, #tpu.memory_space<hbm>> -> memref<1x128xi32, #tpu.memory_space<hbm>>
      %dma_start3A_209 = tpu.memref_squeeze %dma_start3A_208 : memref<1x128xi32, #tpu.memory_space<hbm>> -> memref<128xi32, #tpu.memory_space<hbm>>
      tpu.enqueue_dma source(%dma_start3A_209 : memref<128xi32, #tpu.memory_space<hbm>>) target(%dma_start3A_207 : memref<128xi32, #tpu.memory_space<vmem>>) target_semaphore(%arg13 : memref<!tpu.dma_semaphore, #tpu.memory_space<semaphore_mem>>)
      %scan3A_210 = arith.constant 0 : i32
      scf.yield %scan3A_210 : i32
    }
    %scan3A_40 = arith.constant 78 : i32
    %add3A_41 = arith.constant 9984 : i32
    %add3A_42 = arith.addi %mul3A_2, %add3A_41 : i32
    %dma_start3A = arith.constant 0 : i32
    %dma_start3A_43 = arith.constant 0 : i32
    %dma_start3A_44 = arith.constant 0 : i32
    %dma_start3A_45 = tpu.memref_slice %arg7[%dma_start3A_43, %dma_start3A_44] : memref<1x16xi32, #tpu.memory_space<vmem>> -> memref<1x16xi32, #tpu.memory_space<vmem>>
    %dma_start3A_46 = tpu.memref_squeeze %dma_start3A_45 : memref<1x16xi32, #tpu.memory_space<vmem>> -> memref<16xi32, #tpu.memory_space<vmem>>
    %dma_start3A_47 = tpu.memref_slice %arg2[%dma_start3A, %add3A_42] : memref<2x320000xi32, #tpu.memory_space<hbm>> -> memref<1x16xi32, #tpu.memory_space<hbm>>
    %dma_start3A_48 = tpu.memref_squeeze %dma_start3A_47 : memref<1x16xi32, #tpu.memory_space<hbm>> -> memref<16xi32, #tpu.memory_space<hbm>>
    %dma_start3A_49 = arith.constant 0 : i32
    %dma_start3A_50 = tpu.memref_slice %arg7[%dma_start3A_43, %dma_start3A_49] : memref<1x16xi32, #tpu.memory_space<vmem>> -> memref<1x16xi32, #tpu.memory_space<vmem>>
    %dma_start3A_51 = tpu.memref_squeeze %dma_start3A_50 : memref<1x16xi32, #tpu.memory_space<vmem>> -> memref<16xi32, #tpu.memory_space<vmem>>
    %dma_start3A_52 = tpu.memref_slice %arg2[%dma_start3A, %add3A_42] : memref<2x320000xi32, #tpu.memory_space<hbm>> -> memref<1x16xi32, #tpu.memory_space<hbm>>
    %dma_start3A_53 = tpu.memref_squeeze %dma_start3A_52 : memref<1x16xi32, #tpu.memory_space<hbm>> -> memref<16xi32, #tpu.memory_space<hbm>>
    tpu.enqueue_dma source(%dma_start3A_53 : memref<16xi32, #tpu.memory_space<hbm>>) target(%dma_start3A_51 : memref<16xi32, #tpu.memory_space<vmem>>) target_semaphore(%arg13 : memref<!tpu.dma_semaphore, #tpu.memory_space<semaphore_mem>>)
    %scan3A_54 = arith.constant 0 : i32
    %scan3A_55 = arith.constant 0 : i32
    %scan3A_56 = arith.constant 78 : i32
    %scan3A_57 = arith.addi %scan3A_55, %scan3A_56 : i32
    %scan3A_58 = arith.constant 1 : i32
    %scan3A_59 = scf.for %scan3A_194 = %scan3A_55 to %scan3A_57 step %scan3A_58 iter_args(%scan3A_195 = %scan3A_54) -> (i32)  : i32 {
      %dma_wait3A_196 = arith.constant 0 : i32
      %dma_wait3A_197 = arith.constant 0 : i32
      %dma_wait3A_198 = arith.constant 0 : i32
      %dma_wait3A_199 = tpu.memref_slice %arg5[%dma_wait3A_197, %dma_wait3A_198] : memref<78x128xi32, #tpu.memory_space<vmem>> -> memref<1x128xi32, #tpu.memory_space<vmem>>
      %dma_wait3A_200 = tpu.memref_squeeze %dma_wait3A_199 : memref<1x128xi32, #tpu.memory_space<vmem>> -> memref<128xi32, #tpu.memory_space<vmem>>
      %dma_wait3A_201 = tpu.memref_slice %arg2[%dma_wait3A_196, %mul3A_2] : memref<2x320000xi32, #tpu.memory_space<hbm>> -> memref<1x128xi32, #tpu.memory_space<hbm>>
      %dma_wait3A_202 = tpu.memref_squeeze %dma_wait3A_201 : memref<1x128xi32, #tpu.memory_space<hbm>> -> memref<128xi32, #tpu.memory_space<hbm>>
      %dma_wait3A_203 = arith.constant 0 : i32
      %dma_wait3A_204 = tpu.memref_slice %arg5[%dma_wait3A_197, %dma_wait3A_203] : memref<78x128xi32, #tpu.memory_space<vmem>> -> memref<1x128xi32, #tpu.memory_space<vmem>>
      %dma_wait3A_205 = tpu.memref_squeeze %dma_wait3A_204 : memref<1x128xi32, #tpu.memory_space<vmem>> -> memref<128xi32, #tpu.memory_space<vmem>>
      %dma_wait3A_206 = tpu.memref_slice %arg2[%dma_wait3A_196, %mul3A_2] : memref<2x320000xi32, #tpu.memory_space<hbm>> -> memref<1x128xi32, #tpu.memory_space<hbm>>
      %dma_wait3A_207 = tpu.memref_squeeze %dma_wait3A_206 : memref<1x128xi32, #tpu.memory_space<hbm>> -> memref<128xi32, #tpu.memory_space<hbm>>
      tpu.wait_dma2 semaphore(%arg13 : memref<!tpu.dma_semaphore, #tpu.memory_space<semaphore_mem>>) src(%dma_wait3A_207 : memref<128xi32, #tpu.memory_space<hbm>>) dst(%dma_wait3A_205 : memref<128xi32, #tpu.memory_space<vmem>>)
      %scan3A_208 = arith.constant 0 : i32
      scf.yield %scan3A_208 : i32
    }
    %scan3A_60 = arith.constant 78 : i32
    %dma_wait3A = arith.constant 0 : i32
    %dma_wait3A_61 = arith.constant 0 : i32
    %dma_wait3A_62 = arith.constant 0 : i32
    %dma_wait3A_63 = tpu.memref_slice %arg7[%dma_wait3A_61, %dma_wait3A_62] : memref<1x16xi32, #tpu.memory_space<vmem>> -> memref<1x16xi32, #tpu.memory_space<vmem>>
    %dma_wait3A_64 = tpu.memref_squeeze %dma_wait3A_63 : memref<1x16xi32, #tpu.memory_space<vmem>> -> memref<16xi32, #tpu.memory_space<vmem>>
    %dma_wait3A_65 = tpu.memref_slice %arg2[%dma_wait3A, %mul3A_2] : memref<2x320000xi32, #tpu.memory_space<hbm>> -> memref<1x16xi32, #tpu.memory_space<hbm>>
    %dma_wait3A_66 = tpu.memref_squeeze %dma_wait3A_65 : memref<1x16xi32, #tpu.memory_space<hbm>> -> memref<16xi32, #tpu.memory_space<hbm>>
    %dma_wait3A_67 = arith.constant 0 : i32
    %dma_wait3A_68 = tpu.memref_slice %arg7[%dma_wait3A_61, %dma_wait3A_67] : memref<1x16xi32, #tpu.memory_space<vmem>> -> memref<1x16xi32, #tpu.memory_space<vmem>>
    %dma_wait3A_69 = tpu.memref_squeeze %dma_wait3A_68 : memref<1x16xi32, #tpu.memory_space<vmem>> -> memref<16xi32, #tpu.memory_space<vmem>>
    %dma_wait3A_70 = tpu.memref_slice %arg2[%dma_wait3A, %mul3A_2] : memref<2x320000xi32, #tpu.memory_space<hbm>> -> memref<1x16xi32, #tpu.memory_space<hbm>>
    %dma_wait3A_71 = tpu.memref_squeeze %dma_wait3A_70 : memref<1x16xi32, #tpu.memory_space<hbm>> -> memref<16xi32, #tpu.memory_space<hbm>>
    tpu.wait_dma2 semaphore(%arg13 : memref<!tpu.dma_semaphore, #tpu.memory_space<semaphore_mem>>) src(%dma_wait3A_71 : memref<16xi32, #tpu.memory_space<hbm>>) dst(%dma_wait3A_69 : memref<16xi32, #tpu.memory_space<vmem>>)
    %scan3A_72 = arith.constant 0 : i32
    %scan3A_73 = arith.constant 0 : i32
    %scan3A_74 = arith.constant 78 : i32
    %scan3A_75 = arith.addi %scan3A_73, %scan3A_74 : i32
    %scan3A_76 = arith.constant 1 : i32
    %scan3A_77 = scf.for %scan3A_194 = %scan3A_73 to %scan3A_75 step %scan3A_76 iter_args(%scan3A_195 = %scan3A_72) -> (i32)  : i32 {
      %mul3A_196 = arith.constant 128 : i32
      %mul3A_197 = arith.muli %scan3A_194, %mul3A_196 : i32
      %add3A_198 = arith.addi %mul3A_2, %mul3A_197 : i32
      %dma_start3A_199 = arith.constant 1 : i32
      %dma_start3A_200 = arith.constant 0 : i32
      %dma_start3A_201 = tpu.memref_slice %arg6[%scan3A_194, %dma_start3A_200] : memref<78x128xi32, #tpu.memory_space<vmem>> -> memref<1x128xi32, #tpu.memory_space<vmem>>
      %dma_start3A_202 = tpu.memref_squeeze %dma_start3A_201 : memref<1x128xi32, #tpu.memory_space<vmem>> -> memref<128xi32, #tpu.memory_space<vmem>>
      %dma_start3A_203 = tpu.memref_slice %arg2[%dma_start3A_199, %add3A_198] : memref<2x320000xi32, #tpu.memory_space<hbm>> -> memref<1x128xi32, #tpu.memory_space<hbm>>
      %dma_start3A_204 = tpu.memref_squeeze %dma_start3A_203 : memref<1x128xi32, #tpu.memory_space<hbm>> -> memref<128xi32, #tpu.memory_space<hbm>>
      %dma_start3A_205 = arith.constant 0 : i32
      %dma_start3A_206 = tpu.memref_slice %arg6[%scan3A_194, %dma_start3A_205] : memref<78x128xi32, #tpu.memory_space<vmem>> -> memref<1x128xi32, #tpu.memory_space<vmem>>
      %dma_start3A_207 = tpu.memref_squeeze %dma_start3A_206 : memref<1x128xi32, #tpu.memory_space<vmem>> -> memref<128xi32, #tpu.memory_space<vmem>>
      %dma_start3A_208 = tpu.memref_slice %arg2[%dma_start3A_199, %add3A_198] : memref<2x320000xi32, #tpu.memory_space<hbm>> -> memref<1x128xi32, #tpu.memory_space<hbm>>
      %dma_start3A_209 = tpu.memref_squeeze %dma_start3A_208 : memref<1x128xi32, #tpu.memory_space<hbm>> -> memref<128xi32, #tpu.memory_space<hbm>>
      tpu.enqueue_dma source(%dma_start3A_209 : memref<128xi32, #tpu.memory_space<hbm>>) target(%dma_start3A_207 : memref<128xi32, #tpu.memory_space<vmem>>) target_semaphore(%arg13 : memref<!tpu.dma_semaphore, #tpu.memory_space<semaphore_mem>>)
      %scan3A_210 = arith.constant 0 : i32
      scf.yield %scan3A_210 : i32
    }
    %scan3A_78 = arith.constant 78 : i32
    %add3A_79 = arith.constant 9984 : i32
    %add3A_80 = arith.addi %mul3A_2, %add3A_79 : i32
    %dma_start3A_81 = arith.constant 1 : i32
    %dma_start3A_82 = arith.constant 0 : i32
    %dma_start3A_83 = arith.constant 0 : i32
    %dma_start3A_84 = tpu.memref_slice %arg8[%dma_start3A_82, %dma_start3A_83] : memref<1x16xi32, #tpu.memory_space<vmem>> -> memref<1x16xi32, #tpu.memory_space<vmem>>
    %dma_start3A_85 = tpu.memref_squeeze %dma_start3A_84 : memref<1x16xi32, #tpu.memory_space<vmem>> -> memref<16xi32, #tpu.memory_space<vmem>>
    %dma_start3A_86 = tpu.memref_slice %arg2[%dma_start3A_81, %add3A_80] : memref<2x320000xi32, #tpu.memory_space<hbm>> -> memref<1x16xi32, #tpu.memory_space<hbm>>
    %dma_start3A_87 = tpu.memref_squeeze %dma_start3A_86 : memref<1x16xi32, #tpu.memory_space<hbm>> -> memref<16xi32, #tpu.memory_space<hbm>>
    %dma_start3A_88 = arith.constant 0 : i32
    %dma_start3A_89 = tpu.memref_slice %arg8[%dma_start3A_82, %dma_start3A_88] : memref<1x16xi32, #tpu.memory_space<vmem>> -> memref<1x16xi32, #tpu.memory_space<vmem>>
    %dma_start3A_90 = tpu.memref_squeeze %dma_start3A_89 : memref<1x16xi32, #tpu.memory_space<vmem>> -> memref<16xi32, #tpu.memory_space<vmem>>
    %dma_start3A_91 = tpu.memref_slice %arg2[%dma_start3A_81, %add3A_80] : memref<2x320000xi32, #tpu.memory_space<hbm>> -> memref<1x16xi32, #tpu.memory_space<hbm>>
    %dma_start3A_92 = tpu.memref_squeeze %dma_start3A_91 : memref<1x16xi32, #tpu.memory_space<hbm>> -> memref<16xi32, #tpu.memory_space<hbm>>
    tpu.enqueue_dma source(%dma_start3A_92 : memref<16xi32, #tpu.memory_space<hbm>>) target(%dma_start3A_90 : memref<16xi32, #tpu.memory_space<vmem>>) target_semaphore(%arg13 : memref<!tpu.dma_semaphore, #tpu.memory_space<semaphore_mem>>)
    %scan3A_93 = arith.constant 0 : i32
    %scan3A_94 = arith.constant 0 : i32
    %scan3A_95 = arith.constant 78 : i32
    %scan3A_96 = arith.addi %scan3A_94, %scan3A_95 : i32
    %scan3A_97 = arith.constant 1 : i32
    %scan3A_98 = scf.for %scan3A_194 = %scan3A_94 to %scan3A_96 step %scan3A_97 iter_args(%scan3A_195 = %scan3A_93) -> (i32)  : i32 {
      %dma_wait3A_196 = arith.constant 1 : i32
      %dma_wait3A_197 = arith.constant 0 : i32
      %dma_wait3A_198 = arith.constant 0 : i32
      %dma_wait3A_199 = tpu.memref_slice %arg6[%dma_wait3A_197, %dma_wait3A_198] : memref<78x128xi32, #tpu.memory_space<vmem>> -> memref<1x128xi32, #tpu.memory_space<vmem>>
      %dma_wait3A_200 = tpu.memref_squeeze %dma_wait3A_199 : memref<1x128xi32, #tpu.memory_space<vmem>> -> memref<128xi32, #tpu.memory_space<vmem>>
      %dma_wait3A_201 = tpu.memref_slice %arg2[%dma_wait3A_196, %mul3A_2] : memref<2x320000xi32, #tpu.memory_space<hbm>> -> memref<1x128xi32, #tpu.memory_space<hbm>>
      %dma_wait3A_202 = tpu.memref_squeeze %dma_wait3A_201 : memref<1x128xi32, #tpu.memory_space<hbm>> -> memref<128xi32, #tpu.memory_space<hbm>>
      %dma_wait3A_203 = arith.constant 0 : i32
      %dma_wait3A_204 = tpu.memref_slice %arg6[%dma_wait3A_197, %dma_wait3A_203] : memref<78x128xi32, #tpu.memory_space<vmem>> -> memref<1x128xi32, #tpu.memory_space<vmem>>
      %dma_wait3A_205 = tpu.memref_squeeze %dma_wait3A_204 : memref<1x128xi32, #tpu.memory_space<vmem>> -> memref<128xi32, #tpu.memory_space<vmem>>
      %dma_wait3A_206 = tpu.memref_slice %arg2[%dma_wait3A_196, %mul3A_2] : memref<2x320000xi32, #tpu.memory_space<hbm>> -> memref<1x128xi32, #tpu.memory_space<hbm>>
      %dma_wait3A_207 = tpu.memref_squeeze %dma_wait3A_206 : memref<1x128xi32, #tpu.memory_space<hbm>> -> memref<128xi32, #tpu.memory_space<hbm>>
      tpu.wait_dma2 semaphore(%arg13 : memref<!tpu.dma_semaphore, #tpu.memory_space<semaphore_mem>>) src(%dma_wait3A_207 : memref<128xi32, #tpu.memory_space<hbm>>) dst(%dma_wait3A_205 : memref<128xi32, #tpu.memory_space<vmem>>)
      %scan3A_208 = arith.constant 0 : i32
      scf.yield %scan3A_208 : i32
    }
    %scan3A_99 = arith.constant 78 : i32
    %dma_wait3A_100 = arith.constant 1 : i32
    %dma_wait3A_101 = arith.constant 0 : i32
    %dma_wait3A_102 = arith.constant 0 : i32
    %dma_wait3A_103 = tpu.memref_slice %arg8[%dma_wait3A_101, %dma_wait3A_102] : memref<1x16xi32, #tpu.memory_space<vmem>> -> memref<1x16xi32, #tpu.memory_space<vmem>>
    %dma_wait3A_104 = tpu.memref_squeeze %dma_wait3A_103 : memref<1x16xi32, #tpu.memory_space<vmem>> -> memref<16xi32, #tpu.memory_space<vmem>>
    %dma_wait3A_105 = tpu.memref_slice %arg2[%dma_wait3A_100, %mul3A_2] : memref<2x320000xi32, #tpu.memory_space<hbm>> -> memref<1x16xi32, #tpu.memory_space<hbm>>
    %dma_wait3A_106 = tpu.memref_squeeze %dma_wait3A_105 : memref<1x16xi32, #tpu.memory_space<hbm>> -> memref<16xi32, #tpu.memory_space<hbm>>
    %dma_wait3A_107 = arith.constant 0 : i32
    %dma_wait3A_108 = tpu.memref_slice %arg8[%dma_wait3A_101, %dma_wait3A_107] : memref<1x16xi32, #tpu.memory_space<vmem>> -> memref<1x16xi32, #tpu.memory_space<vmem>>
    %dma_wait3A_109 = tpu.memref_squeeze %dma_wait3A_108 : memref<1x16xi32, #tpu.memory_space<vmem>> -> memref<16xi32, #tpu.memory_space<vmem>>
    %dma_wait3A_110 = tpu.memref_slice %arg2[%dma_wait3A_100, %mul3A_2] : memref<2x320000xi32, #tpu.memory_space<hbm>> -> memref<1x16xi32, #tpu.memory_space<hbm>>
    %dma_wait3A_111 = tpu.memref_squeeze %dma_wait3A_110 : memref<1x16xi32, #tpu.memory_space<hbm>> -> memref<16xi32, #tpu.memory_space<hbm>>
    tpu.wait_dma2 semaphore(%arg13 : memref<!tpu.dma_semaphore, #tpu.memory_space<semaphore_mem>>) src(%dma_wait3A_111 : memref<16xi32, #tpu.memory_space<hbm>>) dst(%dma_wait3A_109 : memref<16xi32, #tpu.memory_space<vmem>>)
    %broadcast_in_dim3A = arith.constant 10000 : i32
    %broadcast_in_dim3A_112 = vector.broadcast %broadcast_in_dim3A : i32 to vector<16xi32>
    %iota3A = tpu.iota {dimensions = array<i32: 0>} : vector<16xi32>
    %lt3A = arith.constant 16 : i32
    %lt3A_113 = vector.broadcast %lt3A : i32 to vector<16xi32>
    %lt3A_114 = arith.cmpi slt, %iota3A, %lt3A_113 : vector<16xi32>
    %get3A = arith.constant 0 : i32
    %get3A_115 = arith.index_cast %get3A : i32 to index
    %get3A_116 = arith.constant 0 : index
    %get3A_117 = tpu.vector_load %arg7[%get3A_115, %get3A_116] {strides = array<i32>} : memref<1x16xi32, #tpu.memory_space<vmem>>, vector<1x16xi32>,
    %get3A_118 = vector.shape_cast %get3A_117 : vector<1x16xi32> to vector<16xi32>
    %select_n3A = arith.select %lt3A_114, %get3A_118, %broadcast_in_dim3A_112 : vector<16xi1>, vector<16xi32>
    %swap3A = arith.constant 0 : i32
    %swap3A_119 = arith.index_cast %swap3A : i32 to index
    %swap3A_120 = arith.constant 0 : index
    %swap3A_121 = tpu.vector_load %arg7[%swap3A_119, %swap3A_120] {strides = array<i32>} : memref<1x16xi32, #tpu.memory_space<vmem>>, vector<1x16xi32>,
    %swap3A_122 = vector.shape_cast %swap3A_121 : vector<1x16xi32> to vector<16xi32>
    %swap3A_123 = vector.shape_cast %select_n3A : vector<16xi32> to vector<1x16xi32>
    tpu.vector_store %arg7[%swap3A_119, %swap3A_120], %swap3A_123 {strides = array<i32>} : memref<1x16xi32, #tpu.memory_space<vmem>>, vector<1x16xi32>,
    %lt3A_124 = arith.constant 16 : i32
    %lt3A_125 = vector.broadcast %lt3A_124 : i32 to vector<16xi32>
    %lt3A_126 = arith.cmpi slt, %iota3A, %lt3A_125 : vector<16xi32>
    %get3A_127 = arith.constant 0 : i32
    %get3A_128 = arith.index_cast %get3A_127 : i32 to index
    %get3A_129 = arith.constant 0 : index
    %get3A_130 = tpu.vector_load %arg8[%get3A_128, %get3A_129] {strides = array<i32>} : memref<1x16xi32, #tpu.memory_space<vmem>>, vector<1x16xi32>,
    %get3A_131 = vector.shape_cast %get3A_130 : vector<1x16xi32> to vector<16xi32>
    %select_n3A_132 = arith.select %lt3A_126, %get3A_131, %broadcast_in_dim3A_112 : vector<16xi1>, vector<16xi32>
    %swap3A_133 = arith.constant 0 : i32
    %swap3A_134 = arith.index_cast %swap3A_133 : i32 to index
    %swap3A_135 = arith.constant 0 : index
    %swap3A_136 = tpu.vector_load %arg8[%swap3A_134, %swap3A_135] {strides = array<i32>} : memref<1x16xi32, #tpu.memory_space<vmem>>, vector<1x16xi32>,
    %swap3A_137 = vector.shape_cast %swap3A_136 : vector<1x16xi32> to vector<16xi32>
    %swap3A_138 = vector.shape_cast %select_n3A_132 : vector<16xi32> to vector<1x16xi32>
    tpu.vector_store %arg8[%swap3A_134, %swap3A_135], %swap3A_138 {strides = array<i32>} : memref<1x16xi32, #tpu.memory_space<vmem>>, vector<1x16xi32>,
    %barrier3A = arith.constant 0 : index
    tpu.barrier barrier_id(%barrier3A)
    %scan3A_139 = arith.constant 0 : i32
    %scan3A_140 = arith.constant 0 : i32
    %scan3A_141 = arith.constant 78 : i32
    %scan3A_142 = arith.addi %scan3A_140, %scan3A_141 : i32
    %scan3A_143 = arith.constant 1 : i32
    %scan3A_144 = scf.for %scan3A_194 = %scan3A_140 to %scan3A_142 step %scan3A_143 iter_args(%scan3A_195 = %scan3A_139) -> (i32)  : i32 {
      %dma_start3A_196 = arith.constant 0 : i32
      %dma_start3A_197 = tpu.memref_slice %arg5[%scan3A_194, %dma_start3A_196] : memref<78x128xi32, #tpu.memory_space<vmem>> -> memref<1x128xi32, #tpu.memory_space<vmem>>
      %dma_start3A_198 = tpu.memref_squeeze %dma_start3A_197 : memref<1x128xi32, #tpu.memory_space<vmem>> -> memref<128xi32, #tpu.memory_space<vmem>>
      %dma_start3A_199 = arith.constant 0 : i32
      %dma_start3A_200 = arith.constant 0 : i32
      %dma_start3A_201 = tpu.memref_slice %arg11[%dma_start3A_199, %dma_start3A_200] : memref<10112x16xf32, #tpu.memory_space<vmem_shared>> -> memref<10112x16xf32, #tpu.memory_space<vmem_shared>>
      tpu.enqueue_indirect_dma source(%arg9 : memref<128x16xf32, #tpu.memory_space<vmem>>) target(%dma_start3A_201 : memref<10112x16xf32, #tpu.memory_space<vmem_shared>>) offsets(%dma_start3A_198 : memref<128xi32, #tpu.memory_space<vmem>>) semaphore(%arg14 : memref<!tpu.dma_semaphore, #tpu.memory_space<semaphore_mem>>) {add = true}
      %dma_start3A_202 = arith.constant 0 : i32
      %dma_start3A_203 = tpu.memref_slice %arg6[%scan3A_194, %dma_start3A_202] : memref<78x128xi32, #tpu.memory_space<vmem>> -> memref<1x128xi32, #tpu.memory_space<vmem>>
      %dma_start3A_204 = tpu.memref_squeeze %dma_start3A_203 : memref<1x128xi32, #tpu.memory_space<vmem>> -> memref<128xi32, #tpu.memory_space<vmem>>
      %dma_start3A_205 = arith.constant 0 : i32
      %dma_start3A_206 = arith.constant 0 : i32
      %dma_start3A_207 = tpu.memref_slice %arg12[%dma_start3A_205, %dma_start3A_206] : memref<10112x16xf32, #tpu.memory_space<vmem_shared>> -> memref<10112x16xf32, #tpu.memory_space<vmem_shared>>
      tpu.enqueue_indirect_dma source(%arg9 : memref<128x16xf32, #tpu.memory_space<vmem>>) target(%dma_start3A_207 : memref<10112x16xf32, #tpu.memory_space<vmem_shared>>) offsets(%dma_start3A_204 : memref<128xi32, #tpu.memory_space<vmem>>) semaphore(%arg15 : memref<!tpu.dma_semaphore, #tpu.memory_space<semaphore_mem>>) {add = true}
      %scan3A_208 = arith.constant 0 : i32
      scf.yield %scan3A_208 : i32
    }
    %scan3A_145 = arith.constant 78 : i32
    %dma_start3A_146 = arith.constant 0 : i32
    %dma_start3A_147 = arith.constant 0 : i32
    %dma_start3A_148 = arith.constant 0 : i32
    %dma_start3A_149 = tpu.memref_slice %arg9[%dma_start3A_147, %dma_start3A_148] : memref<128x16xf32, #tpu.memory_space<vmem>> -> memref<16x16xf32, #tpu.memory_space<vmem>>
    %dma_start3A_150 = arith.constant 0 : i32
    %dma_start3A_151 = tpu.memref_slice %arg7[%dma_start3A_146, %dma_start3A_150] : memref<1x16xi32, #tpu.memory_space<vmem>> -> memref<1x16xi32, #tpu.memory_space<vmem>>
    %dma_start3A_152 = tpu.memref_squeeze %dma_start3A_151 : memref<1x16xi32, #tpu.memory_space<vmem>> -> memref<16xi32, #tpu.memory_space<vmem>>
    %dma_start3A_153 = arith.constant 0 : i32
    %dma_start3A_154 = arith.constant 0 : i32
    %dma_start3A_155 = tpu.memref_slice %arg11[%dma_start3A_153, %dma_start3A_154] : memref<10112x16xf32, #tpu.memory_space<vmem_shared>> -> memref<10112x16xf32, #tpu.memory_space<vmem_shared>>
    tpu.enqueue_indirect_dma source(%dma_start3A_149 : memref<16x16xf32, #tpu.memory_space<vmem>>) target(%dma_start3A_155 : memref<10112x16xf32, #tpu.memory_space<vmem_shared>>) offsets(%dma_start3A_152 : memref<16xi32, #tpu.memory_space<vmem>>) semaphore(%arg14 : memref<!tpu.dma_semaphore, #tpu.memory_space<semaphore_mem>>) {add = true}
    %dma_start3A_156 = arith.constant 0 : i32
    %dma_start3A_157 = arith.constant 0 : i32
    %dma_start3A_158 = arith.constant 0 : i32
    %dma_start3A_159 = tpu.memref_slice %arg9[%dma_start3A_157, %dma_start3A_158] : memref<128x16xf32, #tpu.memory_space<vmem>> -> memref<16x16xf32, #tpu.memory_space<vmem>>
    %dma_start3A_160 = arith.constant 0 : i32
    %dma_start3A_161 = tpu.memref_slice %arg8[%dma_start3A_156, %dma_start3A_160] : memref<1x16xi32, #tpu.memory_space<vmem>> -> memref<1x16xi32, #tpu.memory_space<vmem>>
    %dma_start3A_162 = tpu.memref_squeeze %dma_start3A_161 : memref<1x16xi32, #tpu.memory_space<vmem>> -> memref<16xi32, #tpu.memory_space<vmem>>
    %dma_start3A_163 = arith.constant 0 : i32
    %dma_start3A_164 = arith.constant 0 : i32
    %dma_start3A_165 = tpu.memref_slice %arg12[%dma_start3A_163, %dma_start3A_164] : memref<10112x16xf32, #tpu.memory_space<vmem_shared>> -> memref<10112x16xf32, #tpu.memory_space<vmem_shared>>
    tpu.enqueue_indirect_dma source(%dma_start3A_159 : memref<16x16xf32, #tpu.memory_space<vmem>>) target(%dma_start3A_165 : memref<10112x16xf32, #tpu.memory_space<vmem_shared>>) offsets(%dma_start3A_162 : memref<16xi32, #tpu.memory_space<vmem>>) semaphore(%arg15 : memref<!tpu.dma_semaphore, #tpu.memory_space<semaphore_mem>>) {add = true}
    %scan3A_166 = arith.constant 0 : i32
    %scan3A_167 = arith.constant 0 : i32
    %scan3A_168 = arith.constant 78 : i32
    %scan3A_169 = arith.addi %scan3A_167, %scan3A_168 : i32
    %scan3A_170 = arith.constant 1 : i32
    %scan3A_171 = scf.for %scan3A_194 = %scan3A_167 to %scan3A_169 step %scan3A_170 iter_args(%scan3A_195 = %scan3A_166) -> (i32)  : i32 {
      %dma_wait3A_196 = arith.constant 0 : i32
      %dma_wait3A_197 = arith.constant 0 : i32
      %dma_wait3A_198 = tpu.memref_slice %arg5[%dma_wait3A_196, %dma_wait3A_197] : memref<78x128xi32, #tpu.memory_space<vmem>> -> memref<1x128xi32, #tpu.memory_space<vmem>>
      %dma_wait3A_199 = tpu.memref_squeeze %dma_wait3A_198 : memref<1x128xi32, #tpu.memory_space<vmem>> -> memref<128xi32, #tpu.memory_space<vmem>>
      %dma_wait3A_200 = arith.constant 0 : i32
      %dma_wait3A_201 = arith.constant 0 : i32
      %dma_wait3A_202 = tpu.memref_slice %arg11[%dma_wait3A_200, %dma_wait3A_201] : memref<10112x16xf32, #tpu.memory_space<vmem_shared>> -> memref<10112x16xf32, #tpu.memory_space<vmem_shared>>
      tpu.wait_indirect_dma semaphore(%arg14 : memref<!tpu.dma_semaphore, #tpu.memory_space<semaphore_mem>>) src(%arg9 : memref<128x16xf32, #tpu.memory_space<vmem>>) dst(%dma_wait3A_202 : memref<10112x16xf32, #tpu.memory_space<vmem_shared>>)
      %dma_wait3A_203 = arith.constant 0 : i32
      %dma_wait3A_204 = arith.constant 0 : i32
      %dma_wait3A_205 = tpu.memref_slice %arg6[%dma_wait3A_203, %dma_wait3A_204] : memref<78x128xi32, #tpu.memory_space<vmem>> -> memref<1x128xi32, #tpu.memory_space<vmem>>
      %dma_wait3A_206 = tpu.memref_squeeze %dma_wait3A_205 : memref<1x128xi32, #tpu.memory_space<vmem>> -> memref<128xi32, #tpu.memory_space<vmem>>
      %dma_wait3A_207 = arith.constant 0 : i32
      %dma_wait3A_208 = arith.constant 0 : i32
      %dma_wait3A_209 = tpu.memref_slice %arg12[%dma_wait3A_207, %dma_wait3A_208] : memref<10112x16xf32, #tpu.memory_space<vmem_shared>> -> memref<10112x16xf32, #tpu.memory_space<vmem_shared>>
      tpu.wait_indirect_dma semaphore(%arg15 : memref<!tpu.dma_semaphore, #tpu.memory_space<semaphore_mem>>) src(%arg9 : memref<128x16xf32, #tpu.memory_space<vmem>>) dst(%dma_wait3A_209 : memref<10112x16xf32, #tpu.memory_space<vmem_shared>>)
      %scan3A_210 = arith.constant 0 : i32
      scf.yield %scan3A_210 : i32
    }
    %scan3A_172 = arith.constant 78 : i32
    %dma_wait3A_173 = arith.constant 0 : i32
    %dma_wait3A_174 = arith.constant 0 : i32
    %dma_wait3A_175 = arith.constant 0 : i32
    %dma_wait3A_176 = tpu.memref_slice %arg9[%dma_wait3A_174, %dma_wait3A_175] : memref<128x16xf32, #tpu.memory_space<vmem>> -> memref<16x16xf32, #tpu.memory_space<vmem>>
    %dma_wait3A_177 = arith.constant 0 : i32
    %dma_wait3A_178 = tpu.memref_slice %arg7[%dma_wait3A_173, %dma_wait3A_177] : memref<1x16xi32, #tpu.memory_space<vmem>> -> memref<1x16xi32, #tpu.memory_space<vmem>>
    %dma_wait3A_179 = tpu.memref_squeeze %dma_wait3A_178 : memref<1x16xi32, #tpu.memory_space<vmem>> -> memref<16xi32, #tpu.memory_space<vmem>>
    %dma_wait3A_180 = arith.constant 0 : i32
    %dma_wait3A_181 = arith.constant 0 : i32
    %dma_wait3A_182 = tpu.memref_slice %arg11[%dma_wait3A_180, %dma_wait3A_181] : memref<10112x16xf32, #tpu.memory_space<vmem_shared>> -> memref<10112x16xf32, #tpu.memory_space<vmem_shared>>
    tpu.wait_indirect_dma semaphore(%arg14 : memref<!tpu.dma_semaphore, #tpu.memory_space<semaphore_mem>>) src(%dma_wait3A_176 : memref<16x16xf32, #tpu.memory_space<vmem>>) dst(%dma_wait3A_182 : memref<10112x16xf32, #tpu.memory_space<vmem_shared>>)
    %dma_wait3A_183 = arith.constant 0 : i32
    %dma_wait3A_184 = arith.constant 0 : i32
    %dma_wait3A_185 = arith.constant 0 : i32
    %dma_wait3A_186 = tpu.memref_slice %arg9[%dma_wait3A_184, %dma_wait3A_185] : memref<128x16xf32, #tpu.memory_space<vmem>> -> memref<16x16xf32, #tpu.memory_space<vmem>>
    %dma_wait3A_187 = arith.constant 0 : i32
    %dma_wait3A_188 = tpu.memref_slice %arg8[%dma_wait3A_183, %dma_wait3A_187] : memref<1x16xi32, #tpu.memory_space<vmem>> -> memref<1x16xi32, #tpu.memory_space<vmem>>
    %dma_wait3A_189 = tpu.memref_squeeze %dma_wait3A_188 : memref<1x16xi32, #tpu.memory_space<vmem>> -> memref<16xi32, #tpu.memory_space<vmem>>
    %dma_wait3A_190 = arith.constant 0 : i32
    %dma_wait3A_191 = arith.constant 0 : i32
    %dma_wait3A_192 = tpu.memref_slice %arg12[%dma_wait3A_190, %dma_wait3A_191] : memref<10112x16xf32, #tpu.memory_space<vmem_shared>> -> memref<10112x16xf32, #tpu.memory_space<vmem_shared>>
    tpu.wait_indirect_dma semaphore(%arg15 : memref<!tpu.dma_semaphore, #tpu.memory_space<semaphore_mem>>) src(%dma_wait3A_186 : memref<16x16xf32, #tpu.memory_space<vmem>>) dst(%dma_wait3A_192 : memref<10112x16xf32, #tpu.memory_space<vmem_shared>>)
    %barrier3A_193 = arith.constant 0 : index
    tpu.barrier barrier_id(%barrier3A_193)
    "tpu.region"() ({
      %run_scoped3A = tpu.sem_alloc : memref<!tpu.dma_semaphore, #tpu.memory_space<semaphore_mem>>
      %dma_start3A_194 = arith.constant 0 : i32
      %dma_start3A_195 = tpu.memref_slice %arg3[%arg0, %mul3A_4, %dma_start3A_194] : memref<2x10112x16xf32, #tpu.memory_space<hbm>> -> memref<1x632x16xf32, #tpu.memory_space<hbm>>
      %dma_start3A_196 = tpu.memref_squeeze %dma_start3A_195 : memref<1x632x16xf32, #tpu.memory_space<hbm>> -> memref<632x16xf32, #tpu.memory_space<hbm>>
      %dma_start3A_197 = arith.constant 0 : i32
      %dma_start3A_198 = tpu.memref_slice %arg11[%mul3A_4, %dma_start3A_197] : memref<10112x16xf32, #tpu.memory_space<vmem_shared>> -> memref<632x16xf32, #tpu.memory_space<vmem_shared>>
      tpu.enqueue_dma source(%dma_start3A_198 : memref<632x16xf32, #tpu.memory_space<vmem_shared>>) target(%dma_start3A_196 : memref<632x16xf32, #tpu.memory_space<hbm>>) target_semaphore(%run_scoped3A : memref<!tpu.dma_semaphore, #tpu.memory_space<semaphore_mem>>)
      %dma_wait3A_199 = arith.constant 0 : i32
      %dma_wait3A_200 = tpu.memref_slice %arg3[%arg0, %mul3A_4, %dma_wait3A_199] : memref<2x10112x16xf32, #tpu.memory_space<hbm>> -> memref<1x632x16xf32, #tpu.memory_space<hbm>>
      %dma_wait3A_201 = tpu.memref_squeeze %dma_wait3A_200 : memref<1x632x16xf32, #tpu.memory_space<hbm>> -> memref<632x16xf32, #tpu.memory_space<hbm>>
      %dma_wait3A_202 = arith.constant 0 : i32
      %dma_wait3A_203 = tpu.memref_slice %arg11[%mul3A_4, %dma_wait3A_202] : memref<10112x16xf32, #tpu.memory_space<vmem_shared>> -> memref<632x16xf32, #tpu.memory_space<vmem_shared>>
      tpu.wait_dma2 semaphore(%run_scoped3A : memref<!tpu.dma_semaphore, #tpu.memory_space<semaphore_mem>>) src(%dma_wait3A_203 : memref<632x16xf32, #tpu.memory_space<vmem_shared>>) dst(%dma_wait3A_201 : memref<632x16xf32, #tpu.memory_space<hbm>>)
      tpu.yield
    }) : () -> ()
    "tpu.region"() ({
      %run_scoped3A = tpu.sem_alloc : memref<!tpu.dma_semaphore, #tpu.memory_space<semaphore_mem>>
      %dma_start3A_194 = arith.constant 0 : i32
      %dma_start3A_195 = tpu.memref_slice %arg4[%arg0, %mul3A_4, %dma_start3A_194] : memref<2x10112x16xf32, #tpu.memory_space<hbm>> -> memref<1x632x16xf32, #tpu.memory_space<hbm>>
      %dma_start3A_196 = tpu.memref_squeeze %dma_start3A_195 : memref<1x632x16xf32, #tpu.memory_space<hbm>> -> memref<632x16xf32, #tpu.memory_space<hbm>>
      %dma_start3A_197 = arith.constant 0 : i32
      %dma_start3A_198 = tpu.memref_slice %arg12[%mul3A_4, %dma_start3A_197] : memref<10112x16xf32, #tpu.memory_space<vmem_shared>> -> memref<632x16xf32, #tpu.memory_space<vmem_shared>>
      tpu.enqueue_dma source(%dma_start3A_198 : memref<632x16xf32, #tpu.memory_space<vmem_shared>>) target(%dma_start3A_196 : memref<632x16xf32, #tpu.memory_space<hbm>>) target_semaphore(%run_scoped3A : memref<!tpu.dma_semaphore, #tpu.memory_space<semaphore_mem>>)
      %dma_wait3A_199 = arith.constant 0 : i32
      %dma_wait3A_200 = tpu.memref_slice %arg4[%arg0, %mul3A_4, %dma_wait3A_199] : memref<2x10112x16xf32, #tpu.memory_space<hbm>> -> memref<1x632x16xf32, #tpu.memory_space<hbm>>
      %dma_wait3A_201 = tpu.memref_squeeze %dma_wait3A_200 : memref<1x632x16xf32, #tpu.memory_space<hbm>> -> memref<632x16xf32, #tpu.memory_space<hbm>>
      %dma_wait3A_202 = arith.constant 0 : i32
      %dma_wait3A_203 = tpu.memref_slice %arg12[%mul3A_4, %dma_wait3A_202] : memref<10112x16xf32, #tpu.memory_space<vmem_shared>> -> memref<632x16xf32, #tpu.memory_space<vmem_shared>>
      tpu.wait_dma2 semaphore(%run_scoped3A : memref<!tpu.dma_semaphore, #tpu.memory_space<semaphore_mem>>) src(%dma_wait3A_203 : memref<632x16xf32, #tpu.memory_space<vmem_shared>>) dst(%dma_wait3A_201 : memref<632x16xf32, #tpu.memory_space<hbm>>)
      tpu.yield
    }) : () -> ()
    return
  }
}

#map = affine_map<(d0, d1) -> (0, 0)>
#map1 = affine_map<(d0, d1) -> (0, 0, 0)>
module attributes {stable_mosaic.version = 14 : i64} {
  func.func @scatter_kernel(%arg0: i32, %arg1: i32, %arg2: memref<10000x16xf32, #tpu.memory_space<hbm>>, %arg3: memref<2x320000xi32, #tpu.memory_space<hbm>>, %arg4: memref<2x10112x16xf32, #tpu.memory_space<hbm>>, %arg5: memref<80x128xi32, #tpu.memory_space<vmem>>, %arg6: memref<80x128xi32, #tpu.memory_space<vmem>>, %arg7: memref<1x16xi32, #tpu.memory_space<vmem>>, %arg8: memref<1x16xi32, #tpu.memory_space<vmem>>, %arg9: memref<2048x16xf32, #tpu.memory_space<vmem>>, %arg10: memref<2048x16xf32, #tpu.memory_space<vmem>>, %arg11: memref<16x16xf32, #tpu.memory_space<vmem>>, %arg12: memref<158x16xf32, #tpu.memory_space<vmem>>, %arg13: memref<10112x16xf32, #tpu.memory_space<vmem_shared>>, %arg14: memref<!tpu.dma_semaphore, #tpu.memory_space<semaphore_mem>>, %arg15: memref<!tpu.dma_semaphore, #tpu.memory_space<semaphore_mem>>, %arg16: memref<!tpu.dma_semaphore, #tpu.memory_space<semaphore_mem>>, %arg17: memref<!tpu.dma_semaphore, #tpu.memory_space<semaphore_mem>>, %arg18: memref<!tpu.dma_semaphore, #tpu.memory_space<semaphore_mem>>) attributes {dimension_semantics = [#tpu.dimension_semantics<core_parallel>, #tpu.dimension_semantics<subcore_parallel>], iteration_bounds = array<i64: 2, 16>, scalar_prefetch = 0 : i64, scratch_operands = 14 : i64, tpu.core_type = #tpu.core_type<sc_vector_subcore>, window_params = [{transform_indices = #map}, {transform_indices = #map}, {transform_indices = #map1}]} {
    %mul3A = arith.constant 16 : i32
    %mul3A_0 = arith.muli %arg0, %mul3A : i32
    %add3A = arith.addi %mul3A_0, %arg1 : i32
    %mul3A_1 = arith.constant 10000 : i32
    %mul3A_2 = arith.muli %add3A, %mul3A_1 : i32
    %mul3A_3 = arith.constant 632 : i32
    %mul3A_4 = arith.muli %arg1, %mul3A_3 : i32
    %scan3A = arith.constant 0 : i32
    %scan3A_5 = arith.constant 0 : i32
    %scan3A_6 = arith.constant 158 : i32
    %scan3A_7 = arith.addi %scan3A_5, %scan3A_6 : i32
    %scan3A_8 = arith.constant 1 : i32
    %scan3A_9 = scf.for %scan3A_433 = %scan3A_5 to %scan3A_7 step %scan3A_8 iter_args(%scan3A_434 = %scan3A) -> (i32)  : i32 {
      %broadcast_in_dim3A_435 = arith.constant 0.000000e+00 : f32
      %broadcast_in_dim3A_436 = vector.broadcast %broadcast_in_dim3A_435 : f32 to vector<16xf32>
      %swap3A_437 = arith.index_cast %scan3A_433 : i32 to index
      %swap3A_438 = arith.constant 0 : index
      %swap3A_439 = tpu.vector_load %arg12[%swap3A_437, %swap3A_438] {strides = array<i32>} : memref<158x16xf32, #tpu.memory_space<vmem>>, vector<1x16xf32>,
      %swap3A_440 = vector.shape_cast %swap3A_439 : vector<1x16xf32> to vector<16xf32>
      %swap3A_441 = vector.shape_cast %broadcast_in_dim3A_436 : vector<16xf32> to vector<1x16xf32>
      tpu.vector_store %arg12[%swap3A_437, %swap3A_438], %swap3A_441 {strides = array<i32>} : memref<158x16xf32, #tpu.memory_space<vmem>>, vector<1x16xf32>,
      %scan3A_442 = arith.constant 0 : i32
      scf.yield %scan3A_442 : i32
    }
    %scan3A_10 = arith.constant 158 : i32
    %broadcast_in_dim3A = arith.constant 0 : i32
    %broadcast_in_dim3A_11 = vector.broadcast %broadcast_in_dim3A : i32 to vector<16xi32>
    %swap3A = arith.constant 78 : i32
    %swap3A_12 = arith.index_cast %swap3A : i32 to index
    %swap3A_13 = arith.constant 0 : index
    %swap3A_14 = tpu.vector_load %arg5[%swap3A_12, %swap3A_13] {strides = array<i32>} : memref<80x128xi32, #tpu.memory_space<vmem>>, vector<1x16xi32>,
    %swap3A_15 = vector.shape_cast %swap3A_14 : vector<1x16xi32> to vector<16xi32>
    %swap3A_16 = vector.shape_cast %broadcast_in_dim3A_11 : vector<16xi32> to vector<1x16xi32>
    tpu.vector_store %arg5[%swap3A_12, %swap3A_13], %swap3A_16 {strides = array<i32>} : memref<80x128xi32, #tpu.memory_space<vmem>>, vector<1x16xi32>,
    %swap3A_17 = arith.constant 78 : i32
    %swap3A_18 = arith.index_cast %swap3A_17 : i32 to index
    %swap3A_19 = arith.constant 16 : index
    %swap3A_20 = tpu.vector_load %arg5[%swap3A_18, %swap3A_19] {strides = array<i32>} : memref<80x128xi32, #tpu.memory_space<vmem>>, vector<1x16xi32>,
    %swap3A_21 = vector.shape_cast %swap3A_20 : vector<1x16xi32> to vector<16xi32>
    %swap3A_22 = vector.shape_cast %broadcast_in_dim3A_11 : vector<16xi32> to vector<1x16xi32>
    tpu.vector_store %arg5[%swap3A_18, %swap3A_19], %swap3A_22 {strides = array<i32>} : memref<80x128xi32, #tpu.memory_space<vmem>>, vector<1x16xi32>,
    %swap3A_23 = arith.constant 78 : i32
    %swap3A_24 = arith.index_cast %swap3A_23 : i32 to index
    %swap3A_25 = arith.constant 32 : index
    %swap3A_26 = tpu.vector_load %arg5[%swap3A_24, %swap3A_25] {strides = array<i32>} : memref<80x128xi32, #tpu.memory_space<vmem>>, vector<1x16xi32>,
    %swap3A_27 = vector.shape_cast %swap3A_26 : vector<1x16xi32> to vector<16xi32>
    %swap3A_28 = vector.shape_cast %broadcast_in_dim3A_11 : vector<16xi32> to vector<1x16xi32>
    tpu.vector_store %arg5[%swap3A_24, %swap3A_25], %swap3A_28 {strides = array<i32>} : memref<80x128xi32, #tpu.memory_space<vmem>>, vector<1x16xi32>,
    %swap3A_29 = arith.constant 78 : i32
    %swap3A_30 = arith.index_cast %swap3A_29 : i32 to index
    %swap3A_31 = arith.constant 48 : index
    %swap3A_32 = tpu.vector_load %arg5[%swap3A_30, %swap3A_31] {strides = array<i32>} : memref<80x128xi32, #tpu.memory_space<vmem>>, vector<1x16xi32>,
    %swap3A_33 = vector.shape_cast %swap3A_32 : vector<1x16xi32> to vector<16xi32>
    %swap3A_34 = vector.shape_cast %broadcast_in_dim3A_11 : vector<16xi32> to vector<1x16xi32>
    tpu.vector_store %arg5[%swap3A_30, %swap3A_31], %swap3A_34 {strides = array<i32>} : memref<80x128xi32, #tpu.memory_space<vmem>>, vector<1x16xi32>,
    %swap3A_35 = arith.constant 78 : i32
    %swap3A_36 = arith.index_cast %swap3A_35 : i32 to index
    %swap3A_37 = arith.constant 64 : index
    %swap3A_38 = tpu.vector_load %arg5[%swap3A_36, %swap3A_37] {strides = array<i32>} : memref<80x128xi32, #tpu.memory_space<vmem>>, vector<1x16xi32>,
    %swap3A_39 = vector.shape_cast %swap3A_38 : vector<1x16xi32> to vector<16xi32>
    %swap3A_40 = vector.shape_cast %broadcast_in_dim3A_11 : vector<16xi32> to vector<1x16xi32>
    tpu.vector_store %arg5[%swap3A_36, %swap3A_37], %swap3A_40 {strides = array<i32>} : memref<80x128xi32, #tpu.memory_space<vmem>>, vector<1x16xi32>,
    %swap3A_41 = arith.constant 78 : i32
    %swap3A_42 = arith.index_cast %swap3A_41 : i32 to index
    %swap3A_43 = arith.constant 80 : index
    %swap3A_44 = tpu.vector_load %arg5[%swap3A_42, %swap3A_43] {strides = array<i32>} : memref<80x128xi32, #tpu.memory_space<vmem>>, vector<1x16xi32>,
    %swap3A_45 = vector.shape_cast %swap3A_44 : vector<1x16xi32> to vector<16xi32>
    %swap3A_46 = vector.shape_cast %broadcast_in_dim3A_11 : vector<16xi32> to vector<1x16xi32>
    tpu.vector_store %arg5[%swap3A_42, %swap3A_43], %swap3A_46 {strides = array<i32>} : memref<80x128xi32, #tpu.memory_space<vmem>>, vector<1x16xi32>,
    %swap3A_47 = arith.constant 78 : i32
    %swap3A_48 = arith.index_cast %swap3A_47 : i32 to index
    %swap3A_49 = arith.constant 96 : index
    %swap3A_50 = tpu.vector_load %arg5[%swap3A_48, %swap3A_49] {strides = array<i32>} : memref<80x128xi32, #tpu.memory_space<vmem>>, vector<1x16xi32>,
    %swap3A_51 = vector.shape_cast %swap3A_50 : vector<1x16xi32> to vector<16xi32>
    %swap3A_52 = vector.shape_cast %broadcast_in_dim3A_11 : vector<16xi32> to vector<1x16xi32>
    tpu.vector_store %arg5[%swap3A_48, %swap3A_49], %swap3A_52 {strides = array<i32>} : memref<80x128xi32, #tpu.memory_space<vmem>>, vector<1x16xi32>,
    %swap3A_53 = arith.constant 78 : i32
    %swap3A_54 = arith.index_cast %swap3A_53 : i32 to index
    %swap3A_55 = arith.constant 112 : index
    %swap3A_56 = tpu.vector_load %arg5[%swap3A_54, %swap3A_55] {strides = array<i32>} : memref<80x128xi32, #tpu.memory_space<vmem>>, vector<1x16xi32>,
    %swap3A_57 = vector.shape_cast %swap3A_56 : vector<1x16xi32> to vector<16xi32>
    %swap3A_58 = vector.shape_cast %broadcast_in_dim3A_11 : vector<16xi32> to vector<1x16xi32>
    tpu.vector_store %arg5[%swap3A_54, %swap3A_55], %swap3A_58 {strides = array<i32>} : memref<80x128xi32, #tpu.memory_space<vmem>>, vector<1x16xi32>,
    %broadcast_in_dim3A_59 = arith.constant 10000 : i32
    %broadcast_in_dim3A_60 = vector.broadcast %broadcast_in_dim3A_59 : i32 to vector<16xi32>
    %swap3A_61 = arith.constant 78 : i32
    %swap3A_62 = arith.index_cast %swap3A_61 : i32 to index
    %swap3A_63 = arith.constant 0 : index
    %swap3A_64 = tpu.vector_load %arg6[%swap3A_62, %swap3A_63] {strides = array<i32>} : memref<80x128xi32, #tpu.memory_space<vmem>>, vector<1x16xi32>,
    %swap3A_65 = vector.shape_cast %swap3A_64 : vector<1x16xi32> to vector<16xi32>
    %swap3A_66 = vector.shape_cast %broadcast_in_dim3A_60 : vector<16xi32> to vector<1x16xi32>
    tpu.vector_store %arg6[%swap3A_62, %swap3A_63], %swap3A_66 {strides = array<i32>} : memref<80x128xi32, #tpu.memory_space<vmem>>, vector<1x16xi32>,
    %swap3A_67 = arith.constant 78 : i32
    %swap3A_68 = arith.index_cast %swap3A_67 : i32 to index
    %swap3A_69 = arith.constant 16 : index
    %swap3A_70 = tpu.vector_load %arg6[%swap3A_68, %swap3A_69] {strides = array<i32>} : memref<80x128xi32, #tpu.memory_space<vmem>>, vector<1x16xi32>,
    %swap3A_71 = vector.shape_cast %swap3A_70 : vector<1x16xi32> to vector<16xi32>
    %swap3A_72 = vector.shape_cast %broadcast_in_dim3A_60 : vector<16xi32> to vector<1x16xi32>
    tpu.vector_store %arg6[%swap3A_68, %swap3A_69], %swap3A_72 {strides = array<i32>} : memref<80x128xi32, #tpu.memory_space<vmem>>, vector<1x16xi32>,
    %swap3A_73 = arith.constant 78 : i32
    %swap3A_74 = arith.index_cast %swap3A_73 : i32 to index
    %swap3A_75 = arith.constant 32 : index
    %swap3A_76 = tpu.vector_load %arg6[%swap3A_74, %swap3A_75] {strides = array<i32>} : memref<80x128xi32, #tpu.memory_space<vmem>>, vector<1x16xi32>,
    %swap3A_77 = vector.shape_cast %swap3A_76 : vector<1x16xi32> to vector<16xi32>
    %swap3A_78 = vector.shape_cast %broadcast_in_dim3A_60 : vector<16xi32> to vector<1x16xi32>
    tpu.vector_store %arg6[%swap3A_74, %swap3A_75], %swap3A_78 {strides = array<i32>} : memref<80x128xi32, #tpu.memory_space<vmem>>, vector<1x16xi32>,
    %swap3A_79 = arith.constant 78 : i32
    %swap3A_80 = arith.index_cast %swap3A_79 : i32 to index
    %swap3A_81 = arith.constant 48 : index
    %swap3A_82 = tpu.vector_load %arg6[%swap3A_80, %swap3A_81] {strides = array<i32>} : memref<80x128xi32, #tpu.memory_space<vmem>>, vector<1x16xi32>,
    %swap3A_83 = vector.shape_cast %swap3A_82 : vector<1x16xi32> to vector<16xi32>
    %swap3A_84 = vector.shape_cast %broadcast_in_dim3A_60 : vector<16xi32> to vector<1x16xi32>
    tpu.vector_store %arg6[%swap3A_80, %swap3A_81], %swap3A_84 {strides = array<i32>} : memref<80x128xi32, #tpu.memory_space<vmem>>, vector<1x16xi32>,
    %swap3A_85 = arith.constant 78 : i32
    %swap3A_86 = arith.index_cast %swap3A_85 : i32 to index
    %swap3A_87 = arith.constant 64 : index
    %swap3A_88 = tpu.vector_load %arg6[%swap3A_86, %swap3A_87] {strides = array<i32>} : memref<80x128xi32, #tpu.memory_space<vmem>>, vector<1x16xi32>,
    %swap3A_89 = vector.shape_cast %swap3A_88 : vector<1x16xi32> to vector<16xi32>
    %swap3A_90 = vector.shape_cast %broadcast_in_dim3A_60 : vector<16xi32> to vector<1x16xi32>
    tpu.vector_store %arg6[%swap3A_86, %swap3A_87], %swap3A_90 {strides = array<i32>} : memref<80x128xi32, #tpu.memory_space<vmem>>, vector<1x16xi32>,
    %swap3A_91 = arith.constant 78 : i32
    %swap3A_92 = arith.index_cast %swap3A_91 : i32 to index
    %swap3A_93 = arith.constant 80 : index
    %swap3A_94 = tpu.vector_load %arg6[%swap3A_92, %swap3A_93] {strides = array<i32>} : memref<80x128xi32, #tpu.memory_space<vmem>>, vector<1x16xi32>,
    %swap3A_95 = vector.shape_cast %swap3A_94 : vector<1x16xi32> to vector<16xi32>
    %swap3A_96 = vector.shape_cast %broadcast_in_dim3A_60 : vector<16xi32> to vector<1x16xi32>
    tpu.vector_store %arg6[%swap3A_92, %swap3A_93], %swap3A_96 {strides = array<i32>} : memref<80x128xi32, #tpu.memory_space<vmem>>, vector<1x16xi32>,
    %swap3A_97 = arith.constant 78 : i32
    %swap3A_98 = arith.index_cast %swap3A_97 : i32 to index
    %swap3A_99 = arith.constant 96 : index
    %swap3A_100 = tpu.vector_load %arg6[%swap3A_98, %swap3A_99] {strides = array<i32>} : memref<80x128xi32, #tpu.memory_space<vmem>>, vector<1x16xi32>,
    %swap3A_101 = vector.shape_cast %swap3A_100 : vector<1x16xi32> to vector<16xi32>
    %swap3A_102 = vector.shape_cast %broadcast_in_dim3A_60 : vector<16xi32> to vector<1x16xi32>
    tpu.vector_store %arg6[%swap3A_98, %swap3A_99], %swap3A_102 {strides = array<i32>} : memref<80x128xi32, #tpu.memory_space<vmem>>, vector<1x16xi32>,
    %swap3A_103 = arith.constant 78 : i32
    %swap3A_104 = arith.index_cast %swap3A_103 : i32 to index
    %swap3A_105 = arith.constant 112 : index
    %swap3A_106 = tpu.vector_load %arg6[%swap3A_104, %swap3A_105] {strides = array<i32>} : memref<80x128xi32, #tpu.memory_space<vmem>>, vector<1x16xi32>,
    %swap3A_107 = vector.shape_cast %swap3A_106 : vector<1x16xi32> to vector<16xi32>
    %swap3A_108 = vector.shape_cast %broadcast_in_dim3A_60 : vector<16xi32> to vector<1x16xi32>
    tpu.vector_store %arg6[%swap3A_104, %swap3A_105], %swap3A_108 {strides = array<i32>} : memref<80x128xi32, #tpu.memory_space<vmem>>, vector<1x16xi32>,
    %broadcast_in_dim3A_109 = arith.constant 0 : i32
    %broadcast_in_dim3A_110 = vector.broadcast %broadcast_in_dim3A_109 : i32 to vector<16xi32>
    %swap3A_111 = arith.constant 79 : i32
    %swap3A_112 = arith.index_cast %swap3A_111 : i32 to index
    %swap3A_113 = arith.constant 0 : index
    %swap3A_114 = tpu.vector_load %arg5[%swap3A_112, %swap3A_113] {strides = array<i32>} : memref<80x128xi32, #tpu.memory_space<vmem>>, vector<1x16xi32>,
    %swap3A_115 = vector.shape_cast %swap3A_114 : vector<1x16xi32> to vector<16xi32>
    %swap3A_116 = vector.shape_cast %broadcast_in_dim3A_110 : vector<16xi32> to vector<1x16xi32>
    tpu.vector_store %arg5[%swap3A_112, %swap3A_113], %swap3A_116 {strides = array<i32>} : memref<80x128xi32, #tpu.memory_space<vmem>>, vector<1x16xi32>,
    %swap3A_117 = arith.constant 79 : i32
    %swap3A_118 = arith.index_cast %swap3A_117 : i32 to index
    %swap3A_119 = arith.constant 16 : index
    %swap3A_120 = tpu.vector_load %arg5[%swap3A_118, %swap3A_119] {strides = array<i32>} : memref<80x128xi32, #tpu.memory_space<vmem>>, vector<1x16xi32>,
    %swap3A_121 = vector.shape_cast %swap3A_120 : vector<1x16xi32> to vector<16xi32>
    %swap3A_122 = vector.shape_cast %broadcast_in_dim3A_110 : vector<16xi32> to vector<1x16xi32>
    tpu.vector_store %arg5[%swap3A_118, %swap3A_119], %swap3A_122 {strides = array<i32>} : memref<80x128xi32, #tpu.memory_space<vmem>>, vector<1x16xi32>,
    %swap3A_123 = arith.constant 79 : i32
    %swap3A_124 = arith.index_cast %swap3A_123 : i32 to index
    %swap3A_125 = arith.constant 32 : index
    %swap3A_126 = tpu.vector_load %arg5[%swap3A_124, %swap3A_125] {strides = array<i32>} : memref<80x128xi32, #tpu.memory_space<vmem>>, vector<1x16xi32>,
    %swap3A_127 = vector.shape_cast %swap3A_126 : vector<1x16xi32> to vector<16xi32>
    %swap3A_128 = vector.shape_cast %broadcast_in_dim3A_110 : vector<16xi32> to vector<1x16xi32>
    tpu.vector_store %arg5[%swap3A_124, %swap3A_125], %swap3A_128 {strides = array<i32>} : memref<80x128xi32, #tpu.memory_space<vmem>>, vector<1x16xi32>,
    %swap3A_129 = arith.constant 79 : i32
    %swap3A_130 = arith.index_cast %swap3A_129 : i32 to index
    %swap3A_131 = arith.constant 48 : index
    %swap3A_132 = tpu.vector_load %arg5[%swap3A_130, %swap3A_131] {strides = array<i32>} : memref<80x128xi32, #tpu.memory_space<vmem>>, vector<1x16xi32>,
    %swap3A_133 = vector.shape_cast %swap3A_132 : vector<1x16xi32> to vector<16xi32>
    %swap3A_134 = vector.shape_cast %broadcast_in_dim3A_110 : vector<16xi32> to vector<1x16xi32>
    tpu.vector_store %arg5[%swap3A_130, %swap3A_131], %swap3A_134 {strides = array<i32>} : memref<80x128xi32, #tpu.memory_space<vmem>>, vector<1x16xi32>,
    %swap3A_135 = arith.constant 79 : i32
    %swap3A_136 = arith.index_cast %swap3A_135 : i32 to index
    %swap3A_137 = arith.constant 64 : index
    %swap3A_138 = tpu.vector_load %arg5[%swap3A_136, %swap3A_137] {strides = array<i32>} : memref<80x128xi32, #tpu.memory_space<vmem>>, vector<1x16xi32>,
    %swap3A_139 = vector.shape_cast %swap3A_138 : vector<1x16xi32> to vector<16xi32>
    %swap3A_140 = vector.shape_cast %broadcast_in_dim3A_110 : vector<16xi32> to vector<1x16xi32>
    tpu.vector_store %arg5[%swap3A_136, %swap3A_137], %swap3A_140 {strides = array<i32>} : memref<80x128xi32, #tpu.memory_space<vmem>>, vector<1x16xi32>,
    %swap3A_141 = arith.constant 79 : i32
    %swap3A_142 = arith.index_cast %swap3A_141 : i32 to index
    %swap3A_143 = arith.constant 80 : index
    %swap3A_144 = tpu.vector_load %arg5[%swap3A_142, %swap3A_143] {strides = array<i32>} : memref<80x128xi32, #tpu.memory_space<vmem>>, vector<1x16xi32>,
    %swap3A_145 = vector.shape_cast %swap3A_144 : vector<1x16xi32> to vector<16xi32>
    %swap3A_146 = vector.shape_cast %broadcast_in_dim3A_110 : vector<16xi32> to vector<1x16xi32>
    tpu.vector_store %arg5[%swap3A_142, %swap3A_143], %swap3A_146 {strides = array<i32>} : memref<80x128xi32, #tpu.memory_space<vmem>>, vector<1x16xi32>,
    %swap3A_147 = arith.constant 79 : i32
    %swap3A_148 = arith.index_cast %swap3A_147 : i32 to index
    %swap3A_149 = arith.constant 96 : index
    %swap3A_150 = tpu.vector_load %arg5[%swap3A_148, %swap3A_149] {strides = array<i32>} : memref<80x128xi32, #tpu.memory_space<vmem>>, vector<1x16xi32>,
    %swap3A_151 = vector.shape_cast %swap3A_150 : vector<1x16xi32> to vector<16xi32>
    %swap3A_152 = vector.shape_cast %broadcast_in_dim3A_110 : vector<16xi32> to vector<1x16xi32>
    tpu.vector_store %arg5[%swap3A_148, %swap3A_149], %swap3A_152 {strides = array<i32>} : memref<80x128xi32, #tpu.memory_space<vmem>>, vector<1x16xi32>,
    %swap3A_153 = arith.constant 79 : i32
    %swap3A_154 = arith.index_cast %swap3A_153 : i32 to index
    %swap3A_155 = arith.constant 112 : index
    %swap3A_156 = tpu.vector_load %arg5[%swap3A_154, %swap3A_155] {strides = array<i32>} : memref<80x128xi32, #tpu.memory_space<vmem>>, vector<1x16xi32>,
    %swap3A_157 = vector.shape_cast %swap3A_156 : vector<1x16xi32> to vector<16xi32>
    %swap3A_158 = vector.shape_cast %broadcast_in_dim3A_110 : vector<16xi32> to vector<1x16xi32>
    tpu.vector_store %arg5[%swap3A_154, %swap3A_155], %swap3A_158 {strides = array<i32>} : memref<80x128xi32, #tpu.memory_space<vmem>>, vector<1x16xi32>,
    %broadcast_in_dim3A_159 = arith.constant 10000 : i32
    %broadcast_in_dim3A_160 = vector.broadcast %broadcast_in_dim3A_159 : i32 to vector<16xi32>
    %swap3A_161 = arith.constant 79 : i32
    %swap3A_162 = arith.index_cast %swap3A_161 : i32 to index
    %swap3A_163 = arith.constant 0 : index
    %swap3A_164 = tpu.vector_load %arg6[%swap3A_162, %swap3A_163] {strides = array<i32>} : memref<80x128xi32, #tpu.memory_space<vmem>>, vector<1x16xi32>,
    %swap3A_165 = vector.shape_cast %swap3A_164 : vector<1x16xi32> to vector<16xi32>
    %swap3A_166 = vector.shape_cast %broadcast_in_dim3A_160 : vector<16xi32> to vector<1x16xi32>
    tpu.vector_store %arg6[%swap3A_162, %swap3A_163], %swap3A_166 {strides = array<i32>} : memref<80x128xi32, #tpu.memory_space<vmem>>, vector<1x16xi32>,
    %swap3A_167 = arith.constant 79 : i32
    %swap3A_168 = arith.index_cast %swap3A_167 : i32 to index
    %swap3A_169 = arith.constant 16 : index
    %swap3A_170 = tpu.vector_load %arg6[%swap3A_168, %swap3A_169] {strides = array<i32>} : memref<80x128xi32, #tpu.memory_space<vmem>>, vector<1x16xi32>,
    %swap3A_171 = vector.shape_cast %swap3A_170 : vector<1x16xi32> to vector<16xi32>
    %swap3A_172 = vector.shape_cast %broadcast_in_dim3A_160 : vector<16xi32> to vector<1x16xi32>
    tpu.vector_store %arg6[%swap3A_168, %swap3A_169], %swap3A_172 {strides = array<i32>} : memref<80x128xi32, #tpu.memory_space<vmem>>, vector<1x16xi32>,
    %swap3A_173 = arith.constant 79 : i32
    %swap3A_174 = arith.index_cast %swap3A_173 : i32 to index
    %swap3A_175 = arith.constant 32 : index
    %swap3A_176 = tpu.vector_load %arg6[%swap3A_174, %swap3A_175] {strides = array<i32>} : memref<80x128xi32, #tpu.memory_space<vmem>>, vector<1x16xi32>,
    %swap3A_177 = vector.shape_cast %swap3A_176 : vector<1x16xi32> to vector<16xi32>
    %swap3A_178 = vector.shape_cast %broadcast_in_dim3A_160 : vector<16xi32> to vector<1x16xi32>
    tpu.vector_store %arg6[%swap3A_174, %swap3A_175], %swap3A_178 {strides = array<i32>} : memref<80x128xi32, #tpu.memory_space<vmem>>, vector<1x16xi32>,
    %swap3A_179 = arith.constant 79 : i32
    %swap3A_180 = arith.index_cast %swap3A_179 : i32 to index
    %swap3A_181 = arith.constant 48 : index
    %swap3A_182 = tpu.vector_load %arg6[%swap3A_180, %swap3A_181] {strides = array<i32>} : memref<80x128xi32, #tpu.memory_space<vmem>>, vector<1x16xi32>,
    %swap3A_183 = vector.shape_cast %swap3A_182 : vector<1x16xi32> to vector<16xi32>
    %swap3A_184 = vector.shape_cast %broadcast_in_dim3A_160 : vector<16xi32> to vector<1x16xi32>
    tpu.vector_store %arg6[%swap3A_180, %swap3A_181], %swap3A_184 {strides = array<i32>} : memref<80x128xi32, #tpu.memory_space<vmem>>, vector<1x16xi32>,
    %swap3A_185 = arith.constant 79 : i32
    %swap3A_186 = arith.index_cast %swap3A_185 : i32 to index
    %swap3A_187 = arith.constant 64 : index
    %swap3A_188 = tpu.vector_load %arg6[%swap3A_186, %swap3A_187] {strides = array<i32>} : memref<80x128xi32, #tpu.memory_space<vmem>>, vector<1x16xi32>,
    %swap3A_189 = vector.shape_cast %swap3A_188 : vector<1x16xi32> to vector<16xi32>
    %swap3A_190 = vector.shape_cast %broadcast_in_dim3A_160 : vector<16xi32> to vector<1x16xi32>
    tpu.vector_store %arg6[%swap3A_186, %swap3A_187], %swap3A_190 {strides = array<i32>} : memref<80x128xi32, #tpu.memory_space<vmem>>, vector<1x16xi32>,
    %swap3A_191 = arith.constant 79 : i32
    %swap3A_192 = arith.index_cast %swap3A_191 : i32 to index
    %swap3A_193 = arith.constant 80 : index
    %swap3A_194 = tpu.vector_load %arg6[%swap3A_192, %swap3A_193] {strides = array<i32>} : memref<80x128xi32, #tpu.memory_space<vmem>>, vector<1x16xi32>,
    %swap3A_195 = vector.shape_cast %swap3A_194 : vector<1x16xi32> to vector<16xi32>
    %swap3A_196 = vector.shape_cast %broadcast_in_dim3A_160 : vector<16xi32> to vector<1x16xi32>
    tpu.vector_store %arg6[%swap3A_192, %swap3A_193], %swap3A_196 {strides = array<i32>} : memref<80x128xi32, #tpu.memory_space<vmem>>, vector<1x16xi32>,
    %swap3A_197 = arith.constant 79 : i32
    %swap3A_198 = arith.index_cast %swap3A_197 : i32 to index
    %swap3A_199 = arith.constant 96 : index
    %swap3A_200 = tpu.vector_load %arg6[%swap3A_198, %swap3A_199] {strides = array<i32>} : memref<80x128xi32, #tpu.memory_space<vmem>>, vector<1x16xi32>,
    %swap3A_201 = vector.shape_cast %swap3A_200 : vector<1x16xi32> to vector<16xi32>
    %swap3A_202 = vector.shape_cast %broadcast_in_dim3A_160 : vector<16xi32> to vector<1x16xi32>
    tpu.vector_store %arg6[%swap3A_198, %swap3A_199], %swap3A_202 {strides = array<i32>} : memref<80x128xi32, #tpu.memory_space<vmem>>, vector<1x16xi32>,
    %swap3A_203 = arith.constant 79 : i32
    %swap3A_204 = arith.index_cast %swap3A_203 : i32 to index
    %swap3A_205 = arith.constant 112 : index
    %swap3A_206 = tpu.vector_load %arg6[%swap3A_204, %swap3A_205] {strides = array<i32>} : memref<80x128xi32, #tpu.memory_space<vmem>>, vector<1x16xi32>,
    %swap3A_207 = vector.shape_cast %swap3A_206 : vector<1x16xi32> to vector<16xi32>
    %swap3A_208 = vector.shape_cast %broadcast_in_dim3A_160 : vector<16xi32> to vector<1x16xi32>
    tpu.vector_store %arg6[%swap3A_204, %swap3A_205], %swap3A_208 {strides = array<i32>} : memref<80x128xi32, #tpu.memory_space<vmem>>, vector<1x16xi32>,
    %add3A_209 = arith.constant 0 : i32
    %add3A_210 = arith.addi %mul3A_4, %add3A_209 : i32
    "tpu.region"() ({
      %run_scoped3A_433 = tpu.sem_alloc : memref<!tpu.dma_semaphore, #tpu.memory_space<semaphore_mem>>
      %dma_start3A_434 = arith.constant 0 : i32
      %dma_start3A_435 = tpu.memref_slice %arg13[%add3A_210, %dma_start3A_434] : memref<10112x16xf32, #tpu.memory_space<vmem_shared>> -> memref<158x16xf32, #tpu.memory_space<vmem_shared>>
      %dma_start3A_436 = arith.constant 0 : i32
      %dma_start3A_437 = tpu.memref_slice %arg13[%add3A_210, %dma_start3A_436] : memref<10112x16xf32, #tpu.memory_space<vmem_shared>> -> memref<158x16xf32, #tpu.memory_space<vmem_shared>>
      tpu.enqueue_dma source(%arg12 : memref<158x16xf32, #tpu.memory_space<vmem>>) target(%dma_start3A_437 : memref<158x16xf32, #tpu.memory_space<vmem_shared>>) target_semaphore(%run_scoped3A_433 : memref<!tpu.dma_semaphore, #tpu.memory_space<semaphore_mem>>)
      %dma_wait3A_438 = arith.constant 0 : i32
      %dma_wait3A_439 = tpu.memref_slice %arg13[%add3A_210, %dma_wait3A_438] : memref<10112x16xf32, #tpu.memory_space<vmem_shared>> -> memref<158x16xf32, #tpu.memory_space<vmem_shared>>
      %dma_wait3A_440 = arith.constant 0 : i32
      %dma_wait3A_441 = tpu.memref_slice %arg13[%add3A_210, %dma_wait3A_440] : memref<10112x16xf32, #tpu.memory_space<vmem_shared>> -> memref<158x16xf32, #tpu.memory_space<vmem_shared>>
      tpu.wait_dma2 semaphore(%run_scoped3A_433 : memref<!tpu.dma_semaphore, #tpu.memory_space<semaphore_mem>>) src(%arg12 : memref<158x16xf32, #tpu.memory_space<vmem>>) dst(%dma_wait3A_441 : memref<158x16xf32, #tpu.memory_space<vmem_shared>>)
      tpu.yield
    }) : () -> ()
    %add3A_211 = arith.constant 158 : i32
    %add3A_212 = arith.addi %mul3A_4, %add3A_211 : i32
    "tpu.region"() ({
      %run_scoped3A_433 = tpu.sem_alloc : memref<!tpu.dma_semaphore, #tpu.memory_space<semaphore_mem>>
      %dma_start3A_434 = arith.constant 0 : i32
      %dma_start3A_435 = tpu.memref_slice %arg13[%add3A_212, %dma_start3A_434] : memref<10112x16xf32, #tpu.memory_space<vmem_shared>> -> memref<158x16xf32, #tpu.memory_space<vmem_shared>>
      %dma_start3A_436 = arith.constant 0 : i32
      %dma_start3A_437 = tpu.memref_slice %arg13[%add3A_212, %dma_start3A_436] : memref<10112x16xf32, #tpu.memory_space<vmem_shared>> -> memref<158x16xf32, #tpu.memory_space<vmem_shared>>
      tpu.enqueue_dma source(%arg12 : memref<158x16xf32, #tpu.memory_space<vmem>>) target(%dma_start3A_437 : memref<158x16xf32, #tpu.memory_space<vmem_shared>>) target_semaphore(%run_scoped3A_433 : memref<!tpu.dma_semaphore, #tpu.memory_space<semaphore_mem>>)
      %dma_wait3A_438 = arith.constant 0 : i32
      %dma_wait3A_439 = tpu.memref_slice %arg13[%add3A_212, %dma_wait3A_438] : memref<10112x16xf32, #tpu.memory_space<vmem_shared>> -> memref<158x16xf32, #tpu.memory_space<vmem_shared>>
      %dma_wait3A_440 = arith.constant 0 : i32
      %dma_wait3A_441 = tpu.memref_slice %arg13[%add3A_212, %dma_wait3A_440] : memref<10112x16xf32, #tpu.memory_space<vmem_shared>> -> memref<158x16xf32, #tpu.memory_space<vmem_shared>>
      tpu.wait_dma2 semaphore(%run_scoped3A_433 : memref<!tpu.dma_semaphore, #tpu.memory_space<semaphore_mem>>) src(%arg12 : memref<158x16xf32, #tpu.memory_space<vmem>>) dst(%dma_wait3A_441 : memref<158x16xf32, #tpu.memory_space<vmem_shared>>)
      tpu.yield
    }) : () -> ()
    %add3A_213 = arith.constant 316 : i32
    %add3A_214 = arith.addi %mul3A_4, %add3A_213 : i32
    "tpu.region"() ({
      %run_scoped3A_433 = tpu.sem_alloc : memref<!tpu.dma_semaphore, #tpu.memory_space<semaphore_mem>>
      %dma_start3A_434 = arith.constant 0 : i32
      %dma_start3A_435 = tpu.memref_slice %arg13[%add3A_214, %dma_start3A_434] : memref<10112x16xf32, #tpu.memory_space<vmem_shared>> -> memref<158x16xf32, #tpu.memory_space<vmem_shared>>
      %dma_start3A_436 = arith.constant 0 : i32
      %dma_start3A_437 = tpu.memref_slice %arg13[%add3A_214, %dma_start3A_436] : memref<10112x16xf32, #tpu.memory_space<vmem_shared>> -> memref<158x16xf32, #tpu.memory_space<vmem_shared>>
      tpu.enqueue_dma source(%arg12 : memref<158x16xf32, #tpu.memory_space<vmem>>) target(%dma_start3A_437 : memref<158x16xf32, #tpu.memory_space<vmem_shared>>) target_semaphore(%run_scoped3A_433 : memref<!tpu.dma_semaphore, #tpu.memory_space<semaphore_mem>>)
      %dma_wait3A_438 = arith.constant 0 : i32
      %dma_wait3A_439 = tpu.memref_slice %arg13[%add3A_214, %dma_wait3A_438] : memref<10112x16xf32, #tpu.memory_space<vmem_shared>> -> memref<158x16xf32, #tpu.memory_space<vmem_shared>>
      %dma_wait3A_440 = arith.constant 0 : i32
      %dma_wait3A_441 = tpu.memref_slice %arg13[%add3A_214, %dma_wait3A_440] : memref<10112x16xf32, #tpu.memory_space<vmem_shared>> -> memref<158x16xf32, #tpu.memory_space<vmem_shared>>
      tpu.wait_dma2 semaphore(%run_scoped3A_433 : memref<!tpu.dma_semaphore, #tpu.memory_space<semaphore_mem>>) src(%arg12 : memref<158x16xf32, #tpu.memory_space<vmem>>) dst(%dma_wait3A_441 : memref<158x16xf32, #tpu.memory_space<vmem_shared>>)
      tpu.yield
    }) : () -> ()
    %add3A_215 = arith.constant 474 : i32
    %add3A_216 = arith.addi %mul3A_4, %add3A_215 : i32
    "tpu.region"() ({
      %run_scoped3A_433 = tpu.sem_alloc : memref<!tpu.dma_semaphore, #tpu.memory_space<semaphore_mem>>
      %dma_start3A_434 = arith.constant 0 : i32
      %dma_start3A_435 = tpu.memref_slice %arg13[%add3A_216, %dma_start3A_434] : memref<10112x16xf32, #tpu.memory_space<vmem_shared>> -> memref<158x16xf32, #tpu.memory_space<vmem_shared>>
      %dma_start3A_436 = arith.constant 0 : i32
      %dma_start3A_437 = tpu.memref_slice %arg13[%add3A_216, %dma_start3A_436] : memref<10112x16xf32, #tpu.memory_space<vmem_shared>> -> memref<158x16xf32, #tpu.memory_space<vmem_shared>>
      tpu.enqueue_dma source(%arg12 : memref<158x16xf32, #tpu.memory_space<vmem>>) target(%dma_start3A_437 : memref<158x16xf32, #tpu.memory_space<vmem_shared>>) target_semaphore(%run_scoped3A_433 : memref<!tpu.dma_semaphore, #tpu.memory_space<semaphore_mem>>)
      %dma_wait3A_438 = arith.constant 0 : i32
      %dma_wait3A_439 = tpu.memref_slice %arg13[%add3A_216, %dma_wait3A_438] : memref<10112x16xf32, #tpu.memory_space<vmem_shared>> -> memref<158x16xf32, #tpu.memory_space<vmem_shared>>
      %dma_wait3A_440 = arith.constant 0 : i32
      %dma_wait3A_441 = tpu.memref_slice %arg13[%add3A_216, %dma_wait3A_440] : memref<10112x16xf32, #tpu.memory_space<vmem_shared>> -> memref<158x16xf32, #tpu.memory_space<vmem_shared>>
      tpu.wait_dma2 semaphore(%run_scoped3A_433 : memref<!tpu.dma_semaphore, #tpu.memory_space<semaphore_mem>>) src(%arg12 : memref<158x16xf32, #tpu.memory_space<vmem>>) dst(%dma_wait3A_441 : memref<158x16xf32, #tpu.memory_space<vmem_shared>>)
      tpu.yield
    }) : () -> ()
    %scan3A_217 = arith.constant 0 : i32
    %scan3A_218 = arith.constant 0 : i32
    %scan3A_219 = arith.constant 78 : i32
    %scan3A_220 = arith.addi %scan3A_218, %scan3A_219 : i32
    %scan3A_221 = arith.constant 1 : i32
    %scan3A_222 = scf.for %scan3A_433 = %scan3A_218 to %scan3A_220 step %scan3A_221 iter_args(%scan3A_434 = %scan3A_217) -> (i32)  : i32 {
      %mul3A_435 = arith.constant 128 : i32
      %mul3A_436 = arith.muli %scan3A_433, %mul3A_435 : i32
      %add3A_437 = arith.addi %mul3A_2, %mul3A_436 : i32
      %dma_start3A_438 = arith.constant 0 : i32
      %dma_start3A_439 = arith.constant 0 : i32
      %dma_start3A_440 = tpu.memref_slice %arg5[%scan3A_433, %dma_start3A_439] : memref<80x128xi32, #tpu.memory_space<vmem>> -> memref<1x128xi32, #tpu.memory_space<vmem>>
      %dma_start3A_441 = tpu.memref_squeeze %dma_start3A_440 : memref<1x128xi32, #tpu.memory_space<vmem>> -> memref<128xi32, #tpu.memory_space<vmem>>
      %dma_start3A_442 = tpu.memref_slice %arg3[%dma_start3A_438, %add3A_437] : memref<2x320000xi32, #tpu.memory_space<hbm>> -> memref<1x128xi32, #tpu.memory_space<hbm>>
      %dma_start3A_443 = tpu.memref_squeeze %dma_start3A_442 : memref<1x128xi32, #tpu.memory_space<hbm>> -> memref<128xi32, #tpu.memory_space<hbm>>
      %dma_start3A_444 = arith.constant 0 : i32
      %dma_start3A_445 = tpu.memref_slice %arg5[%scan3A_433, %dma_start3A_444] : memref<80x128xi32, #tpu.memory_space<vmem>> -> memref<1x128xi32, #tpu.memory_space<vmem>>
      %dma_start3A_446 = tpu.memref_squeeze %dma_start3A_445 : memref<1x128xi32, #tpu.memory_space<vmem>> -> memref<128xi32, #tpu.memory_space<vmem>>
      %dma_start3A_447 = tpu.memref_slice %arg3[%dma_start3A_438, %add3A_437] : memref<2x320000xi32, #tpu.memory_space<hbm>> -> memref<1x128xi32, #tpu.memory_space<hbm>>
      %dma_start3A_448 = tpu.memref_squeeze %dma_start3A_447 : memref<1x128xi32, #tpu.memory_space<hbm>> -> memref<128xi32, #tpu.memory_space<hbm>>
      tpu.enqueue_dma source(%dma_start3A_448 : memref<128xi32, #tpu.memory_space<hbm>>) target(%dma_start3A_446 : memref<128xi32, #tpu.memory_space<vmem>>) target_semaphore(%arg14 : memref<!tpu.dma_semaphore, #tpu.memory_space<semaphore_mem>>)
      %scan3A_449 = arith.constant 0 : i32
      scf.yield %scan3A_449 : i32
    }
    %scan3A_223 = arith.constant 78 : i32
    %add3A_224 = arith.constant 9984 : i32
    %add3A_225 = arith.addi %mul3A_2, %add3A_224 : i32
    %dma_start3A = arith.constant 0 : i32
    %dma_start3A_226 = arith.constant 0 : i32
    %dma_start3A_227 = arith.constant 0 : i32
    %dma_start3A_228 = tpu.memref_slice %arg7[%dma_start3A_226, %dma_start3A_227] : memref<1x16xi32, #tpu.memory_space<vmem>> -> memref<1x16xi32, #tpu.memory_space<vmem>>
    %dma_start3A_229 = tpu.memref_squeeze %dma_start3A_228 : memref<1x16xi32, #tpu.memory_space<vmem>> -> memref<16xi32, #tpu.memory_space<vmem>>
    %dma_start3A_230 = tpu.memref_slice %arg3[%dma_start3A, %add3A_225] : memref<2x320000xi32, #tpu.memory_space<hbm>> -> memref<1x16xi32, #tpu.memory_space<hbm>>
    %dma_start3A_231 = tpu.memref_squeeze %dma_start3A_230 : memref<1x16xi32, #tpu.memory_space<hbm>> -> memref<16xi32, #tpu.memory_space<hbm>>
    %dma_start3A_232 = arith.constant 0 : i32
    %dma_start3A_233 = tpu.memref_slice %arg7[%dma_start3A_226, %dma_start3A_232] : memref<1x16xi32, #tpu.memory_space<vmem>> -> memref<1x16xi32, #tpu.memory_space<vmem>>
    %dma_start3A_234 = tpu.memref_squeeze %dma_start3A_233 : memref<1x16xi32, #tpu.memory_space<vmem>> -> memref<16xi32, #tpu.memory_space<vmem>>
    %dma_start3A_235 = tpu.memref_slice %arg3[%dma_start3A, %add3A_225] : memref<2x320000xi32, #tpu.memory_space<hbm>> -> memref<1x16xi32, #tpu.memory_space<hbm>>
    %dma_start3A_236 = tpu.memref_squeeze %dma_start3A_235 : memref<1x16xi32, #tpu.memory_space<hbm>> -> memref<16xi32, #tpu.memory_space<hbm>>
    tpu.enqueue_dma source(%dma_start3A_236 : memref<16xi32, #tpu.memory_space<hbm>>) target(%dma_start3A_234 : memref<16xi32, #tpu.memory_space<vmem>>) target_semaphore(%arg14 : memref<!tpu.dma_semaphore, #tpu.memory_space<semaphore_mem>>)
    %scan3A_237 = arith.constant 0 : i32
    %scan3A_238 = arith.constant 0 : i32
    %scan3A_239 = arith.constant 78 : i32
    %scan3A_240 = arith.addi %scan3A_238, %scan3A_239 : i32
    %scan3A_241 = arith.constant 1 : i32
    %scan3A_242 = scf.for %scan3A_433 = %scan3A_238 to %scan3A_240 step %scan3A_241 iter_args(%scan3A_434 = %scan3A_237) -> (i32)  : i32 {
      %dma_wait3A_435 = arith.constant 0 : i32
      %dma_wait3A_436 = arith.constant 0 : i32
      %dma_wait3A_437 = arith.constant 0 : i32
      %dma_wait3A_438 = tpu.memref_slice %arg5[%dma_wait3A_436, %dma_wait3A_437] : memref<80x128xi32, #tpu.memory_space<vmem>> -> memref<1x128xi32, #tpu.memory_space<vmem>>
      %dma_wait3A_439 = tpu.memref_squeeze %dma_wait3A_438 : memref<1x128xi32, #tpu.memory_space<vmem>> -> memref<128xi32, #tpu.memory_space<vmem>>
      %dma_wait3A_440 = tpu.memref_slice %arg3[%dma_wait3A_435, %mul3A_2] : memref<2x320000xi32, #tpu.memory_space<hbm>> -> memref<1x128xi32, #tpu.memory_space<hbm>>
      %dma_wait3A_441 = tpu.memref_squeeze %dma_wait3A_440 : memref<1x128xi32, #tpu.memory_space<hbm>> -> memref<128xi32, #tpu.memory_space<hbm>>
      %dma_wait3A_442 = arith.constant 0 : i32
      %dma_wait3A_443 = tpu.memref_slice %arg5[%dma_wait3A_436, %dma_wait3A_442] : memref<80x128xi32, #tpu.memory_space<vmem>> -> memref<1x128xi32, #tpu.memory_space<vmem>>
      %dma_wait3A_444 = tpu.memref_squeeze %dma_wait3A_443 : memref<1x128xi32, #tpu.memory_space<vmem>> -> memref<128xi32, #tpu.memory_space<vmem>>
      %dma_wait3A_445 = tpu.memref_slice %arg3[%dma_wait3A_435, %mul3A_2] : memref<2x320000xi32, #tpu.memory_space<hbm>> -> memref<1x128xi32, #tpu.memory_space<hbm>>
      %dma_wait3A_446 = tpu.memref_squeeze %dma_wait3A_445 : memref<1x128xi32, #tpu.memory_space<hbm>> -> memref<128xi32, #tpu.memory_space<hbm>>
      tpu.wait_dma2 semaphore(%arg14 : memref<!tpu.dma_semaphore, #tpu.memory_space<semaphore_mem>>) src(%dma_wait3A_446 : memref<128xi32, #tpu.memory_space<hbm>>) dst(%dma_wait3A_444 : memref<128xi32, #tpu.memory_space<vmem>>)
      %scan3A_447 = arith.constant 0 : i32
      scf.yield %scan3A_447 : i32
    }
    %scan3A_243 = arith.constant 78 : i32
    %dma_wait3A = arith.constant 0 : i32
    %dma_wait3A_244 = arith.constant 0 : i32
    %dma_wait3A_245 = arith.constant 0 : i32
    %dma_wait3A_246 = tpu.memref_slice %arg7[%dma_wait3A_244, %dma_wait3A_245] : memref<1x16xi32, #tpu.memory_space<vmem>> -> memref<1x16xi32, #tpu.memory_space<vmem>>
    %dma_wait3A_247 = tpu.memref_squeeze %dma_wait3A_246 : memref<1x16xi32, #tpu.memory_space<vmem>> -> memref<16xi32, #tpu.memory_space<vmem>>
    %dma_wait3A_248 = tpu.memref_slice %arg3[%dma_wait3A, %mul3A_2] : memref<2x320000xi32, #tpu.memory_space<hbm>> -> memref<1x16xi32, #tpu.memory_space<hbm>>
    %dma_wait3A_249 = tpu.memref_squeeze %dma_wait3A_248 : memref<1x16xi32, #tpu.memory_space<hbm>> -> memref<16xi32, #tpu.memory_space<hbm>>
    %dma_wait3A_250 = arith.constant 0 : i32
    %dma_wait3A_251 = tpu.memref_slice %arg7[%dma_wait3A_244, %dma_wait3A_250] : memref<1x16xi32, #tpu.memory_space<vmem>> -> memref<1x16xi32, #tpu.memory_space<vmem>>
    %dma_wait3A_252 = tpu.memref_squeeze %dma_wait3A_251 : memref<1x16xi32, #tpu.memory_space<vmem>> -> memref<16xi32, #tpu.memory_space<vmem>>
    %dma_wait3A_253 = tpu.memref_slice %arg3[%dma_wait3A, %mul3A_2] : memref<2x320000xi32, #tpu.memory_space<hbm>> -> memref<1x16xi32, #tpu.memory_space<hbm>>
    %dma_wait3A_254 = tpu.memref_squeeze %dma_wait3A_253 : memref<1x16xi32, #tpu.memory_space<hbm>> -> memref<16xi32, #tpu.memory_space<hbm>>
    tpu.wait_dma2 semaphore(%arg14 : memref<!tpu.dma_semaphore, #tpu.memory_space<semaphore_mem>>) src(%dma_wait3A_254 : memref<16xi32, #tpu.memory_space<hbm>>) dst(%dma_wait3A_252 : memref<16xi32, #tpu.memory_space<vmem>>)
    %scan3A_255 = arith.constant 0 : i32
    %scan3A_256 = arith.constant 0 : i32
    %scan3A_257 = arith.constant 78 : i32
    %scan3A_258 = arith.addi %scan3A_256, %scan3A_257 : i32
    %scan3A_259 = arith.constant 1 : i32
    %scan3A_260 = scf.for %scan3A_433 = %scan3A_256 to %scan3A_258 step %scan3A_259 iter_args(%scan3A_434 = %scan3A_255) -> (i32)  : i32 {
      %mul3A_435 = arith.constant 128 : i32
      %mul3A_436 = arith.muli %scan3A_433, %mul3A_435 : i32
      %add3A_437 = arith.addi %mul3A_2, %mul3A_436 : i32
      %dma_start3A_438 = arith.constant 1 : i32
      %dma_start3A_439 = arith.constant 0 : i32
      %dma_start3A_440 = tpu.memref_slice %arg6[%scan3A_433, %dma_start3A_439] : memref<80x128xi32, #tpu.memory_space<vmem>> -> memref<1x128xi32, #tpu.memory_space<vmem>>
      %dma_start3A_441 = tpu.memref_squeeze %dma_start3A_440 : memref<1x128xi32, #tpu.memory_space<vmem>> -> memref<128xi32, #tpu.memory_space<vmem>>
      %dma_start3A_442 = tpu.memref_slice %arg3[%dma_start3A_438, %add3A_437] : memref<2x320000xi32, #tpu.memory_space<hbm>> -> memref<1x128xi32, #tpu.memory_space<hbm>>
      %dma_start3A_443 = tpu.memref_squeeze %dma_start3A_442 : memref<1x128xi32, #tpu.memory_space<hbm>> -> memref<128xi32, #tpu.memory_space<hbm>>
      %dma_start3A_444 = arith.constant 0 : i32
      %dma_start3A_445 = tpu.memref_slice %arg6[%scan3A_433, %dma_start3A_444] : memref<80x128xi32, #tpu.memory_space<vmem>> -> memref<1x128xi32, #tpu.memory_space<vmem>>
      %dma_start3A_446 = tpu.memref_squeeze %dma_start3A_445 : memref<1x128xi32, #tpu.memory_space<vmem>> -> memref<128xi32, #tpu.memory_space<vmem>>
      %dma_start3A_447 = tpu.memref_slice %arg3[%dma_start3A_438, %add3A_437] : memref<2x320000xi32, #tpu.memory_space<hbm>> -> memref<1x128xi32, #tpu.memory_space<hbm>>
      %dma_start3A_448 = tpu.memref_squeeze %dma_start3A_447 : memref<1x128xi32, #tpu.memory_space<hbm>> -> memref<128xi32, #tpu.memory_space<hbm>>
      tpu.enqueue_dma source(%dma_start3A_448 : memref<128xi32, #tpu.memory_space<hbm>>) target(%dma_start3A_446 : memref<128xi32, #tpu.memory_space<vmem>>) target_semaphore(%arg14 : memref<!tpu.dma_semaphore, #tpu.memory_space<semaphore_mem>>)
      %scan3A_449 = arith.constant 0 : i32
      scf.yield %scan3A_449 : i32
    }
    %scan3A_261 = arith.constant 78 : i32
    %add3A_262 = arith.constant 9984 : i32
    %add3A_263 = arith.addi %mul3A_2, %add3A_262 : i32
    %dma_start3A_264 = arith.constant 1 : i32
    %dma_start3A_265 = arith.constant 0 : i32
    %dma_start3A_266 = arith.constant 0 : i32
    %dma_start3A_267 = tpu.memref_slice %arg8[%dma_start3A_265, %dma_start3A_266] : memref<1x16xi32, #tpu.memory_space<vmem>> -> memref<1x16xi32, #tpu.memory_space<vmem>>
    %dma_start3A_268 = tpu.memref_squeeze %dma_start3A_267 : memref<1x16xi32, #tpu.memory_space<vmem>> -> memref<16xi32, #tpu.memory_space<vmem>>
    %dma_start3A_269 = tpu.memref_slice %arg3[%dma_start3A_264, %add3A_263] : memref<2x320000xi32, #tpu.memory_space<hbm>> -> memref<1x16xi32, #tpu.memory_space<hbm>>
    %dma_start3A_270 = tpu.memref_squeeze %dma_start3A_269 : memref<1x16xi32, #tpu.memory_space<hbm>> -> memref<16xi32, #tpu.memory_space<hbm>>
    %dma_start3A_271 = arith.constant 0 : i32
    %dma_start3A_272 = tpu.memref_slice %arg8[%dma_start3A_265, %dma_start3A_271] : memref<1x16xi32, #tpu.memory_space<vmem>> -> memref<1x16xi32, #tpu.memory_space<vmem>>
    %dma_start3A_273 = tpu.memref_squeeze %dma_start3A_272 : memref<1x16xi32, #tpu.memory_space<vmem>> -> memref<16xi32, #tpu.memory_space<vmem>>
    %dma_start3A_274 = tpu.memref_slice %arg3[%dma_start3A_264, %add3A_263] : memref<2x320000xi32, #tpu.memory_space<hbm>> -> memref<1x16xi32, #tpu.memory_space<hbm>>
    %dma_start3A_275 = tpu.memref_squeeze %dma_start3A_274 : memref<1x16xi32, #tpu.memory_space<hbm>> -> memref<16xi32, #tpu.memory_space<hbm>>
    tpu.enqueue_dma source(%dma_start3A_275 : memref<16xi32, #tpu.memory_space<hbm>>) target(%dma_start3A_273 : memref<16xi32, #tpu.memory_space<vmem>>) target_semaphore(%arg14 : memref<!tpu.dma_semaphore, #tpu.memory_space<semaphore_mem>>)
    %scan3A_276 = arith.constant 0 : i32
    %scan3A_277 = arith.constant 0 : i32
    %scan3A_278 = arith.constant 78 : i32
    %scan3A_279 = arith.addi %scan3A_277, %scan3A_278 : i32
    %scan3A_280 = arith.constant 1 : i32
    %scan3A_281 = scf.for %scan3A_433 = %scan3A_277 to %scan3A_279 step %scan3A_280 iter_args(%scan3A_434 = %scan3A_276) -> (i32)  : i32 {
      %dma_wait3A_435 = arith.constant 1 : i32
      %dma_wait3A_436 = arith.constant 0 : i32
      %dma_wait3A_437 = arith.constant 0 : i32
      %dma_wait3A_438 = tpu.memref_slice %arg6[%dma_wait3A_436, %dma_wait3A_437] : memref<80x128xi32, #tpu.memory_space<vmem>> -> memref<1x128xi32, #tpu.memory_space<vmem>>
      %dma_wait3A_439 = tpu.memref_squeeze %dma_wait3A_438 : memref<1x128xi32, #tpu.memory_space<vmem>> -> memref<128xi32, #tpu.memory_space<vmem>>
      %dma_wait3A_440 = tpu.memref_slice %arg3[%dma_wait3A_435, %mul3A_2] : memref<2x320000xi32, #tpu.memory_space<hbm>> -> memref<1x128xi32, #tpu.memory_space<hbm>>
      %dma_wait3A_441 = tpu.memref_squeeze %dma_wait3A_440 : memref<1x128xi32, #tpu.memory_space<hbm>> -> memref<128xi32, #tpu.memory_space<hbm>>
      %dma_wait3A_442 = arith.constant 0 : i32
      %dma_wait3A_443 = tpu.memref_slice %arg6[%dma_wait3A_436, %dma_wait3A_442] : memref<80x128xi32, #tpu.memory_space<vmem>> -> memref<1x128xi32, #tpu.memory_space<vmem>>
      %dma_wait3A_444 = tpu.memref_squeeze %dma_wait3A_443 : memref<1x128xi32, #tpu.memory_space<vmem>> -> memref<128xi32, #tpu.memory_space<vmem>>
      %dma_wait3A_445 = tpu.memref_slice %arg3[%dma_wait3A_435, %mul3A_2] : memref<2x320000xi32, #tpu.memory_space<hbm>> -> memref<1x128xi32, #tpu.memory_space<hbm>>
      %dma_wait3A_446 = tpu.memref_squeeze %dma_wait3A_445 : memref<1x128xi32, #tpu.memory_space<hbm>> -> memref<128xi32, #tpu.memory_space<hbm>>
      tpu.wait_dma2 semaphore(%arg14 : memref<!tpu.dma_semaphore, #tpu.memory_space<semaphore_mem>>) src(%dma_wait3A_446 : memref<128xi32, #tpu.memory_space<hbm>>) dst(%dma_wait3A_444 : memref<128xi32, #tpu.memory_space<vmem>>)
      %scan3A_447 = arith.constant 0 : i32
      scf.yield %scan3A_447 : i32
    }
    %scan3A_282 = arith.constant 78 : i32
    %dma_wait3A_283 = arith.constant 1 : i32
    %dma_wait3A_284 = arith.constant 0 : i32
    %dma_wait3A_285 = arith.constant 0 : i32
    %dma_wait3A_286 = tpu.memref_slice %arg8[%dma_wait3A_284, %dma_wait3A_285] : memref<1x16xi32, #tpu.memory_space<vmem>> -> memref<1x16xi32, #tpu.memory_space<vmem>>
    %dma_wait3A_287 = tpu.memref_squeeze %dma_wait3A_286 : memref<1x16xi32, #tpu.memory_space<vmem>> -> memref<16xi32, #tpu.memory_space<vmem>>
    %dma_wait3A_288 = tpu.memref_slice %arg3[%dma_wait3A_283, %mul3A_2] : memref<2x320000xi32, #tpu.memory_space<hbm>> -> memref<1x16xi32, #tpu.memory_space<hbm>>
    %dma_wait3A_289 = tpu.memref_squeeze %dma_wait3A_288 : memref<1x16xi32, #tpu.memory_space<hbm>> -> memref<16xi32, #tpu.memory_space<hbm>>
    %dma_wait3A_290 = arith.constant 0 : i32
    %dma_wait3A_291 = tpu.memref_slice %arg8[%dma_wait3A_284, %dma_wait3A_290] : memref<1x16xi32, #tpu.memory_space<vmem>> -> memref<1x16xi32, #tpu.memory_space<vmem>>
    %dma_wait3A_292 = tpu.memref_squeeze %dma_wait3A_291 : memref<1x16xi32, #tpu.memory_space<vmem>> -> memref<16xi32, #tpu.memory_space<vmem>>
    %dma_wait3A_293 = tpu.memref_slice %arg3[%dma_wait3A_283, %mul3A_2] : memref<2x320000xi32, #tpu.memory_space<hbm>> -> memref<1x16xi32, #tpu.memory_space<hbm>>
    %dma_wait3A_294 = tpu.memref_squeeze %dma_wait3A_293 : memref<1x16xi32, #tpu.memory_space<hbm>> -> memref<16xi32, #tpu.memory_space<hbm>>
    tpu.wait_dma2 semaphore(%arg14 : memref<!tpu.dma_semaphore, #tpu.memory_space<semaphore_mem>>) src(%dma_wait3A_294 : memref<16xi32, #tpu.memory_space<hbm>>) dst(%dma_wait3A_292 : memref<16xi32, #tpu.memory_space<vmem>>)
    %broadcast_in_dim3A_295 = arith.constant 0 : i32
    %broadcast_in_dim3A_296 = vector.broadcast %broadcast_in_dim3A_295 : i32 to vector<16xi32>
    %broadcast_in_dim3A_297 = arith.constant 10000 : i32
    %broadcast_in_dim3A_298 = vector.broadcast %broadcast_in_dim3A_297 : i32 to vector<16xi32>
    %iota3A = tpu.iota {dimensions = array<i32: 0>} : vector<16xi32>
    %lt3A = arith.constant 16 : i32
    %lt3A_299 = vector.broadcast %lt3A : i32 to vector<16xi32>
    %lt3A_300 = arith.cmpi slt, %iota3A, %lt3A_299 : vector<16xi32>
    %get3A = arith.constant 0 : i32
    %get3A_301 = arith.index_cast %get3A : i32 to index
    %get3A_302 = arith.constant 0 : index
    %get3A_303 = tpu.vector_load %arg7[%get3A_301, %get3A_302] {strides = array<i32>} : memref<1x16xi32, #tpu.memory_space<vmem>>, vector<1x16xi32>,
    %get3A_304 = vector.shape_cast %get3A_303 : vector<1x16xi32> to vector<16xi32>
    %select_n3A = arith.select %lt3A_300, %get3A_304, %broadcast_in_dim3A_296 : vector<16xi1>, vector<16xi32>
    %swap3A_305 = arith.constant 0 : i32
    %swap3A_306 = arith.index_cast %swap3A_305 : i32 to index
    %swap3A_307 = arith.constant 0 : index
    %swap3A_308 = tpu.vector_load %arg7[%swap3A_306, %swap3A_307] {strides = array<i32>} : memref<1x16xi32, #tpu.memory_space<vmem>>, vector<1x16xi32>,
    %swap3A_309 = vector.shape_cast %swap3A_308 : vector<1x16xi32> to vector<16xi32>
    %swap3A_310 = vector.shape_cast %select_n3A : vector<16xi32> to vector<1x16xi32>
    tpu.vector_store %arg7[%swap3A_306, %swap3A_307], %swap3A_310 {strides = array<i32>} : memref<1x16xi32, #tpu.memory_space<vmem>>, vector<1x16xi32>,
    %lt3A_311 = arith.constant 16 : i32
    %lt3A_312 = vector.broadcast %lt3A_311 : i32 to vector<16xi32>
    %lt3A_313 = arith.cmpi slt, %iota3A, %lt3A_312 : vector<16xi32>
    %get3A_314 = arith.constant 0 : i32
    %get3A_315 = arith.index_cast %get3A_314 : i32 to index
    %get3A_316 = arith.constant 0 : index
    %get3A_317 = tpu.vector_load %arg8[%get3A_315, %get3A_316] {strides = array<i32>} : memref<1x16xi32, #tpu.memory_space<vmem>>, vector<1x16xi32>,
    %get3A_318 = vector.shape_cast %get3A_317 : vector<1x16xi32> to vector<16xi32>
    %select_n3A_319 = arith.select %lt3A_313, %get3A_318, %broadcast_in_dim3A_298 : vector<16xi1>, vector<16xi32>
    %swap3A_320 = arith.constant 0 : i32
    %swap3A_321 = arith.index_cast %swap3A_320 : i32 to index
    %swap3A_322 = arith.constant 0 : index
    %swap3A_323 = tpu.vector_load %arg8[%swap3A_321, %swap3A_322] {strides = array<i32>} : memref<1x16xi32, #tpu.memory_space<vmem>>, vector<1x16xi32>,
    %swap3A_324 = vector.shape_cast %swap3A_323 : vector<1x16xi32> to vector<16xi32>
    %swap3A_325 = vector.shape_cast %select_n3A_319 : vector<16xi32> to vector<1x16xi32>
    tpu.vector_store %arg8[%swap3A_321, %swap3A_322], %swap3A_325 {strides = array<i32>} : memref<1x16xi32, #tpu.memory_space<vmem>>, vector<1x16xi32>,
    %barrier3A = arith.constant 0 : index
    tpu.barrier barrier_id(%barrier3A)
    %scan3A_326 = arith.constant 0 : i32
    %scan3A_327 = arith.constant 0 : i32
    %scan3A_328 = arith.constant 16 : i32
    %scan3A_329 = arith.addi %scan3A_327, %scan3A_328 : i32
    %scan3A_330 = arith.constant 1 : i32
    %scan3A_331 = scf.for %scan3A_433 = %scan3A_327 to %scan3A_329 step %scan3A_330 iter_args(%scan3A_434 = %scan3A_326) -> (i32)  : i32 {
      %add3A_435 = arith.constant 0 : i32
      %add3A_436 = arith.addi %add3A_435, %scan3A_433 : i32
      %mul3A_437 = arith.constant 128 : i32
      %mul3A_438 = arith.muli %scan3A_433, %mul3A_437 : i32
      %dma_start3A_439 = arith.constant 0 : i32
      %dma_start3A_440 = tpu.memref_slice %arg9[%mul3A_438, %dma_start3A_439] : memref<2048x16xf32, #tpu.memory_space<vmem>> -> memref<128x16xf32, #tpu.memory_space<vmem>>
      %dma_start3A_441 = arith.constant 0 : i32
      %dma_start3A_442 = tpu.memref_slice %arg5[%add3A_436, %dma_start3A_441] : memref<80x128xi32, #tpu.memory_space<vmem>> -> memref<1x128xi32, #tpu.memory_space<vmem>>
      %dma_start3A_443 = tpu.memref_squeeze %dma_start3A_442 : memref<1x128xi32, #tpu.memory_space<vmem>> -> memref<128xi32, #tpu.memory_space<vmem>>
      %dma_start3A_444 = arith.constant 0 : i32
      %dma_start3A_445 = arith.constant 0 : i32
      %dma_start3A_446 = tpu.memref_slice %arg2[%dma_start3A_444, %dma_start3A_445] : memref<10000x16xf32, #tpu.memory_space<hbm>> -> memref<10000x16xf32, #tpu.memory_space<hbm>>
      tpu.enqueue_indirect_dma source(%dma_start3A_446 : memref<10000x16xf32, #tpu.memory_space<hbm>>) target(%dma_start3A_440 : memref<128x16xf32, #tpu.memory_space<vmem>>) offsets(%dma_start3A_443 : memref<128xi32, #tpu.memory_space<vmem>>) semaphore(%arg15 : memref<!tpu.dma_semaphore, #tpu.memory_space<semaphore_mem>>)
      %scan3A_447 = arith.constant 0 : i32
      scf.yield %scan3A_447 : i32
    }
    %scan3A_332 = arith.constant 16 : i32
    %scan3A_333 = arith.constant 0 : i32
    %scan3A_334 = arith.constant 0 : i32
    %scan3A_335 = arith.constant 16 : i32
    %scan3A_336 = arith.addi %scan3A_334, %scan3A_335 : i32
    %scan3A_337 = arith.constant 1 : i32
    %scan3A_338 = scf.for %scan3A_433 = %scan3A_334 to %scan3A_336 step %scan3A_337 iter_args(%scan3A_434 = %scan3A_333) -> (i32)  : i32 {
      %add3A_435 = arith.constant 16 : i32
      %add3A_436 = arith.addi %add3A_435, %scan3A_433 : i32
      %mul3A_437 = arith.constant 128 : i32
      %mul3A_438 = arith.muli %scan3A_433, %mul3A_437 : i32
      %dma_start3A_439 = arith.constant 0 : i32
      %dma_start3A_440 = tpu.memref_slice %arg10[%mul3A_438, %dma_start3A_439] : memref<2048x16xf32, #tpu.memory_space<vmem>> -> memref<128x16xf32, #tpu.memory_space<vmem>>
      %dma_start3A_441 = arith.constant 0 : i32
      %dma_start3A_442 = tpu.memref_slice %arg5[%add3A_436, %dma_start3A_441] : memref<80x128xi32, #tpu.memory_space<vmem>> -> memref<1x128xi32, #tpu.memory_space<vmem>>
      %dma_start3A_443 = tpu.memref_squeeze %dma_start3A_442 : memref<1x128xi32, #tpu.memory_space<vmem>> -> memref<128xi32, #tpu.memory_space<vmem>>
      %dma_start3A_444 = arith.constant 0 : i32
      %dma_start3A_445 = arith.constant 0 : i32
      %dma_start3A_446 = tpu.memref_slice %arg2[%dma_start3A_444, %dma_start3A_445] : memref<10000x16xf32, #tpu.memory_space<hbm>> -> memref<10000x16xf32, #tpu.memory_space<hbm>>
      tpu.enqueue_indirect_dma source(%dma_start3A_446 : memref<10000x16xf32, #tpu.memory_space<hbm>>) target(%dma_start3A_440 : memref<128x16xf32, #tpu.memory_space<vmem>>) offsets(%dma_start3A_443 : memref<128xi32, #tpu.memory_space<vmem>>) semaphore(%arg16 : memref<!tpu.dma_semaphore, #tpu.memory_space<semaphore_mem>>)
      %scan3A_447 = arith.constant 0 : i32
      scf.yield %scan3A_447 : i32
    }
    %scan3A_339 = arith.constant 16 : i32
    %scan3A_340 = arith.constant 0 : i32
    %scan3A_341 = arith.constant 0 : i32
    %scan3A_342 = arith.constant 16 : i32
    %scan3A_343 = arith.addi %scan3A_341, %scan3A_342 : i32
    %scan3A_344 = arith.constant 1 : i32
    %scan3A_345 = scf.for %scan3A_433 = %scan3A_341 to %scan3A_343 step %scan3A_344 iter_args(%scan3A_434 = %scan3A_340) -> (i32)  : i32 {
      %dma_wait3A_435 = arith.constant 0 : i32
      %dma_wait3A_436 = arith.constant 0 : i32
      %dma_wait3A_437 = arith.constant 0 : i32
      %dma_wait3A_438 = tpu.memref_slice %arg9[%dma_wait3A_436, %dma_wait3A_437] : memref<2048x16xf32, #tpu.memory_space<vmem>> -> memref<128x16xf32, #tpu.memory_space<vmem>>
      %dma_wait3A_439 = arith.constant 0 : i32
      %dma_wait3A_440 = tpu.memref_slice %arg5[%dma_wait3A_435, %dma_wait3A_439] : memref<80x128xi32, #tpu.memory_space<vmem>> -> memref<1x128xi32, #tpu.memory_space<vmem>>
      %dma_wait3A_441 = tpu.memref_squeeze %dma_wait3A_440 : memref<1x128xi32, #tpu.memory_space<vmem>> -> memref<128xi32, #tpu.memory_space<vmem>>
      %dma_wait3A_442 = arith.constant 0 : i32
      %dma_wait3A_443 = arith.constant 0 : i32
      %dma_wait3A_444 = tpu.memref_slice %arg2[%dma_wait3A_442, %dma_wait3A_443] : memref<10000x16xf32, #tpu.memory_space<hbm>> -> memref<10000x16xf32, #tpu.memory_space<hbm>>
      tpu.wait_indirect_dma semaphore(%arg15 : memref<!tpu.dma_semaphore, #tpu.memory_space<semaphore_mem>>) src(%dma_wait3A_444 : memref<10000x16xf32, #tpu.memory_space<hbm>>) dst(%dma_wait3A_438 : memref<128x16xf32, #tpu.memory_space<vmem>>)
      %mul3A_445 = arith.constant 128 : i32
      %mul3A_446 = arith.muli %scan3A_433, %mul3A_445 : i32
      %add3A_447 = arith.constant 0 : i32
      %add3A_448 = arith.addi %add3A_447, %scan3A_433 : i32
      %dma_start3A_449 = arith.constant 0 : i32
      %dma_start3A_450 = tpu.memref_slice %arg9[%mul3A_446, %dma_start3A_449] : memref<2048x16xf32, #tpu.memory_space<vmem>> -> memref<128x16xf32, #tpu.memory_space<vmem>>
      %dma_start3A_451 = arith.constant 0 : i32
      %dma_start3A_452 = tpu.memref_slice %arg6[%add3A_448, %dma_start3A_451] : memref<80x128xi32, #tpu.memory_space<vmem>> -> memref<1x128xi32, #tpu.memory_space<vmem>>
      %dma_start3A_453 = tpu.memref_squeeze %dma_start3A_452 : memref<1x128xi32, #tpu.memory_space<vmem>> -> memref<128xi32, #tpu.memory_space<vmem>>
      %dma_start3A_454 = arith.constant 0 : i32
      %dma_start3A_455 = arith.constant 0 : i32
      %dma_start3A_456 = tpu.memref_slice %arg13[%dma_start3A_454, %dma_start3A_455] : memref<10112x16xf32, #tpu.memory_space<vmem_shared>> -> memref<10112x16xf32, #tpu.memory_space<vmem_shared>>
      tpu.enqueue_indirect_dma source(%dma_start3A_450 : memref<128x16xf32, #tpu.memory_space<vmem>>) target(%dma_start3A_456 : memref<10112x16xf32, #tpu.memory_space<vmem_shared>>) offsets(%dma_start3A_453 : memref<128xi32, #tpu.memory_space<vmem>>) semaphore(%arg17 : memref<!tpu.dma_semaphore, #tpu.memory_space<semaphore_mem>>) {add = true}
      %scan3A_457 = arith.constant 0 : i32
      scf.yield %scan3A_457 : i32
    }
    %scan3A_346 = arith.constant 16 : i32
    %scan3A_347 = arith.constant 0 : i32
    %scan3A_348 = arith.constant 0 : i32
    %scan3A_349 = arith.constant 16 : i32
    %scan3A_350 = arith.addi %scan3A_348, %scan3A_349 : i32
    %scan3A_351 = arith.constant 1 : i32
    %scan3A_352 = scf.for %scan3A_433 = %scan3A_348 to %scan3A_350 step %scan3A_351 iter_args(%scan3A_434 = %scan3A_347) -> (i32)  : i32 {
      %dma_wait3A_435 = arith.constant 0 : i32
      %dma_wait3A_436 = arith.constant 0 : i32
      %dma_wait3A_437 = arith.constant 0 : i32
      %dma_wait3A_438 = tpu.memref_slice %arg9[%dma_wait3A_436, %dma_wait3A_437] : memref<2048x16xf32, #tpu.memory_space<vmem>> -> memref<128x16xf32, #tpu.memory_space<vmem>>
      %dma_wait3A_439 = arith.constant 0 : i32
      %dma_wait3A_440 = tpu.memref_slice %arg6[%dma_wait3A_435, %dma_wait3A_439] : memref<80x128xi32, #tpu.memory_space<vmem>> -> memref<1x128xi32, #tpu.memory_space<vmem>>
      %dma_wait3A_441 = tpu.memref_squeeze %dma_wait3A_440 : memref<1x128xi32, #tpu.memory_space<vmem>> -> memref<128xi32, #tpu.memory_space<vmem>>
      %dma_wait3A_442 = arith.constant 0 : i32
      %dma_wait3A_443 = arith.constant 0 : i32
      %dma_wait3A_444 = tpu.memref_slice %arg13[%dma_wait3A_442, %dma_wait3A_443] : memref<10112x16xf32, #tpu.memory_space<vmem_shared>> -> memref<10112x16xf32, #tpu.memory_space<vmem_shared>>
      tpu.wait_indirect_dma semaphore(%arg17 : memref<!tpu.dma_semaphore, #tpu.memory_space<semaphore_mem>>) src(%dma_wait3A_438 : memref<128x16xf32, #tpu.memory_space<vmem>>) dst(%dma_wait3A_444 : memref<10112x16xf32, #tpu.memory_space<vmem_shared>>)
      %scan3A_445 = arith.constant 0 : i32
      scf.yield %scan3A_445 : i32
    }
    %scan3A_353 = arith.constant 16 : i32
    %scan3A_354 = arith.constant 0 : i32
    %scan3A_355 = arith.constant 0 : i32
    %scan3A_356 = arith.constant 16 : i32
    %scan3A_357 = arith.addi %scan3A_355, %scan3A_356 : i32
    %scan3A_358 = arith.constant 1 : i32
    %scan3A_359 = scf.for %scan3A_433 = %scan3A_355 to %scan3A_357 step %scan3A_358 iter_args(%scan3A_434 = %scan3A_354) -> (i32)  : i32 {
      %add3A_435 = arith.constant 32 : i32
      %add3A_436 = arith.addi %add3A_435, %scan3A_433 : i32
      %mul3A_437 = arith.constant 128 : i32
      %mul3A_438 = arith.muli %scan3A_433, %mul3A_437 : i32
      %dma_start3A_439 = arith.constant 0 : i32
      %dma_start3A_440 = tpu.memref_slice %arg9[%mul3A_438, %dma_start3A_439] : memref<2048x16xf32, #tpu.memory_space<vmem>> -> memref<128x16xf32, #tpu.memory_space<vmem>>
      %dma_start3A_441 = arith.constant 0 : i32
      %dma_start3A_442 = tpu.memref_slice %arg5[%add3A_436, %dma_start3A_441] : memref<80x128xi32, #tpu.memory_space<vmem>> -> memref<1x128xi32, #tpu.memory_space<vmem>>
      %dma_start3A_443 = tpu.memref_squeeze %dma_start3A_442 : memref<1x128xi32, #tpu.memory_space<vmem>> -> memref<128xi32, #tpu.memory_space<vmem>>
      %dma_start3A_444 = arith.constant 0 : i32
      %dma_start3A_445 = arith.constant 0 : i32
      %dma_start3A_446 = tpu.memref_slice %arg2[%dma_start3A_444, %dma_start3A_445] : memref<10000x16xf32, #tpu.memory_space<hbm>> -> memref<10000x16xf32, #tpu.memory_space<hbm>>
      tpu.enqueue_indirect_dma source(%dma_start3A_446 : memref<10000x16xf32, #tpu.memory_space<hbm>>) target(%dma_start3A_440 : memref<128x16xf32, #tpu.memory_space<vmem>>) offsets(%dma_start3A_443 : memref<128xi32, #tpu.memory_space<vmem>>) semaphore(%arg15 : memref<!tpu.dma_semaphore, #tpu.memory_space<semaphore_mem>>)
      %scan3A_447 = arith.constant 0 : i32
      scf.yield %scan3A_447 : i32
    }
    %scan3A_360 = arith.constant 16 : i32
    %scan3A_361 = arith.constant 0 : i32
    %scan3A_362 = arith.constant 0 : i32
    %scan3A_363 = arith.constant 16 : i32
    %scan3A_364 = arith.addi %scan3A_362, %scan3A_363 : i32
    %scan3A_365 = arith.constant 1 : i32
    %scan3A_366 = scf.for %scan3A_433 = %scan3A_362 to %scan3A_364 step %scan3A_365 iter_args(%scan3A_434 = %scan3A_361) -> (i32)  : i32 {
      %dma_wait3A_435 = arith.constant 0 : i32
      %dma_wait3A_436 = arith.constant 0 : i32
      %dma_wait3A_437 = arith.constant 0 : i32
      %dma_wait3A_438 = tpu.memref_slice %arg10[%dma_wait3A_436, %dma_wait3A_437] : memref<2048x16xf32, #tpu.memory_space<vmem>> -> memref<128x16xf32, #tpu.memory_space<vmem>>
      %dma_wait3A_439 = arith.constant 0 : i32
      %dma_wait3A_440 = tpu.memref_slice %arg5[%dma_wait3A_435, %dma_wait3A_439] : memref<80x128xi32, #tpu.memory_space<vmem>> -> memref<1x128xi32, #tpu.memory_space<vmem>>
      %dma_wait3A_441 = tpu.memref_squeeze %dma_wait3A_440 : memref<1x128xi32, #tpu.memory_space<vmem>> -> memref<128xi32, #tpu.memory_space<vmem>>
      %dma_wait3A_442 = arith.constant 0 : i32
      %dma_wait3A_443 = arith.constant 0 : i32
      %dma_wait3A_444 = tpu.memref_slice %arg2[%dma_wait3A_442, %dma_wait3A_443] : memref<10000x16xf32, #tpu.memory_space<hbm>> -> memref<10000x16xf32, #tpu.memory_space<hbm>>
      tpu.wait_indirect_dma semaphore(%arg16 : memref<!tpu.dma_semaphore, #tpu.memory_space<semaphore_mem>>) src(%dma_wait3A_444 : memref<10000x16xf32, #tpu.memory_space<hbm>>) dst(%dma_wait3A_438 : memref<128x16xf32, #tpu.memory_space<vmem>>)
      %mul3A_445 = arith.constant 128 : i32
      %mul3A_446 = arith.muli %scan3A_433, %mul3A_445 : i32
      %add3A_447 = arith.constant 16 : i32
      %add3A_448 = arith.addi %add3A_447, %scan3A_433 : i32
      %dma_start3A_449 = arith.constant 0 : i32
      %dma_start3A_450 = tpu.memref_slice %arg10[%mul3A_446, %dma_start3A_449] : memref<2048x16xf32, #tpu.memory_space<vmem>> -> memref<128x16xf32, #tpu.memory_space<vmem>>
      %dma_start3A_451 = arith.constant 0 : i32
      %dma_start3A_452 = tpu.memref_slice %arg6[%add3A_448, %dma_start3A_451] : memref<80x128xi32, #tpu.memory_space<vmem>> -> memref<1x128xi32, #tpu.memory_space<vmem>>
      %dma_start3A_453 = tpu.memref_squeeze %dma_start3A_452 : memref<1x128xi32, #tpu.memory_space<vmem>> -> memref<128xi32, #tpu.memory_space<vmem>>
      %dma_start3A_454 = arith.constant 0 : i32
      %dma_start3A_455 = arith.constant 0 : i32
      %dma_start3A_456 = tpu.memref_slice %arg13[%dma_start3A_454, %dma_start3A_455] : memref<10112x16xf32, #tpu.memory_space<vmem_shared>> -> memref<10112x16xf32, #tpu.memory_space<vmem_shared>>
      tpu.enqueue_indirect_dma source(%dma_start3A_450 : memref<128x16xf32, #tpu.memory_space<vmem>>) target(%dma_start3A_456 : memref<10112x16xf32, #tpu.memory_space<vmem_shared>>) offsets(%dma_start3A_453 : memref<128xi32, #tpu.memory_space<vmem>>) semaphore(%arg18 : memref<!tpu.dma_semaphore, #tpu.memory_space<semaphore_mem>>) {add = true}
      %scan3A_457 = arith.constant 0 : i32
      scf.yield %scan3A_457 : i32
    }
    %scan3A_367 = arith.constant 16 : i32
    %scan3A_368 = arith.constant 0 : i32
    %scan3A_369 = arith.constant 0 : i32
    %scan3A_370 = arith.constant 16 : i32
    %scan3A_371 = arith.addi %scan3A_369, %scan3A_370 : i32
    %scan3A_372 = arith.constant 1 : i32
    %scan3A_373 = scf.for %scan3A_433 = %scan3A_369 to %scan3A_371 step %scan3A_372 iter_args(%scan3A_434 = %scan3A_368) -> (i32)  : i32 {
      %dma_wait3A_435 = arith.constant 0 : i32
      %dma_wait3A_436 = arith.constant 0 : i32
      %dma_wait3A_437 = arith.constant 0 : i32
      %dma_wait3A_438 = tpu.memref_slice %arg10[%dma_wait3A_436, %dma_wait3A_437] : memref<2048x16xf32, #tpu.memory_space<vmem>> -> memref<128x16xf32, #tpu.memory_space<vmem>>
      %dma_wait3A_439 = arith.constant 0 : i32
      %dma_wait3A_440 = tpu.memref_slice %arg6[%dma_wait3A_435, %dma_wait3A_439] : memref<80x128xi32, #tpu.memory_space<vmem>> -> memref<1x128xi32, #tpu.memory_space<vmem>>
      %dma_wait3A_441 = tpu.memref_squeeze %dma_wait3A_440 : memref<1x128xi32, #tpu.memory_space<vmem>> -> memref<128xi32, #tpu.memory_space<vmem>>
      %dma_wait3A_442 = arith.constant 0 : i32
      %dma_wait3A_443 = arith.constant 0 : i32
      %dma_wait3A_444 = tpu.memref_slice %arg13[%dma_wait3A_442, %dma_wait3A_443] : memref<10112x16xf32, #tpu.memory_space<vmem_shared>> -> memref<10112x16xf32, #tpu.memory_space<vmem_shared>>
      tpu.wait_indirect_dma semaphore(%arg18 : memref<!tpu.dma_semaphore, #tpu.memory_space<semaphore_mem>>) src(%dma_wait3A_438 : memref<128x16xf32, #tpu.memory_space<vmem>>) dst(%dma_wait3A_444 : memref<10112x16xf32, #tpu.memory_space<vmem_shared>>)
      %scan3A_445 = arith.constant 0 : i32
      scf.yield %scan3A_445 : i32
    }
    %scan3A_374 = arith.constant 16 : i32
    %scan3A_375 = arith.constant 0 : i32
    %scan3A_376 = arith.constant 0 : i32
    %scan3A_377 = arith.constant 16 : i32
    %scan3A_378 = arith.addi %scan3A_376, %scan3A_377 : i32
    %scan3A_379 = arith.constant 1 : i32
    %scan3A_380 = scf.for %scan3A_433 = %scan3A_376 to %scan3A_378 step %scan3A_379 iter_args(%scan3A_434 = %scan3A_375) -> (i32)  : i32 {
      %add3A_435 = arith.constant 48 : i32
      %add3A_436 = arith.addi %add3A_435, %scan3A_433 : i32
      %mul3A_437 = arith.constant 128 : i32
      %mul3A_438 = arith.muli %scan3A_433, %mul3A_437 : i32
      %dma_start3A_439 = arith.constant 0 : i32
      %dma_start3A_440 = tpu.memref_slice %arg10[%mul3A_438, %dma_start3A_439] : memref<2048x16xf32, #tpu.memory_space<vmem>> -> memref<128x16xf32, #tpu.memory_space<vmem>>
      %dma_start3A_441 = arith.constant 0 : i32
      %dma_start3A_442 = tpu.memref_slice %arg5[%add3A_436, %dma_start3A_441] : memref<80x128xi32, #tpu.memory_space<vmem>> -> memref<1x128xi32, #tpu.memory_space<vmem>>
      %dma_start3A_443 = tpu.memref_squeeze %dma_start3A_442 : memref<1x128xi32, #tpu.memory_space<vmem>> -> memref<128xi32, #tpu.memory_space<vmem>>
      %dma_start3A_444 = arith.constant 0 : i32
      %dma_start3A_445 = arith.constant 0 : i32
      %dma_start3A_446 = tpu.memref_slice %arg2[%dma_start3A_444, %dma_start3A_445] : memref<10000x16xf32, #tpu.memory_space<hbm>> -> memref<10000x16xf32, #tpu.memory_space<hbm>>
      tpu.enqueue_indirect_dma source(%dma_start3A_446 : memref<10000x16xf32, #tpu.memory_space<hbm>>) target(%dma_start3A_440 : memref<128x16xf32, #tpu.memory_space<vmem>>) offsets(%dma_start3A_443 : memref<128xi32, #tpu.memory_space<vmem>>) semaphore(%arg16 : memref<!tpu.dma_semaphore, #tpu.memory_space<semaphore_mem>>)
      %scan3A_447 = arith.constant 0 : i32
      scf.yield %scan3A_447 : i32
    }
    %scan3A_381 = arith.constant 16 : i32
    %scan3A_382 = arith.constant 0 : i32
    %scan3A_383 = arith.constant 0 : i32
    %scan3A_384 = arith.constant 16 : i32
    %scan3A_385 = arith.addi %scan3A_383, %scan3A_384 : i32
    %scan3A_386 = arith.constant 1 : i32
    %scan3A_387 = scf.for %scan3A_433 = %scan3A_383 to %scan3A_385 step %scan3A_386 iter_args(%scan3A_434 = %scan3A_382) -> (i32)  : i32 {
      %dma_wait3A_435 = arith.constant 0 : i32
      %dma_wait3A_436 = arith.constant 0 : i32
      %dma_wait3A_437 = arith.constant 0 : i32
      %dma_wait3A_438 = tpu.memref_slice %arg9[%dma_wait3A_436, %dma_wait3A_437] : memref<2048x16xf32, #tpu.memory_space<vmem>> -> memref<128x16xf32, #tpu.memory_space<vmem>>
      %dma_wait3A_439 = arith.constant 0 : i32
      %dma_wait3A_440 = tpu.memref_slice %arg5[%dma_wait3A_435, %dma_wait3A_439] : memref<80x128xi32, #tpu.memory_space<vmem>> -> memref<1x128xi32, #tpu.memory_space<vmem>>
      %dma_wait3A_441 = tpu.memref_squeeze %dma_wait3A_440 : memref<1x128xi32, #tpu.memory_space<vmem>> -> memref<128xi32, #tpu.memory_space<vmem>>
      %dma_wait3A_442 = arith.constant 0 : i32
      %dma_wait3A_443 = arith.constant 0 : i32
      %dma_wait3A_444 = tpu.memref_slice %arg2[%dma_wait3A_442, %dma_wait3A_443] : memref<10000x16xf32, #tpu.memory_space<hbm>> -> memref<10000x16xf32, #tpu.memory_space<hbm>>
      tpu.wait_indirect_dma semaphore(%arg15 : memref<!tpu.dma_semaphore, #tpu.memory_space<semaphore_mem>>) src(%dma_wait3A_444 : memref<10000x16xf32, #tpu.memory_space<hbm>>) dst(%dma_wait3A_438 : memref<128x16xf32, #tpu.memory_space<vmem>>)
      %mul3A_445 = arith.constant 128 : i32
      %mul3A_446 = arith.muli %scan3A_433, %mul3A_445 : i32
      %add3A_447 = arith.constant 32 : i32
      %add3A_448 = arith.addi %add3A_447, %scan3A_433 : i32
      %dma_start3A_449 = arith.constant 0 : i32
      %dma_start3A_450 = tpu.memref_slice %arg9[%mul3A_446, %dma_start3A_449] : memref<2048x16xf32, #tpu.memory_space<vmem>> -> memref<128x16xf32, #tpu.memory_space<vmem>>
      %dma_start3A_451 = arith.constant 0 : i32
      %dma_start3A_452 = tpu.memref_slice %arg6[%add3A_448, %dma_start3A_451] : memref<80x128xi32, #tpu.memory_space<vmem>> -> memref<1x128xi32, #tpu.memory_space<vmem>>
      %dma_start3A_453 = tpu.memref_squeeze %dma_start3A_452 : memref<1x128xi32, #tpu.memory_space<vmem>> -> memref<128xi32, #tpu.memory_space<vmem>>
      %dma_start3A_454 = arith.constant 0 : i32
      %dma_start3A_455 = arith.constant 0 : i32
      %dma_start3A_456 = tpu.memref_slice %arg13[%dma_start3A_454, %dma_start3A_455] : memref<10112x16xf32, #tpu.memory_space<vmem_shared>> -> memref<10112x16xf32, #tpu.memory_space<vmem_shared>>
      tpu.enqueue_indirect_dma source(%dma_start3A_450 : memref<128x16xf32, #tpu.memory_space<vmem>>) target(%dma_start3A_456 : memref<10112x16xf32, #tpu.memory_space<vmem_shared>>) offsets(%dma_start3A_453 : memref<128xi32, #tpu.memory_space<vmem>>) semaphore(%arg17 : memref<!tpu.dma_semaphore, #tpu.memory_space<semaphore_mem>>) {add = true}
      %scan3A_457 = arith.constant 0 : i32
      scf.yield %scan3A_457 : i32
    }
    %scan3A_388 = arith.constant 16 : i32
    %scan3A_389 = arith.constant 0 : i32
    %scan3A_390 = arith.constant 0 : i32
    %scan3A_391 = arith.constant 16 : i32
    %scan3A_392 = arith.addi %scan3A_390, %scan3A_391 : i32
    %scan3A_393 = arith.constant 1 : i32
    %scan3A_394 = scf.for %scan3A_433 = %scan3A_390 to %scan3A_392 step %scan3A_393 iter_args(%scan3A_434 = %scan3A_389) -> (i32)  : i32 {
      %dma_wait3A_435 = arith.constant 0 : i32
      %dma_wait3A_436 = arith.constant 0 : i32
      %dma_wait3A_437 = arith.constant 0 : i32
      %dma_wait3A_438 = tpu.memref_slice %arg9[%dma_wait3A_436, %dma_wait3A_437] : memref<2048x16xf32, #tpu.memory_space<vmem>> -> memref<128x16xf32, #tpu.memory_space<vmem>>
      %dma_wait3A_439 = arith.constant 0 : i32
      %dma_wait3A_440 = tpu.memref_slice %arg6[%dma_wait3A_435, %dma_wait3A_439] : memref<80x128xi32, #tpu.memory_space<vmem>> -> memref<1x128xi32, #tpu.memory_space<vmem>>
      %dma_wait3A_441 = tpu.memref_squeeze %dma_wait3A_440 : memref<1x128xi32, #tpu.memory_space<vmem>> -> memref<128xi32, #tpu.memory_space<vmem>>
      %dma_wait3A_442 = arith.constant 0 : i32
      %dma_wait3A_443 = arith.constant 0 : i32
      %dma_wait3A_444 = tpu.memref_slice %arg13[%dma_wait3A_442, %dma_wait3A_443] : memref<10112x16xf32, #tpu.memory_space<vmem_shared>> -> memref<10112x16xf32, #tpu.memory_space<vmem_shared>>
      tpu.wait_indirect_dma semaphore(%arg17 : memref<!tpu.dma_semaphore, #tpu.memory_space<semaphore_mem>>) src(%dma_wait3A_438 : memref<128x16xf32, #tpu.memory_space<vmem>>) dst(%dma_wait3A_444 : memref<10112x16xf32, #tpu.memory_space<vmem_shared>>)
      %scan3A_445 = arith.constant 0 : i32
      scf.yield %scan3A_445 : i32
    }
    %scan3A_395 = arith.constant 16 : i32
    %scan3A_396 = arith.constant 0 : i32
    %scan3A_397 = arith.constant 0 : i32
    %scan3A_398 = arith.constant 16 : i32
    %scan3A_399 = arith.addi %scan3A_397, %scan3A_398 : i32
    %scan3A_400 = arith.constant 1 : i32
    %scan3A_401 = scf.for %scan3A_433 = %scan3A_397 to %scan3A_399 step %scan3A_400 iter_args(%scan3A_434 = %scan3A_396) -> (i32)  : i32 {
      %add3A_435 = arith.constant 64 : i32
      %add3A_436 = arith.addi %add3A_435, %scan3A_433 : i32
      %mul3A_437 = arith.constant 128 : i32
      %mul3A_438 = arith.muli %scan3A_433, %mul3A_437 : i32
      %dma_start3A_439 = arith.constant 0 : i32
      %dma_start3A_440 = tpu.memref_slice %arg9[%mul3A_438, %dma_start3A_439] : memref<2048x16xf32, #tpu.memory_space<vmem>> -> memref<128x16xf32, #tpu.memory_space<vmem>>
      %dma_start3A_441 = arith.constant 0 : i32
      %dma_start3A_442 = tpu.memref_slice %arg5[%add3A_436, %dma_start3A_441] : memref<80x128xi32, #tpu.memory_space<vmem>> -> memref<1x128xi32, #tpu.memory_space<vmem>>
      %dma_start3A_443 = tpu.memref_squeeze %dma_start3A_442 : memref<1x128xi32, #tpu.memory_space<vmem>> -> memref<128xi32, #tpu.memory_space<vmem>>
      %dma_start3A_444 = arith.constant 0 : i32
      %dma_start3A_445 = arith.constant 0 : i32
      %dma_start3A_446 = tpu.memref_slice %arg2[%dma_start3A_444, %dma_start3A_445] : memref<10000x16xf32, #tpu.memory_space<hbm>> -> memref<10000x16xf32, #tpu.memory_space<hbm>>
      tpu.enqueue_indirect_dma source(%dma_start3A_446 : memref<10000x16xf32, #tpu.memory_space<hbm>>) target(%dma_start3A_440 : memref<128x16xf32, #tpu.memory_space<vmem>>) offsets(%dma_start3A_443 : memref<128xi32, #tpu.memory_space<vmem>>) semaphore(%arg15 : memref<!tpu.dma_semaphore, #tpu.memory_space<semaphore_mem>>)
      %scan3A_447 = arith.constant 0 : i32
      scf.yield %scan3A_447 : i32
    }
    %scan3A_402 = arith.constant 16 : i32
    %scan3A_403 = arith.constant 0 : i32
    %scan3A_404 = arith.constant 0 : i32
    %scan3A_405 = arith.constant 16 : i32
    %scan3A_406 = arith.addi %scan3A_404, %scan3A_405 : i32
    %scan3A_407 = arith.constant 1 : i32
    %scan3A_408 = scf.for %scan3A_433 = %scan3A_404 to %scan3A_406 step %scan3A_407 iter_args(%scan3A_434 = %scan3A_403) -> (i32)  : i32 {
      %dma_wait3A_435 = arith.constant 0 : i32
      %dma_wait3A_436 = arith.constant 0 : i32
      %dma_wait3A_437 = arith.constant 0 : i32
      %dma_wait3A_438 = tpu.memref_slice %arg10[%dma_wait3A_436, %dma_wait3A_437] : memref<2048x16xf32, #tpu.memory_space<vmem>> -> memref<128x16xf32, #tpu.memory_space<vmem>>
      %dma_wait3A_439 = arith.constant 0 : i32
      %dma_wait3A_440 = tpu.memref_slice %arg5[%dma_wait3A_435, %dma_wait3A_439] : memref<80x128xi32, #tpu.memory_space<vmem>> -> memref<1x128xi32, #tpu.memory_space<vmem>>
      %dma_wait3A_441 = tpu.memref_squeeze %dma_wait3A_440 : memref<1x128xi32, #tpu.memory_space<vmem>> -> memref<128xi32, #tpu.memory_space<vmem>>
      %dma_wait3A_442 = arith.constant 0 : i32
      %dma_wait3A_443 = arith.constant 0 : i32
      %dma_wait3A_444 = tpu.memref_slice %arg2[%dma_wait3A_442, %dma_wait3A_443] : memref<10000x16xf32, #tpu.memory_space<hbm>> -> memref<10000x16xf32, #tpu.memory_space<hbm>>
      tpu.wait_indirect_dma semaphore(%arg16 : memref<!tpu.dma_semaphore, #tpu.memory_space<semaphore_mem>>) src(%dma_wait3A_444 : memref<10000x16xf32, #tpu.memory_space<hbm>>) dst(%dma_wait3A_438 : memref<128x16xf32, #tpu.memory_space<vmem>>)
      %mul3A_445 = arith.constant 128 : i32
      %mul3A_446 = arith.muli %scan3A_433, %mul3A_445 : i32
      %add3A_447 = arith.constant 48 : i32
      %add3A_448 = arith.addi %add3A_447, %scan3A_433 : i32
      %dma_start3A_449 = arith.constant 0 : i32
      %dma_start3A_450 = tpu.memref_slice %arg10[%mul3A_446, %dma_start3A_449] : memref<2048x16xf32, #tpu.memory_space<vmem>> -> memref<128x16xf32, #tpu.memory_space<vmem>>
      %dma_start3A_451 = arith.constant 0 : i32
      %dma_start3A_452 = tpu.memref_slice %arg6[%add3A_448, %dma_start3A_451] : memref<80x128xi32, #tpu.memory_space<vmem>> -> memref<1x128xi32, #tpu.memory_space<vmem>>
      %dma_start3A_453 = tpu.memref_squeeze %dma_start3A_452 : memref<1x128xi32, #tpu.memory_space<vmem>> -> memref<128xi32, #tpu.memory_space<vmem>>
      %dma_start3A_454 = arith.constant 0 : i32
      %dma_start3A_455 = arith.constant 0 : i32
      %dma_start3A_456 = tpu.memref_slice %arg13[%dma_start3A_454, %dma_start3A_455] : memref<10112x16xf32, #tpu.memory_space<vmem_shared>> -> memref<10112x16xf32, #tpu.memory_space<vmem_shared>>
      tpu.enqueue_indirect_dma source(%dma_start3A_450 : memref<128x16xf32, #tpu.memory_space<vmem>>) target(%dma_start3A_456 : memref<10112x16xf32, #tpu.memory_space<vmem_shared>>) offsets(%dma_start3A_453 : memref<128xi32, #tpu.memory_space<vmem>>) semaphore(%arg18 : memref<!tpu.dma_semaphore, #tpu.memory_space<semaphore_mem>>) {add = true}
      %scan3A_457 = arith.constant 0 : i32
      scf.yield %scan3A_457 : i32
    }
    %scan3A_409 = arith.constant 16 : i32
    %scan3A_410 = arith.constant 0 : i32
    %scan3A_411 = arith.constant 0 : i32
    %scan3A_412 = arith.constant 16 : i32
    %scan3A_413 = arith.addi %scan3A_411, %scan3A_412 : i32
    %scan3A_414 = arith.constant 1 : i32
    %scan3A_415 = scf.for %scan3A_433 = %scan3A_411 to %scan3A_413 step %scan3A_414 iter_args(%scan3A_434 = %scan3A_410) -> (i32)  : i32 {
      %dma_wait3A_435 = arith.constant 0 : i32
      %dma_wait3A_436 = arith.constant 0 : i32
      %dma_wait3A_437 = arith.constant 0 : i32
      %dma_wait3A_438 = tpu.memref_slice %arg9[%dma_wait3A_436, %dma_wait3A_437] : memref<2048x16xf32, #tpu.memory_space<vmem>> -> memref<128x16xf32, #tpu.memory_space<vmem>>
      %dma_wait3A_439 = arith.constant 0 : i32
      %dma_wait3A_440 = tpu.memref_slice %arg5[%dma_wait3A_435, %dma_wait3A_439] : memref<80x128xi32, #tpu.memory_space<vmem>> -> memref<1x128xi32, #tpu.memory_space<vmem>>
      %dma_wait3A_441 = tpu.memref_squeeze %dma_wait3A_440 : memref<1x128xi32, #tpu.memory_space<vmem>> -> memref<128xi32, #tpu.memory_space<vmem>>
      %dma_wait3A_442 = arith.constant 0 : i32
      %dma_wait3A_443 = arith.constant 0 : i32
      %dma_wait3A_444 = tpu.memref_slice %arg2[%dma_wait3A_442, %dma_wait3A_443] : memref<10000x16xf32, #tpu.memory_space<hbm>> -> memref<10000x16xf32, #tpu.memory_space<hbm>>
      tpu.wait_indirect_dma semaphore(%arg15 : memref<!tpu.dma_semaphore, #tpu.memory_space<semaphore_mem>>) src(%dma_wait3A_444 : memref<10000x16xf32, #tpu.memory_space<hbm>>) dst(%dma_wait3A_438 : memref<128x16xf32, #tpu.memory_space<vmem>>)
      %mul3A_445 = arith.constant 128 : i32
      %mul3A_446 = arith.muli %scan3A_433, %mul3A_445 : i32
      %add3A_447 = arith.constant 64 : i32
      %add3A_448 = arith.addi %add3A_447, %scan3A_433 : i32
      %dma_start3A_449 = arith.constant 0 : i32
      %dma_start3A_450 = tpu.memref_slice %arg9[%mul3A_446, %dma_start3A_449] : memref<2048x16xf32, #tpu.memory_space<vmem>> -> memref<128x16xf32, #tpu.memory_space<vmem>>
      %dma_start3A_451 = arith.constant 0 : i32
      %dma_start3A_452 = tpu.memref_slice %arg6[%add3A_448, %dma_start3A_451] : memref<80x128xi32, #tpu.memory_space<vmem>> -> memref<1x128xi32, #tpu.memory_space<vmem>>
      %dma_start3A_453 = tpu.memref_squeeze %dma_start3A_452 : memref<1x128xi32, #tpu.memory_space<vmem>> -> memref<128xi32, #tpu.memory_space<vmem>>
      %dma_start3A_454 = arith.constant 0 : i32
      %dma_start3A_455 = arith.constant 0 : i32
      %dma_start3A_456 = tpu.memref_slice %arg13[%dma_start3A_454, %dma_start3A_455] : memref<10112x16xf32, #tpu.memory_space<vmem_shared>> -> memref<10112x16xf32, #tpu.memory_space<vmem_shared>>
      tpu.enqueue_indirect_dma source(%dma_start3A_450 : memref<128x16xf32, #tpu.memory_space<vmem>>) target(%dma_start3A_456 : memref<10112x16xf32, #tpu.memory_space<vmem_shared>>) offsets(%dma_start3A_453 : memref<128xi32, #tpu.memory_space<vmem>>) semaphore(%arg17 : memref<!tpu.dma_semaphore, #tpu.memory_space<semaphore_mem>>) {add = true}
      %scan3A_457 = arith.constant 0 : i32
      scf.yield %scan3A_457 : i32
    }
    %scan3A_416 = arith.constant 16 : i32
    %scan3A_417 = arith.constant 0 : i32
    %scan3A_418 = arith.constant 0 : i32
    %scan3A_419 = arith.constant 16 : i32
    %scan3A_420 = arith.addi %scan3A_418, %scan3A_419 : i32
    %scan3A_421 = arith.constant 1 : i32
    %scan3A_422 = scf.for %scan3A_433 = %scan3A_418 to %scan3A_420 step %scan3A_421 iter_args(%scan3A_434 = %scan3A_417) -> (i32)  : i32 {
      %dma_wait3A_435 = arith.constant 0 : i32
      %dma_wait3A_436 = arith.constant 0 : i32
      %dma_wait3A_437 = arith.constant 0 : i32
      %dma_wait3A_438 = tpu.memref_slice %arg9[%dma_wait3A_436, %dma_wait3A_437] : memref<2048x16xf32, #tpu.memory_space<vmem>> -> memref<128x16xf32, #tpu.memory_space<vmem>>
      %dma_wait3A_439 = arith.constant 0 : i32
      %dma_wait3A_440 = tpu.memref_slice %arg6[%dma_wait3A_435, %dma_wait3A_439] : memref<80x128xi32, #tpu.memory_space<vmem>> -> memref<1x128xi32, #tpu.memory_space<vmem>>
      %dma_wait3A_441 = tpu.memref_squeeze %dma_wait3A_440 : memref<1x128xi32, #tpu.memory_space<vmem>> -> memref<128xi32, #tpu.memory_space<vmem>>
      %dma_wait3A_442 = arith.constant 0 : i32
      %dma_wait3A_443 = arith.constant 0 : i32
      %dma_wait3A_444 = tpu.memref_slice %arg13[%dma_wait3A_442, %dma_wait3A_443] : memref<10112x16xf32, #tpu.memory_space<vmem_shared>> -> memref<10112x16xf32, #tpu.memory_space<vmem_shared>>
      tpu.wait_indirect_dma semaphore(%arg17 : memref<!tpu.dma_semaphore, #tpu.memory_space<semaphore_mem>>) src(%dma_wait3A_438 : memref<128x16xf32, #tpu.memory_space<vmem>>) dst(%dma_wait3A_444 : memref<10112x16xf32, #tpu.memory_space<vmem_shared>>)
      %scan3A_445 = arith.constant 0 : i32
      scf.yield %scan3A_445 : i32
    }
    %scan3A_423 = arith.constant 16 : i32
    %scan3A_424 = arith.constant 0 : i32
    %scan3A_425 = arith.constant 0 : i32
    %scan3A_426 = arith.constant 16 : i32
    %scan3A_427 = arith.addi %scan3A_425, %scan3A_426 : i32
    %scan3A_428 = arith.constant 1 : i32
    %scan3A_429 = scf.for %scan3A_433 = %scan3A_425 to %scan3A_427 step %scan3A_428 iter_args(%scan3A_434 = %scan3A_424) -> (i32)  : i32 {
      %dma_wait3A_435 = arith.constant 0 : i32
      %dma_wait3A_436 = arith.constant 0 : i32
      %dma_wait3A_437 = arith.constant 0 : i32
      %dma_wait3A_438 = tpu.memref_slice %arg10[%dma_wait3A_436, %dma_wait3A_437] : memref<2048x16xf32, #tpu.memory_space<vmem>> -> memref<128x16xf32, #tpu.memory_space<vmem>>
      %dma_wait3A_439 = arith.constant 0 : i32
      %dma_wait3A_440 = tpu.memref_slice %arg6[%dma_wait3A_435, %dma_wait3A_439] : memref<80x128xi32, #tpu.memory_space<vmem>> -> memref<1x128xi32, #tpu.memory_space<vmem>>
      %dma_wait3A_441 = tpu.memref_squeeze %dma_wait3A_440 : memref<1x128xi32, #tpu.memory_space<vmem>> -> memref<128xi32, #tpu.memory_space<vmem>>
      %dma_wait3A_442 = arith.constant 0 : i32
      %dma_wait3A_443 = arith.constant 0 : i32
      %dma_wait3A_444 = tpu.memref_slice %arg13[%dma_wait3A_442, %dma_wait3A_443] : memref<10112x16xf32, #tpu.memory_space<vmem_shared>> -> memref<10112x16xf32, #tpu.memory_space<vmem_shared>>
      tpu.wait_indirect_dma semaphore(%arg18 : memref<!tpu.dma_semaphore, #tpu.memory_space<semaphore_mem>>) src(%dma_wait3A_438 : memref<128x16xf32, #tpu.memory_space<vmem>>) dst(%dma_wait3A_444 : memref<10112x16xf32, #tpu.memory_space<vmem_shared>>)
      %scan3A_445 = arith.constant 0 : i32
      scf.yield %scan3A_445 : i32
    }
    %scan3A_430 = arith.constant 16 : i32
    %run_scoped3A = arith.constant 0 : i32
    "tpu.region"() ({
      %run_scoped3A_433 = tpu.sem_alloc : memref<!tpu.dma_semaphore, #tpu.memory_space<semaphore_mem>>
      %dma_start3A_434 = arith.constant 0 : i32
      %dma_start3A_435 = tpu.memref_slice %arg7[%run_scoped3A, %dma_start3A_434] : memref<1x16xi32, #tpu.memory_space<vmem>> -> memref<1x16xi32, #tpu.memory_space<vmem>>
      %dma_start3A_436 = tpu.memref_squeeze %dma_start3A_435 : memref<1x16xi32, #tpu.memory_space<vmem>> -> memref<16xi32, #tpu.memory_space<vmem>>
      %dma_start3A_437 = arith.constant 0 : i32
      %dma_start3A_438 = arith.constant 0 : i32
      %dma_start3A_439 = tpu.memref_slice %arg2[%dma_start3A_437, %dma_start3A_438] : memref<10000x16xf32, #tpu.memory_space<hbm>> -> memref<10000x16xf32, #tpu.memory_space<hbm>>
      tpu.enqueue_indirect_dma source(%dma_start3A_439 : memref<10000x16xf32, #tpu.memory_space<hbm>>) target(%arg11 : memref<16x16xf32, #tpu.memory_space<vmem>>) offsets(%dma_start3A_436 : memref<16xi32, #tpu.memory_space<vmem>>) semaphore(%run_scoped3A_433 : memref<!tpu.dma_semaphore, #tpu.memory_space<semaphore_mem>>)
      %dma_wait3A_440 = arith.constant 0 : i32
      %dma_wait3A_441 = tpu.memref_slice %arg7[%run_scoped3A, %dma_wait3A_440] : memref<1x16xi32, #tpu.memory_space<vmem>> -> memref<1x16xi32, #tpu.memory_space<vmem>>
      %dma_wait3A_442 = tpu.memref_squeeze %dma_wait3A_441 : memref<1x16xi32, #tpu.memory_space<vmem>> -> memref<16xi32, #tpu.memory_space<vmem>>
      %dma_wait3A_443 = arith.constant 0 : i32
      %dma_wait3A_444 = arith.constant 0 : i32
      %dma_wait3A_445 = tpu.memref_slice %arg2[%dma_wait3A_443, %dma_wait3A_444] : memref<10000x16xf32, #tpu.memory_space<hbm>> -> memref<10000x16xf32, #tpu.memory_space<hbm>>
      tpu.wait_indirect_dma semaphore(%run_scoped3A_433 : memref<!tpu.dma_semaphore, #tpu.memory_space<semaphore_mem>>) src(%dma_wait3A_445 : memref<10000x16xf32, #tpu.memory_space<hbm>>) dst(%arg11 : memref<16x16xf32, #tpu.memory_space<vmem>>)
      tpu.yield
    }) : () -> ()
    %run_scoped3A_431 = arith.constant 0 : i32
    "tpu.region"() ({
      %run_scoped3A_433 = tpu.sem_alloc : memref<!tpu.dma_semaphore, #tpu.memory_space<semaphore_mem>>
      %dma_start3A_434 = arith.constant 0 : i32
      %dma_start3A_435 = tpu.memref_slice %arg8[%run_scoped3A_431, %dma_start3A_434] : memref<1x16xi32, #tpu.memory_space<vmem>> -> memref<1x16xi32, #tpu.memory_space<vmem>>
      %dma_start3A_436 = tpu.memref_squeeze %dma_start3A_435 : memref<1x16xi32, #tpu.memory_space<vmem>> -> memref<16xi32, #tpu.memory_space<vmem>>
      %dma_start3A_437 = arith.constant 0 : i32
      %dma_start3A_438 = arith.constant 0 : i32
      %dma_start3A_439 = tpu.memref_slice %arg13[%dma_start3A_437, %dma_start3A_438] : memref<10112x16xf32, #tpu.memory_space<vmem_shared>> -> memref<10112x16xf32, #tpu.memory_space<vmem_shared>>
      tpu.enqueue_indirect_dma source(%arg11 : memref<16x16xf32, #tpu.memory_space<vmem>>) target(%dma_start3A_439 : memref<10112x16xf32, #tpu.memory_space<vmem_shared>>) offsets(%dma_start3A_436 : memref<16xi32, #tpu.memory_space<vmem>>) semaphore(%run_scoped3A_433 : memref<!tpu.dma_semaphore, #tpu.memory_space<semaphore_mem>>) {add = true}
      %dma_wait3A_440 = arith.constant 0 : i32
      %dma_wait3A_441 = tpu.memref_slice %arg8[%run_scoped3A_431, %dma_wait3A_440] : memref<1x16xi32, #tpu.memory_space<vmem>> -> memref<1x16xi32, #tpu.memory_space<vmem>>
      %dma_wait3A_442 = tpu.memref_squeeze %dma_wait3A_441 : memref<1x16xi32, #tpu.memory_space<vmem>> -> memref<16xi32, #tpu.memory_space<vmem>>
      %dma_wait3A_443 = arith.constant 0 : i32
      %dma_wait3A_444 = arith.constant 0 : i32
      %dma_wait3A_445 = tpu.memref_slice %arg13[%dma_wait3A_443, %dma_wait3A_444] : memref<10112x16xf32, #tpu.memory_space<vmem_shared>> -> memref<10112x16xf32, #tpu.memory_space<vmem_shared>>
      tpu.wait_indirect_dma semaphore(%run_scoped3A_433 : memref<!tpu.dma_semaphore, #tpu.memory_space<semaphore_mem>>) src(%arg11 : memref<16x16xf32, #tpu.memory_space<vmem>>) dst(%dma_wait3A_445 : memref<10112x16xf32, #tpu.memory_space<vmem_shared>>)
      tpu.yield
    }) : () -> ()
    %barrier3A_432 = arith.constant 0 : index
    tpu.barrier barrier_id(%barrier3A_432)
    "tpu.region"() ({
      %run_scoped3A_433 = tpu.sem_alloc : memref<!tpu.dma_semaphore, #tpu.memory_space<semaphore_mem>>
      %dma_start3A_434 = arith.constant 0 : i32
      %dma_start3A_435 = tpu.memref_slice %arg4[%arg0, %mul3A_4, %dma_start3A_434] : memref<2x10112x16xf32, #tpu.memory_space<hbm>> -> memref<1x632x16xf32, #tpu.memory_space<hbm>>
      %dma_start3A_436 = tpu.memref_squeeze %dma_start3A_435 : memref<1x632x16xf32, #tpu.memory_space<hbm>> -> memref<632x16xf32, #tpu.memory_space<hbm>>
      %dma_start3A_437 = arith.constant 0 : i32
      %dma_start3A_438 = tpu.memref_slice %arg13[%mul3A_4, %dma_start3A_437] : memref<10112x16xf32, #tpu.memory_space<vmem_shared>> -> memref<632x16xf32, #tpu.memory_space<vmem_shared>>
      tpu.enqueue_dma source(%dma_start3A_438 : memref<632x16xf32, #tpu.memory_space<vmem_shared>>) target(%dma_start3A_436 : memref<632x16xf32, #tpu.memory_space<hbm>>) target_semaphore(%run_scoped3A_433 : memref<!tpu.dma_semaphore, #tpu.memory_space<semaphore_mem>>)
      %dma_wait3A_439 = arith.constant 0 : i32
      %dma_wait3A_440 = tpu.memref_slice %arg4[%arg0, %mul3A_4, %dma_wait3A_439] : memref<2x10112x16xf32, #tpu.memory_space<hbm>> -> memref<1x632x16xf32, #tpu.memory_space<hbm>>
      %dma_wait3A_441 = tpu.memref_squeeze %dma_wait3A_440 : memref<1x632x16xf32, #tpu.memory_space<hbm>> -> memref<632x16xf32, #tpu.memory_space<hbm>>
      %dma_wait3A_442 = arith.constant 0 : i32
      %dma_wait3A_443 = tpu.memref_slice %arg13[%mul3A_4, %dma_wait3A_442] : memref<10112x16xf32, #tpu.memory_space<vmem_shared>> -> memref<632x16xf32, #tpu.memory_space<vmem_shared>>
      tpu.wait_dma2 semaphore(%run_scoped3A_433 : memref<!tpu.dma_semaphore, #tpu.memory_space<semaphore_mem>>) src(%dma_wait3A_443 : memref<632x16xf32, #tpu.memory_space<vmem_shared>>) dst(%dma_wait3A_441 : memref<632x16xf32, #tpu.memory_space<hbm>>)
      tpu.yield
    }) : () -> ()
    return
  }
}

module attributes {stable_mosaic.version = 14 : i64} {
  func.func @_matmul_body(%arg0: i32, %arg1: memref<1250x1024xf32, #tpu.memory_space<vmem>>, %arg2: memref<1024x128xf32, #tpu.memory_space<vmem>>, %arg3: memref<1250x128xf32, #tpu.memory_space<vmem>>) attributes {dimension_semantics = [#tpu.dimension_semantics<arbitrary>], iteration_bounds = array<i64: 1>, scalar_prefetch = 0 : i64, scratch_operands = 0 : i64, tpu.core_type = #tpu.core_type<tc>, window_params = [{pipeline_mode = #tpu.pipeline_mode<synchronous>, transform_indices = @transform_0, window_bounds = array<i64: 1250, 1024>}, {pipeline_mode = #tpu.pipeline_mode<synchronous>, transform_indices = @transform_1, window_bounds = array<i64: 1024, 128>}, {pipeline_mode = #tpu.pipeline_mode<synchronous>, transform_indices = @transform_2, window_bounds = array<i64: 1250, 128>}]} {
    %get3A = arith.constant 0 : index
    %get3A_0 = arith.constant 0 : index
    %get3A_1 = vector.load %arg1[%get3A, %get3A_0] : memref<1250x1024xf32, #tpu.memory_space<vmem>>, vector<1250x1024xf32>
    %get3A_2 = arith.constant 0 : index
    %get3A_3 = arith.constant 0 : index
    %get3A_4 = vector.load %arg2[%get3A_2, %get3A_3] : memref<1024x128xf32, #tpu.memory_space<vmem>>, vector<1024x128xf32>
    %dot_general3A = arith.constant dense<0.000000e+00> : vector<1250x128xf32>
    %dot_general3A_5 = tpu.matmul %get3A_1, %get3A_4, %dot_general3A {dimension_numbers = #tpu.dot_dimension_numbers<[1], [0], [0], [1], [0, 0, 1, 1], [], []>, transpose_lhs_hint = false} : vector<1250x1024xf32>, vector<1024x128xf32>, vector<1250x128xf32> -> vector<1250x128xf32>
    %swap3A = arith.constant 0 : index
    %swap3A_6 = arith.constant 0 : index
    %swap3A_7 = vector.load %arg3[%swap3A, %swap3A_6] : memref<1250x128xf32, #tpu.memory_space<vmem>>, vector<1250x128xf32>
    tpu.vector_store %arg3[%swap3A, %swap3A_6], %dot_general3A_5 {strides = array<i32>} : memref<1250x128xf32, #tpu.memory_space<vmem>>, vector<1250x128xf32>,
    return
  }
  func.func @transform_0(%arg0: i32) -> (i32, i32) {
    %c0_i32 = arith.constant 0 : i32
    %c0_i32_0 = arith.constant 0 : i32
    %c0_i32_1 = arith.constant 0 : i32
    return %c0_i32, %c0_i32_0 : i32, i32
  }
  func.func @transform_1(%arg0: i32) -> (i32, i32) {
    %c0_i32 = arith.constant 0 : i32
    %c0_i32_0 = arith.constant 0 : i32
    %c0_i32_1 = arith.constant 0 : i32
    return %c0_i32, %c0_i32_0 : i32, i32
  }
  func.func @transform_2(%arg0: i32) -> (i32, i32) {
    %c0_i32 = arith.constant 0 : i32
    %c0_i32_0 = arith.constant 0 : i32
    %c0_i32_1 = arith.constant 0 : i32
    return %c0_i32, %c0_i32_0 : i32, i32
  }
}

module attributes {stable_mosaic.version = 14 : i64} {
  func.func @_scale_body(%arg0: i32, %arg1: memref<2x1264x128xf32, #tpu.memory_space<vmem>>, %arg2: memref<1250x128xf32, #tpu.memory_space<vmem>>, %arg3: memref<1250x128xf32, #tpu.memory_space<vmem>>) attributes {dimension_semantics = [#tpu.dimension_semantics<arbitrary>], iteration_bounds = array<i64: 1>, scalar_prefetch = 0 : i64, scratch_operands = 0 : i64, tpu.core_type = #tpu.core_type<tc>, window_params = [{pipeline_mode = #tpu.pipeline_mode<synchronous>, transform_indices = @transform_0, window_bounds = array<i64: 2, 1264, 128>}, {pipeline_mode = #tpu.pipeline_mode<synchronous>, transform_indices = @transform_1, window_bounds = array<i64: 1250, 128>}, {pipeline_mode = #tpu.pipeline_mode<synchronous>, transform_indices = @transform_2, window_bounds = array<i64: 1250, 128>}]} {
    %get3A = arith.constant 0 : index
    %get3A_0 = arith.constant 0 : index
    %get3A_1 = arith.constant 0 : index
    %get3A_2 = vector.load %arg1[%get3A, %get3A_0, %get3A_1] : memref<2x1264x128xf32, #tpu.memory_space<vmem>>, vector<1x1264x128xf32>
    %get3A_3 = vector.shape_cast %get3A_2 : vector<1x1264x128xf32> to vector<1264x128xf32>
    %get3A_4 = arith.constant 1 : index
    %get3A_5 = arith.constant 0 : index
    %get3A_6 = arith.constant 0 : index
    %get3A_7 = vector.load %arg1[%get3A_4, %get3A_5, %get3A_6] : memref<2x1264x128xf32, #tpu.memory_space<vmem>>, vector<1x1264x128xf32>
    %get3A_8 = vector.shape_cast %get3A_7 : vector<1x1264x128xf32> to vector<1264x128xf32>
    %add3A = arith.addf %get3A_3, %get3A_8 : vector<1264x128xf32>
    %slice3A = vector.extract_strided_slice %add3A {offsets = [0, 0], sizes = [1250, 128], strides = [1, 1]} : vector<1264x128xf32> to vector<1250x128xf32>
    %max3A = arith.constant 1.000000e+00 : f32
    %max3A_9 = vector.broadcast %max3A : f32 to vector<1250x128xf32>
    %max3A_10 = arith.maximumf %slice3A, %max3A_9 : vector<1250x128xf32>
    %rsqrt3A = math.rsqrt %max3A_10 : vector<1250x128xf32>
    %get3A_11 = arith.constant 0 : index
    %get3A_12 = arith.constant 0 : index
    %get3A_13 = vector.load %arg2[%get3A_11, %get3A_12] : memref<1250x128xf32, #tpu.memory_space<vmem>>, vector<1250x128xf32>
    %mul3A = arith.mulf %get3A_13, %rsqrt3A : vector<1250x128xf32>
    %swap3A = arith.constant 0 : index
    %swap3A_14 = arith.constant 0 : index
    %swap3A_15 = vector.load %arg3[%swap3A, %swap3A_14] : memref<1250x128xf32, #tpu.memory_space<vmem>>, vector<1250x128xf32>
    tpu.vector_store %arg3[%swap3A, %swap3A_14], %mul3A {strides = array<i32>} : memref<1250x128xf32, #tpu.memory_space<vmem>>, vector<1250x128xf32>,
    return
  }
  func.func @transform_0(%arg0: i32) -> (i32, i32, i32) {
    %c0_i32 = arith.constant 0 : i32
    %c0_i32_0 = arith.constant 0 : i32
    %c0_i32_1 = arith.constant 0 : i32
    %c0_i32_2 = arith.constant 0 : i32
    return %c0_i32, %c0_i32_0, %c0_i32_1 : i32, i32, i32
  }
  func.func @transform_1(%arg0: i32) -> (i32, i32) {
    %c0_i32 = arith.constant 0 : i32
    %c0_i32_0 = arith.constant 0 : i32
    %c0_i32_1 = arith.constant 0 : i32
    return %c0_i32, %c0_i32_0 : i32, i32
  }
  func.func @transform_2(%arg0: i32) -> (i32, i32) {
    %c0_i32 = arith.constant 0 : i32
    %c0_i32_0 = arith.constant 0 : i32
    %c0_i32_1 = arith.constant 0 : i32
    return %c0_i32, %c0_i32_0 : i32, i32
  }
}

module attributes {stable_mosaic.version = 14 : i64} {
  func.func @_readout_body(%arg0: i32, %arg1: memref<2x1264x128xf32, #tpu.memory_space<vmem>>, %arg2: memref<2x1264x128xf32, #tpu.memory_space<vmem>>, %arg3: memref<8x1264xi32, #tpu.memory_space<vmem>>, %arg4: memref<1x128xf32, #tpu.memory_space<vmem>>, %arg5: memref<128x16xf32, #tpu.memory_space<vmem>>) attributes {dimension_semantics = [#tpu.dimension_semantics<arbitrary>], iteration_bounds = array<i64: 1>, scalar_prefetch = 0 : i64, scratch_operands = 0 : i64, tpu.core_type = #tpu.core_type<tc>, window_params = [{pipeline_mode = #tpu.pipeline_mode<synchronous>, transform_indices = @transform_0, window_bounds = array<i64: 2, 1264, 128>}, {pipeline_mode = #tpu.pipeline_mode<synchronous>, transform_indices = @transform_1, window_bounds = array<i64: 2, 1264, 128>}, {pipeline_mode = #tpu.pipeline_mode<synchronous>, transform_indices = @transform_2, window_bounds = array<i64: 8, 1264>}, {pipeline_mode = #tpu.pipeline_mode<synchronous>, transform_indices = @transform_3, window_bounds = array<i64: 1, 128>}, {pipeline_mode = #tpu.pipeline_mode<synchronous>, transform_indices = @transform_4, window_bounds = array<i64: 128, 16>}]} {
    %get3A = arith.constant 0 : index
    %get3A_0 = arith.constant 0 : index
    %get3A_1 = arith.constant 0 : index
    %get3A_2 = vector.load %arg1[%get3A, %get3A_0, %get3A_1] : memref<2x1264x128xf32, #tpu.memory_space<vmem>>, vector<1x1264x128xf32>
    %get3A_3 = vector.shape_cast %get3A_2 : vector<1x1264x128xf32> to vector<1264x128xf32>
    %get3A_4 = arith.constant 1 : index
    %get3A_5 = arith.constant 0 : index
    %get3A_6 = arith.constant 0 : index
    %get3A_7 = vector.load %arg1[%get3A_4, %get3A_5, %get3A_6] : memref<2x1264x128xf32, #tpu.memory_space<vmem>>, vector<1x1264x128xf32>
    %get3A_8 = vector.shape_cast %get3A_7 : vector<1x1264x128xf32> to vector<1264x128xf32>
    %add3A = arith.addf %get3A_3, %get3A_8 : vector<1264x128xf32>
    %get3A_9 = arith.constant 0 : index
    %get3A_10 = arith.constant 0 : index
    %get3A_11 = arith.constant 0 : index
    %get3A_12 = vector.load %arg2[%get3A_9, %get3A_10, %get3A_11] : memref<2x1264x128xf32, #tpu.memory_space<vmem>>, vector<1x1264x128xf32>
    %get3A_13 = vector.shape_cast %get3A_12 : vector<1x1264x128xf32> to vector<1264x128xf32>
    %get3A_14 = arith.constant 1 : index
    %get3A_15 = arith.constant 0 : index
    %get3A_16 = arith.constant 0 : index
    %get3A_17 = vector.load %arg2[%get3A_14, %get3A_15, %get3A_16] : memref<2x1264x128xf32, #tpu.memory_space<vmem>>, vector<1x1264x128xf32>
    %get3A_18 = vector.shape_cast %get3A_17 : vector<1x1264x128xf32> to vector<1264x128xf32>
    %add3A_19 = arith.addf %get3A_13, %get3A_18 : vector<1264x128xf32>
    %max3A = arith.constant 1.000000e+00 : f32
    %max3A_20 = vector.broadcast %max3A : f32 to vector<1264x128xf32>
    %max3A_21 = arith.maximumf %add3A_19, %max3A_20 : vector<1264x128xf32>
    %rsqrt3A = math.rsqrt %max3A_21 : vector<1264x128xf32>
    %iota3A = tpu.iota {dimensions = array<i32: 1>} : vector<1264x128xi32>
    %iota3A_22 = tpu.iota {dimensions = array<i32: 0>} : vector<1264x128xi32>
    %mul3A = arith.constant 8 : i32
    %mul3A_23 = vector.broadcast %mul3A : i32 to vector<1264x128xi32>
    %mul3A_24 = arith.muli %iota3A_22, %mul3A_23 : vector<1264x128xi32>
    %jit3A = arith.constant 16 : i32
    %div3A = vector.broadcast %jit3A : i32 to vector<1264x128xi32>
    %div3A_25 = arith.divsi %iota3A, %div3A : vector<1264x128xi32>
    %sign3A = arith.constant 0 : i32
    %sign3A_26 = vector.broadcast %sign3A : i32 to vector<1264x128xi32>
    %sign3A_27 = arith.cmpi sgt, %iota3A, %sign3A_26 : vector<1264x128xi32>
    %sign3A_28 = arith.extui %sign3A_27 : vector<1264x128xi1> to vector<1264x128xi32>
    %sign3A_29 = arith.constant 0 : i32
    %sign3A_30 = vector.broadcast %sign3A_29 : i32 to vector<1264x128xi32>
    %sign3A_31 = arith.cmpi slt, %iota3A, %sign3A_30 : vector<1264x128xi32>
    %sign3A_32 = arith.extui %sign3A_31 : vector<1264x128xi1> to vector<1264x128xi32>
    %sign3A_33 = arith.subi %sign3A_28, %sign3A_32 : vector<1264x128xi32>
    %sign3A_34 = arith.constant 0 : i32
    %sign3A_35 = arith.cmpi sgt, %jit3A, %sign3A_34 : i32
    %sign3A_36 = arith.extui %sign3A_35 : i1 to i32
    %sign3A_37 = arith.constant 0 : i32
    %sign3A_38 = arith.cmpi slt, %jit3A, %sign3A_37 : i32
    %sign3A_39 = arith.extui %sign3A_38 : i1 to i32
    %sign3A_40 = arith.subi %sign3A_36, %sign3A_39 : i32
    %ne3A = vector.broadcast %sign3A_40 : i32 to vector<1264x128xi32>
    %ne3A_41 = arith.cmpi ne, %sign3A_33, %ne3A : vector<1264x128xi32>
    %rem3A = vector.broadcast %jit3A : i32 to vector<1264x128xi32>
    %rem3A_42 = arith.remsi %iota3A, %rem3A : vector<1264x128xi32>
    %ne3A_43 = arith.constant 0 : i32
    %ne3A_44 = vector.broadcast %ne3A_43 : i32 to vector<1264x128xi32>
    %ne3A_45 = arith.cmpi ne, %rem3A_42, %ne3A_44 : vector<1264x128xi32>
    %and3A = arith.andi %ne3A_41, %ne3A_45 : vector<1264x128xi1>
    %sub3A = arith.constant 1 : i32
    %sub3A_46 = vector.broadcast %sub3A : i32 to vector<1264x128xi32>
    %sub3A_47 = arith.subi %div3A_25, %sub3A_46 : vector<1264x128xi32>
    %select_n3A = arith.select %and3A, %sub3A_47, %div3A_25 : vector<1264x128xi1>, vector<1264x128xi32>
    %add3A_48 = arith.addi %mul3A_24, %select_n3A : vector<1264x128xi32>
    %mul3A_49 = arith.mulf %add3A, %rsqrt3A : vector<1264x128xf32>
    %get3A_50 = arith.constant 0 : index
    %get3A_51 = arith.constant 0 : index
    %get3A_52 = vector.load %arg4[%get3A_50, %get3A_51] : memref<1x128xf32, #tpu.memory_space<vmem>>, vector<1x128xf32>
    %add3A_53 = vector.broadcast %get3A_52 : vector<1x128xf32> to vector<1264x128xf32>
    %add3A_54 = arith.addf %mul3A_49, %add3A_53 : vector<1264x128xf32>
    %jit3A_55 = arith.constant 16 : i32
    %eq3A = arith.constant 0 : i32
    %eq3A_56 = arith.cmpi eq, %jit3A_55, %eq3A : i32
    %jit3A_57 = arith.constant 1 : i32
    %select_n3A_58 = arith.select %eq3A_56, %jit3A_57, %jit3A_55 : i32
    %rem3A_59 = vector.broadcast %select_n3A_58 : i32 to vector<1264x128xi32>
    %rem3A_60 = arith.remsi %iota3A, %rem3A_59 : vector<1264x128xi32>
    %ne3A_61 = arith.constant 0 : i32
    %ne3A_62 = vector.broadcast %ne3A_61 : i32 to vector<1264x128xi32>
    %ne3A_63 = arith.cmpi ne, %rem3A_60, %ne3A_62 : vector<1264x128xi32>
    %lt3A = arith.constant 0 : i32
    %lt3A_64 = vector.broadcast %lt3A : i32 to vector<1264x128xi32>
    %lt3A_65 = arith.cmpi slt, %rem3A_60, %lt3A_64 : vector<1264x128xi32>
    %lt3A_66 = arith.constant 0 : i32
    %lt3A_67 = arith.cmpi slt, %select_n3A_58, %lt3A_66 : i32
    %ne3A_68 = vector.broadcast %lt3A_67 : i1 to vector<1264x128xi1>
    %ne3A_69 = vector.broadcast %ne3A_68 : vector<1264x128xi1> to vector<1264x128xi1>
    %ne3A_70 = arith.xori %lt3A_65, %ne3A_69 : vector<1264x128xi1>
    %and3A_71 = arith.andi %ne3A_70, %ne3A_63 : vector<1264x128xi1>
    %add3A_72 = vector.broadcast %select_n3A_58 : i32 to vector<1264x128xi32>
    %add3A_73 = arith.addi %rem3A_60, %add3A_72 : vector<1264x128xi32>
    %select_n3A_74 = arith.select %and3A_71, %add3A_73, %rem3A_60 : vector<1264x128xi1>, vector<1264x128xi32>
    %eq3A_75 = arith.constant 10 : i32
    %eq3A_76 = vector.broadcast %eq3A_75 : i32 to vector<1264x128xi32>
    %eq3A_77 = arith.cmpi eq, %select_n3A_74, %eq3A_76 : vector<1264x128xi32>
    %jit3A_78 = arith.constant 1.000000e+00 : f32
    %jit3A_79 = arith.constant 0.000000e+00 : f32
    %broadcast_in_dim3A = vector.broadcast %jit3A_78 : f32 to vector<1264x128xf32>
    %broadcast_in_dim3A_80 = vector.broadcast %jit3A_79 : f32 to vector<1264x128xf32>
    %select_n3A_81 = arith.select %eq3A_77, %broadcast_in_dim3A, %broadcast_in_dim3A_80 : vector<1264x128xi1>, vector<1264x128xf32>
    %add3A_82 = arith.addf %add3A_54, %select_n3A_81 : vector<1264x128xf32>
    %lt3A_83 = arith.constant 10000 : i32
    %lt3A_84 = vector.broadcast %lt3A_83 : i32 to vector<1264x128xi32>
    %lt3A_85 = arith.cmpi slt, %add3A_48, %lt3A_84 : vector<1264x128xi32>
    %jit3A_86 = arith.constant 0.000000e+00 : f32
    %broadcast_in_dim3A_87 = vector.broadcast %jit3A_86 : f32 to vector<1264x128xf32>
    %select_n3A_88 = arith.select %lt3A_85, %add3A_82, %broadcast_in_dim3A_87 : vector<1264x128xi1>, vector<1264x128xf32>
    %iota3A_89 = tpu.iota {dimensions = array<i32: 1>} : vector<1264x128xi32>
    %broadcast_in_dim3A_90 = arith.constant 0.000000e+00 : f32
    %broadcast_in_dim3A_91 = vector.broadcast %broadcast_in_dim3A_90 : f32 to vector<128x16xf32>
    %slice3A = vector.extract_strided_slice %select_n3A_88 {offsets = [0, 0], sizes = [1264, 16], strides = [1, 1]} : vector<1264x128xf32> to vector<1264x16xf32>
    %get3A_92 = arith.constant 0 : index
    %get3A_93 = arith.constant 0 : index
    %get3A_94 = vector.load %arg3[%get3A_92, %get3A_93] : memref<8x1264xi32, #tpu.memory_space<vmem>>, vector<1x1264xi32>
    %get3A_95 = vector.shape_cast %get3A_94 : vector<1x1264xi32> to vector<1264xi32>
    %broadcast_in_dim3A_96 = vector.shape_cast %get3A_95 : vector<1264xi32> to vector<1264x1xi32>
    %eq3A_97 = vector.broadcast %broadcast_in_dim3A_96 : vector<1264x1xi32> to vector<1264x128xi32>
    %eq3A_98 = arith.cmpi eq, %eq3A_97, %iota3A_89 : vector<1264x128xi32>
    %jit3A_99 = arith.constant 1.000000e+00 : f32
    %jit3A_100 = arith.constant 0.000000e+00 : f32
    %broadcast_in_dim3A_101 = vector.broadcast %jit3A_99 : f32 to vector<1264x128xf32>
    %broadcast_in_dim3A_102 = vector.broadcast %jit3A_100 : f32 to vector<1264x128xf32>
    %select_n3A_103 = arith.select %eq3A_98, %broadcast_in_dim3A_101, %broadcast_in_dim3A_102 : vector<1264x128xi1>, vector<1264x128xf32>
    %dot_general3A = arith.constant dense<0.000000e+00> : vector<128x16xf32>
    %dot_general3A_104 = tpu.matmul %select_n3A_103, %slice3A, %dot_general3A {dimension_numbers = #tpu.dot_dimension_numbers<[0], [0], [1], [1], [0, 1, 1, 1], [], []>, transpose_lhs_hint = false} : vector<1264x128xf32>, vector<1264x16xf32>, vector<128x16xf32> -> vector<128x16xf32>
    %add3A_105 = arith.addf %broadcast_in_dim3A_91, %dot_general3A_104 : vector<128x16xf32>
    %slice3A_106 = vector.extract_strided_slice %select_n3A_88 {offsets = [0, 16], sizes = [1264, 16], strides = [1, 1]} : vector<1264x128xf32> to vector<1264x16xf32>
    %get3A_107 = arith.constant 1 : index
    %get3A_108 = arith.constant 0 : index
    %get3A_109 = vector.load %arg3[%get3A_107, %get3A_108] : memref<8x1264xi32, #tpu.memory_space<vmem>>, vector<1x1264xi32>
    %get3A_110 = vector.shape_cast %get3A_109 : vector<1x1264xi32> to vector<1264xi32>
    %broadcast_in_dim3A_111 = vector.shape_cast %get3A_110 : vector<1264xi32> to vector<1264x1xi32>
    %eq3A_112 = vector.broadcast %broadcast_in_dim3A_111 : vector<1264x1xi32> to vector<1264x128xi32>
    %eq3A_113 = arith.cmpi eq, %eq3A_112, %iota3A_89 : vector<1264x128xi32>
    %jit3A_114 = arith.constant 1.000000e+00 : f32
    %jit3A_115 = arith.constant 0.000000e+00 : f32
    %broadcast_in_dim3A_116 = vector.broadcast %jit3A_114 : f32 to vector<1264x128xf32>
    %broadcast_in_dim3A_117 = vector.broadcast %jit3A_115 : f32 to vector<1264x128xf32>
    %select_n3A_118 = arith.select %eq3A_113, %broadcast_in_dim3A_116, %broadcast_in_dim3A_117 : vector<1264x128xi1>, vector<1264x128xf32>
    %dot_general3A_119 = arith.constant dense<0.000000e+00> : vector<128x16xf32>
    %dot_general3A_120 = tpu.matmul %select_n3A_118, %slice3A_106, %dot_general3A_119 {dimension_numbers = #tpu.dot_dimension_numbers<[0], [0], [1], [1], [0, 1, 1, 1], [], []>, transpose_lhs_hint = false} : vector<1264x128xf32>, vector<1264x16xf32>, vector<128x16xf32> -> vector<128x16xf32>
    %add3A_121 = arith.addf %add3A_105, %dot_general3A_120 : vector<128x16xf32>
    %slice3A_122 = vector.extract_strided_slice %select_n3A_88 {offsets = [0, 32], sizes = [1264, 16], strides = [1, 1]} : vector<1264x128xf32> to vector<1264x16xf32>
    %get3A_123 = arith.constant 2 : index
    %get3A_124 = arith.constant 0 : index
    %get3A_125 = vector.load %arg3[%get3A_123, %get3A_124] : memref<8x1264xi32, #tpu.memory_space<vmem>>, vector<1x1264xi32>
    %get3A_126 = vector.shape_cast %get3A_125 : vector<1x1264xi32> to vector<1264xi32>
    %broadcast_in_dim3A_127 = vector.shape_cast %get3A_126 : vector<1264xi32> to vector<1264x1xi32>
    %eq3A_128 = vector.broadcast %broadcast_in_dim3A_127 : vector<1264x1xi32> to vector<1264x128xi32>
    %eq3A_129 = arith.cmpi eq, %eq3A_128, %iota3A_89 : vector<1264x128xi32>
    %jit3A_130 = arith.constant 1.000000e+00 : f32
    %jit3A_131 = arith.constant 0.000000e+00 : f32
    %broadcast_in_dim3A_132 = vector.broadcast %jit3A_130 : f32 to vector<1264x128xf32>
    %broadcast_in_dim3A_133 = vector.broadcast %jit3A_131 : f32 to vector<1264x128xf32>
    %select_n3A_134 = arith.select %eq3A_129, %broadcast_in_dim3A_132, %broadcast_in_dim3A_133 : vector<1264x128xi1>, vector<1264x128xf32>
    %dot_general3A_135 = arith.constant dense<0.000000e+00> : vector<128x16xf32>
    %dot_general3A_136 = tpu.matmul %select_n3A_134, %slice3A_122, %dot_general3A_135 {dimension_numbers = #tpu.dot_dimension_numbers<[0], [0], [1], [1], [0, 1, 1, 1], [], []>, transpose_lhs_hint = false} : vector<1264x128xf32>, vector<1264x16xf32>, vector<128x16xf32> -> vector<128x16xf32>
    %add3A_137 = arith.addf %add3A_121, %dot_general3A_136 : vector<128x16xf32>
    %slice3A_138 = vector.extract_strided_slice %select_n3A_88 {offsets = [0, 48], sizes = [1264, 16], strides = [1, 1]} : vector<1264x128xf32> to vector<1264x16xf32>
    %get3A_139 = arith.constant 3 : index
    %get3A_140 = arith.constant 0 : index
    %get3A_141 = vector.load %arg3[%get3A_139, %get3A_140] : memref<8x1264xi32, #tpu.memory_space<vmem>>, vector<1x1264xi32>
    %get3A_142 = vector.shape_cast %get3A_141 : vector<1x1264xi32> to vector<1264xi32>
    %broadcast_in_dim3A_143 = vector.shape_cast %get3A_142 : vector<1264xi32> to vector<1264x1xi32>
    %eq3A_144 = vector.broadcast %broadcast_in_dim3A_143 : vector<1264x1xi32> to vector<1264x128xi32>
    %eq3A_145 = arith.cmpi eq, %eq3A_144, %iota3A_89 : vector<1264x128xi32>
    %jit3A_146 = arith.constant 1.000000e+00 : f32
    %jit3A_147 = arith.constant 0.000000e+00 : f32
    %broadcast_in_dim3A_148 = vector.broadcast %jit3A_146 : f32 to vector<1264x128xf32>
    %broadcast_in_dim3A_149 = vector.broadcast %jit3A_147 : f32 to vector<1264x128xf32>
    %select_n3A_150 = arith.select %eq3A_145, %broadcast_in_dim3A_148, %broadcast_in_dim3A_149 : vector<1264x128xi1>, vector<1264x128xf32>
    %dot_general3A_151 = arith.constant dense<0.000000e+00> : vector<128x16xf32>
    %dot_general3A_152 = tpu.matmul %select_n3A_150, %slice3A_138, %dot_general3A_151 {dimension_numbers = #tpu.dot_dimension_numbers<[0], [0], [1], [1], [0, 1, 1, 1], [], []>, transpose_lhs_hint = false} : vector<1264x128xf32>, vector<1264x16xf32>, vector<128x16xf32> -> vector<128x16xf32>
    %add3A_153 = arith.addf %add3A_137, %dot_general3A_152 : vector<128x16xf32>
    %slice3A_154 = vector.extract_strided_slice %select_n3A_88 {offsets = [0, 64], sizes = [1264, 16], strides = [1, 1]} : vector<1264x128xf32> to vector<1264x16xf32>
    %get3A_155 = arith.constant 4 : index
    %get3A_156 = arith.constant 0 : index
    %get3A_157 = vector.load %arg3[%get3A_155, %get3A_156] : memref<8x1264xi32, #tpu.memory_space<vmem>>, vector<1x1264xi32>
    %get3A_158 = vector.shape_cast %get3A_157 : vector<1x1264xi32> to vector<1264xi32>
    %broadcast_in_dim3A_159 = vector.shape_cast %get3A_158 : vector<1264xi32> to vector<1264x1xi32>
    %eq3A_160 = vector.broadcast %broadcast_in_dim3A_159 : vector<1264x1xi32> to vector<1264x128xi32>
    %eq3A_161 = arith.cmpi eq, %eq3A_160, %iota3A_89 : vector<1264x128xi32>
    %jit3A_162 = arith.constant 1.000000e+00 : f32
    %jit3A_163 = arith.constant 0.000000e+00 : f32
    %broadcast_in_dim3A_164 = vector.broadcast %jit3A_162 : f32 to vector<1264x128xf32>
    %broadcast_in_dim3A_165 = vector.broadcast %jit3A_163 : f32 to vector<1264x128xf32>
    %select_n3A_166 = arith.select %eq3A_161, %broadcast_in_dim3A_164, %broadcast_in_dim3A_165 : vector<1264x128xi1>, vector<1264x128xf32>
    %dot_general3A_167 = arith.constant dense<0.000000e+00> : vector<128x16xf32>
    %dot_general3A_168 = tpu.matmul %select_n3A_166, %slice3A_154, %dot_general3A_167 {dimension_numbers = #tpu.dot_dimension_numbers<[0], [0], [1], [1], [0, 1, 1, 1], [], []>, transpose_lhs_hint = false} : vector<1264x128xf32>, vector<1264x16xf32>, vector<128x16xf32> -> vector<128x16xf32>
    %add3A_169 = arith.addf %add3A_153, %dot_general3A_168 : vector<128x16xf32>
    %slice3A_170 = vector.extract_strided_slice %select_n3A_88 {offsets = [0, 80], sizes = [1264, 16], strides = [1, 1]} : vector<1264x128xf32> to vector<1264x16xf32>
    %get3A_171 = arith.constant 5 : index
    %get3A_172 = arith.constant 0 : index
    %get3A_173 = vector.load %arg3[%get3A_171, %get3A_172] : memref<8x1264xi32, #tpu.memory_space<vmem>>, vector<1x1264xi32>
    %get3A_174 = vector.shape_cast %get3A_173 : vector<1x1264xi32> to vector<1264xi32>
    %broadcast_in_dim3A_175 = vector.shape_cast %get3A_174 : vector<1264xi32> to vector<1264x1xi32>
    %eq3A_176 = vector.broadcast %broadcast_in_dim3A_175 : vector<1264x1xi32> to vector<1264x128xi32>
    %eq3A_177 = arith.cmpi eq, %eq3A_176, %iota3A_89 : vector<1264x128xi32>
    %jit3A_178 = arith.constant 1.000000e+00 : f32
    %jit3A_179 = arith.constant 0.000000e+00 : f32
    %broadcast_in_dim3A_180 = vector.broadcast %jit3A_178 : f32 to vector<1264x128xf32>
    %broadcast_in_dim3A_181 = vector.broadcast %jit3A_179 : f32 to vector<1264x128xf32>
    %select_n3A_182 = arith.select %eq3A_177, %broadcast_in_dim3A_180, %broadcast_in_dim3A_181 : vector<1264x128xi1>, vector<1264x128xf32>
    %dot_general3A_183 = arith.constant dense<0.000000e+00> : vector<128x16xf32>
    %dot_general3A_184 = tpu.matmul %select_n3A_182, %slice3A_170, %dot_general3A_183 {dimension_numbers = #tpu.dot_dimension_numbers<[0], [0], [1], [1], [0, 1, 1, 1], [], []>, transpose_lhs_hint = false} : vector<1264x128xf32>, vector<1264x16xf32>, vector<128x16xf32> -> vector<128x16xf32>
    %add3A_185 = arith.addf %add3A_169, %dot_general3A_184 : vector<128x16xf32>
    %slice3A_186 = vector.extract_strided_slice %select_n3A_88 {offsets = [0, 96], sizes = [1264, 16], strides = [1, 1]} : vector<1264x128xf32> to vector<1264x16xf32>
    %get3A_187 = arith.constant 6 : index
    %get3A_188 = arith.constant 0 : index
    %get3A_189 = vector.load %arg3[%get3A_187, %get3A_188] : memref<8x1264xi32, #tpu.memory_space<vmem>>, vector<1x1264xi32>
    %get3A_190 = vector.shape_cast %get3A_189 : vector<1x1264xi32> to vector<1264xi32>
    %broadcast_in_dim3A_191 = vector.shape_cast %get3A_190 : vector<1264xi32> to vector<1264x1xi32>
    %eq3A_192 = vector.broadcast %broadcast_in_dim3A_191 : vector<1264x1xi32> to vector<1264x128xi32>
    %eq3A_193 = arith.cmpi eq, %eq3A_192, %iota3A_89 : vector<1264x128xi32>
    %jit3A_194 = arith.constant 1.000000e+00 : f32
    %jit3A_195 = arith.constant 0.000000e+00 : f32
    %broadcast_in_dim3A_196 = vector.broadcast %jit3A_194 : f32 to vector<1264x128xf32>
    %broadcast_in_dim3A_197 = vector.broadcast %jit3A_195 : f32 to vector<1264x128xf32>
    %select_n3A_198 = arith.select %eq3A_193, %broadcast_in_dim3A_196, %broadcast_in_dim3A_197 : vector<1264x128xi1>, vector<1264x128xf32>
    %dot_general3A_199 = arith.constant dense<0.000000e+00> : vector<128x16xf32>
    %dot_general3A_200 = tpu.matmul %select_n3A_198, %slice3A_186, %dot_general3A_199 {dimension_numbers = #tpu.dot_dimension_numbers<[0], [0], [1], [1], [0, 1, 1, 1], [], []>, transpose_lhs_hint = false} : vector<1264x128xf32>, vector<1264x16xf32>, vector<128x16xf32> -> vector<128x16xf32>
    %add3A_201 = arith.addf %add3A_185, %dot_general3A_200 : vector<128x16xf32>
    %slice3A_202 = vector.extract_strided_slice %select_n3A_88 {offsets = [0, 112], sizes = [1264, 16], strides = [1, 1]} : vector<1264x128xf32> to vector<1264x16xf32>
    %get3A_203 = arith.constant 7 : index
    %get3A_204 = arith.constant 0 : index
    %get3A_205 = vector.load %arg3[%get3A_203, %get3A_204] : memref<8x1264xi32, #tpu.memory_space<vmem>>, vector<1x1264xi32>
    %get3A_206 = vector.shape_cast %get3A_205 : vector<1x1264xi32> to vector<1264xi32>
    %broadcast_in_dim3A_207 = vector.shape_cast %get3A_206 : vector<1264xi32> to vector<1264x1xi32>
    %eq3A_208 = vector.broadcast %broadcast_in_dim3A_207 : vector<1264x1xi32> to vector<1264x128xi32>
    %eq3A_209 = arith.cmpi eq, %eq3A_208, %iota3A_89 : vector<1264x128xi32>
    %jit3A_210 = arith.constant 1.000000e+00 : f32
    %jit3A_211 = arith.constant 0.000000e+00 : f32
    %broadcast_in_dim3A_212 = vector.broadcast %jit3A_210 : f32 to vector<1264x128xf32>
    %broadcast_in_dim3A_213 = vector.broadcast %jit3A_211 : f32 to vector<1264x128xf32>
    %select_n3A_214 = arith.select %eq3A_209, %broadcast_in_dim3A_212, %broadcast_in_dim3A_213 : vector<1264x128xi1>, vector<1264x128xf32>
    %dot_general3A_215 = arith.constant dense<0.000000e+00> : vector<128x16xf32>
    %dot_general3A_216 = tpu.matmul %select_n3A_214, %slice3A_202, %dot_general3A_215 {dimension_numbers = #tpu.dot_dimension_numbers<[0], [0], [1], [1], [0, 1, 1, 1], [], []>, transpose_lhs_hint = false} : vector<1264x128xf32>, vector<1264x16xf32>, vector<128x16xf32> -> vector<128x16xf32>
    %add3A_217 = arith.addf %add3A_201, %dot_general3A_216 : vector<128x16xf32>
    %iota3A_218 = tpu.iota {dimensions = array<i32: 1>} : vector<128x16xi32>
    %eq3A_219 = arith.constant 10 : i32
    %eq3A_220 = vector.broadcast %eq3A_219 : i32 to vector<128x16xi32>
    %eq3A_221 = arith.cmpi eq, %iota3A_218, %eq3A_220 : vector<128x16xi32>
    %jit3A_222 = arith.constant 0.000000e+00 : f32
    %broadcast_in_dim3A_223 = vector.broadcast %jit3A_222 : f32 to vector<128x16xf32>
    %select_n3A_224 = arith.select %eq3A_221, %add3A_217, %broadcast_in_dim3A_223 : vector<128x16xi1>, vector<128x16xf32>
    %reduce_sum3A = arith.constant dense<0.000000e+00> : vector<128xf32>
    %reduce_sum3A_225 = vector.multi_reduction <add>, %select_n3A_224, %reduce_sum3A [1] : vector<128x16xf32> to vector<128xf32>
    %broadcast_in_dim3A_226 = vector.shape_cast %reduce_sum3A_225 : vector<128xf32> to vector<128x1xf32>
    %max3A_227 = arith.constant 1.000000e+00 : f32
    %max3A_228 = vector.broadcast %max3A_227 : f32 to vector<128x1xf32>
    %max3A_229 = arith.maximumf %broadcast_in_dim3A_226, %max3A_228 : vector<128x1xf32>
    %div3A_230 = vector.broadcast %max3A_229 : vector<128x1xf32> to vector<128x16xf32>
    %div3A_231 = arith.divf %add3A_217, %div3A_230 : vector<128x16xf32>
    %swap3A = arith.constant 0 : index
    %swap3A_232 = arith.constant 0 : index
    %swap3A_233 = vector.load %arg5[%swap3A, %swap3A_232] : memref<128x16xf32, #tpu.memory_space<vmem>>, vector<128x16xf32>
    tpu.vector_store %arg5[%swap3A, %swap3A_232], %div3A_231 {strides = array<i32>} : memref<128x16xf32, #tpu.memory_space<vmem>>, vector<128x16xf32>,
    return
  }
  func.func @transform_0(%arg0: i32) -> (i32, i32, i32) {
    %c0_i32 = arith.constant 0 : i32
    %c0_i32_0 = arith.constant 0 : i32
    %c0_i32_1 = arith.constant 0 : i32
    %c0_i32_2 = arith.constant 0 : i32
    return %c0_i32, %c0_i32_0, %c0_i32_1 : i32, i32, i32
  }
  func.func @transform_1(%arg0: i32) -> (i32, i32, i32) {
    %c0_i32 = arith.constant 0 : i32
    %c0_i32_0 = arith.constant 0 : i32
    %c0_i32_1 = arith.constant 0 : i32
    %c0_i32_2 = arith.constant 0 : i32
    return %c0_i32, %c0_i32_0, %c0_i32_1 : i32, i32, i32
  }
  func.func @transform_2(%arg0: i32) -> (i32, i32) {
    %c0_i32 = arith.constant 0 : i32
    %c0_i32_0 = arith.constant 0 : i32
    %c0_i32_1 = arith.constant 0 : i32
    return %c0_i32, %c0_i32_0 : i32, i32
  }
  func.func @transform_3(%arg0: i32) -> (i32, i32) {
    %c0_i32 = arith.constant 0 : i32
    %c0_i32_0 = arith.constant 0 : i32
    %c0_i32_1 = arith.constant 0 : i32
    return %c0_i32, %c0_i32_0 : i32, i32
  }
  func.func @transform_4(%arg0: i32) -> (i32, i32) {
    %c0_i32 = arith.constant 0 : i32
    %c0_i32_0 = arith.constant 0 : i32
    %c0_i32_1 = arith.constant 0 : i32
    return %c0_i32, %c0_i32_0 : i32, i32
  }
}

</mosaic_0001>

<sc_bundles>
// kernel: kernel.10.cloned.1.call-start
scs
__scs_entry_jumppad:
0x0: {  	(pc) =	sbr.rel $0x88, $3  }
0x1: {  	(tag) =	ssettag $0x0;
	lr =	simm.s32 $0x1  }
0x2: {  	[smem:$0x3F9C] =	sst lr;
	_ =	strace $0xD0000000  }
0x3: {  	_ = 	snop  }
0x4: {  	_ = 	snop  }
0x5: {  	_ = 	snop  }
0x6: {  	_ = 	snop  }
0x7: {  	_ = 	snop  }
__scs_overlays_trampoline_lowered:
0x8: {  	[smem:$0x3FAB] =	sst s0  }
0x9: {  	[smem:$0x3FAC] =	sst s1  }
0xa: {  	[smem:$0x3FAD] =	sst s2  }
0xb: {  	[smem:$0x3FAE] =	sst s3  }
0xc: {  	[smem:$0x3FAF] =	sst s4  }
0xd: {  	[smem:$0x3FB0] =	sst s5  }
0xe: {  	[smem:$0x3FB1] =	sst s6  }
0xf: {  	[smem:$0x3FB2] =	sst s7  }
0x10: {  	[smem:$0x3FB3] =	sst s8  }
0x11: {  	[smem:$0x3FB4] =	sst s9;
	s0 =	simm.s32 @!p0 $0x0  }
0x12: {  	s1 =	sld [smem:$0x3F9A];
	s0 =	simm.s32 @p0 $0x1  }
0x13: {  	[smem:$0x3FB5] =	sst s0;
	s0 =	simm.s32 @!p1 $0x0  }
0x14: {  	s2 =	sld [smem:$0x3F99];
	s0 =	simm.s32 @p1 $0x1  }
0x15: {  	[smem:$0x3FB6] =	sst s0;
	s0 =	simm.s32 @!p2 $0x0  }
0x16: {  	s3 =	sld [smem:$0x3FDB];
	s0 =	simm.s32 @p2 $0x1  }
0x17: {  	s4 =	simm.s32 $0x1BF5;
	[smem:$0x3FB8] =	sst s0  }
0x18: {  	s0 =	sld [smem:$0x3F9B];
	_ =	swait.ge [sflag:s4], $0x0  }
0x19: {  	s7 =	sld [smem:$0x3F9C]  }
0x1a: {  	s8 =	sadd.s32 $0xFFFFE003, lr  }
0x1b: {  	s9 =	sadd.s32 $0xFFFFFEF7, lr;
	s5 =	simm.s32 $0xFFFFFFFF;
	p2 =	slt.u32 s8, $0xFFFFF086  }
0x1c: {  	p1 =	slt.u32 s9, $0xF7A;
	s5 =	simm.s32 @!p2 $0x0  }
0x1d: {  	s5 =	simm.s32 @p1 $0x1;
	p0 =	seq.s32 s7, s2  }
0x1e: {  	s7 =	smul.u32 @!p0 $0xF7A, s2;
	p2 =	seq.s32 @!p0 s5, $0x0  }
0x1f: {  	s9 =	smul.u32 $0xF7A, s1;
	s8 =	simm.s32 @!p0 $0x1BF5;
	p2 =	por !p2, p0  }
0x20: {  	[sflag:s8] =	ssyncset.s32 @!p0 $0xFFFFF086;
	s6 =	sadd.s32 @!p0 s3, s7;
	s7 =	simm.s32 @!p0 $0x108  }
0x21: {  	s3 =	sadd.s32 s3, s9;
	s6 =	sadd.s32 @!p0 $0x88, s6;
	s7 =	simm.s32 @p2 $0x1082  }
0x22: {  	[simem:s7], [sflag:s8] =	dma.local @!p0 [hbm:s6], $0xF7A  }
0x23: {  	s9 =	sor.u32 $0xD0000000, s2;
	s6 =	simm.s32 $0x108;
	_ =	swait.ge @!p0 [sflag:s8], $0x0  }
0x24: {  	s3 =	sadd.s32 $0x88, s3;
	s6 =	simm.s32 @!p1 $0x1082;
	[sflag:s4] =	ssyncset.s32 $0xFFFFF086  }
0x25: {  	[simem:s6], [sflag:s4] =	dma.local [hbm:s3], $0xF7A  }
0x26: {  	[smem:$0x3F9C] =	sst s1;
	(tag) =	ssettag s2;
	_ =	strace s9  }
0x27: {  	s1 =	sld [smem:$0x3FAC]  }
0x28: {  	s2 =	sld [smem:$0x3FAD]  }
0x29: {  	s4 =	sld [smem:$0x3FAF]  }
0x2a: {  	p0 =	seq.s32 s5, $0x0;
	s5 =	sld [smem:$0x3FB0]  }
0x2b: {  	s6 =	sld [smem:$0x3FB1]  }
0x2c: {  	s7 =	sld [smem:$0x3FB2]  }
0x2d: {  	s3 =	simm.s32 $0x108;
	s8 =	sld [smem:$0x3FB3]  }
0x2e: {  	s3 =	simm.s32 @!p0 $0x1082;
	s9 =	sld [smem:$0x3FB4]  }
0x2f: {  	lr =	sadd.s32 s0, s3;
	s0 =	sld [smem:$0x3FAB]  }
0x30: {  	s3 =	sld [smem:$0x3FAE]  }
0x31: {  	[smem:$0x3FB7] =	sst s10  }
0x32: {  	s10 =	sld [smem:$0x3FB5];
	_ =	sdelay $0x3  }
0x33: {  	p0 =	seq.s32 s10, $0x1;
	s10 =	sld [smem:$0x3FB7];
	_ =	sdelay $0x3  }
0x34: {  	[smem:$0x3FB7] =	sst s10  }
0x35: {  	s10 =	sld [smem:$0x3FB6];
	_ =	sdelay $0x3  }
0x36: {  	p1 =	seq.s32 s10, $0x1;
	s10 =	sld [smem:$0x3FB7];
	_ =	sdelay $0x3  }
0x37: {  	[smem:$0x3FB7] =	sst s10  }
0x38: {  	s10 =	sld [smem:$0x3FB8]  }
0x39: {  	_ = 	snop;
	(pc) =	sbr.ind lr, $3  }
0x3a: {  	_ = 	snop  }
0x3b: {  	_ = 	snop  }
0x3c: {  	p2 =	seq.s32 s10, $0x1;
	s10 =	sld [smem:$0x3FB7]  }
0x3d: {  	_ =	shalt  }
0x3e: {  	_ =	shalt  }
0x3f: {  	_ =	shalt  }
0x40: {  	_ =	shalt  }
0x41: {  	_ =	shalt  }
0x42: {  	_ =	shalt  }
0x43: {  	_ =	shalt  }
0x44: {  	_ =	shalt  }
0x45: {  	_ =	shalt  }
0x46: {  	_ =	shalt  }
0x47: {  	_ =	shalt  }
0x48: {  	_ =	shalt  }
0x49: {  	_ =	shalt  }
0x4a: {  	_ =	shalt  }
0x4b: {  	_ =	shalt  }
0x4c: {  	_ =	shalt  }
0x4d: {  	_ =	shalt  }
0x4e: {  	_ =	shalt  }
0x4f: {  	_ =	shalt  }
0x50: {  	_ =	shalt  }
0x51: {  	_ =	shalt  }
0x52: {  	_ =	shalt  }
0x53: {  	_ =	shalt  }
0x54: {  	_ =	shalt  }
0x55: {  	_ =	shalt  }
0x56: {  	_ =	shalt  }
0x57: {  	_ =	shalt  }
0x58: {  	_ =	shalt  }
0x59: {  	_ =	shalt  }
0x5a: {  	_ =	shalt  }
0x5b: {  	_ =	shalt  }
0x5c: {  	_ =	shalt  }
0x5d: {  	_ =	shalt  }
0x5e: {  	_ =	shalt  }
0x5f: {  	_ =	shalt  }
0x60: {  	_ =	shalt  }
0x61: {  	_ =	shalt  }
0x62: {  	_ =	shalt  }
0x63: {  	_ =	shalt  }
0x64: {  	_ =	shalt  }
0x65: {  	_ =	shalt  }
0x66: {  	_ =	shalt  }
0x67: {  	_ =	shalt  }
0x68: {  	_ =	shalt  }
0x69: {  	_ =	shalt  }
0x6a: {  	_ =	shalt  }
0x6b: {  	_ =	shalt  }
0x6c: {  	_ =	shalt  }
0x6d: {  	_ =	shalt  }
0x6e: {  	_ =	shalt  }
0x6f: {  	_ =	shalt  }
0x70: {  	_ =	shalt  }
0x71: {  	_ =	shalt  }
0x72: {  	_ =	shalt  }
0x73: {  	_ =	shalt  }
0x74: {  	_ =	shalt  }
0x75: {  	_ =	shalt  }
0x76: {  	_ =	shalt  }
0x77: {  	_ =	shalt  }
0x78: {  	_ =	shalt  }
0x79: {  	_ =	shalt  }
0x7a: {  	_ =	shalt  }
0x7b: {  	_ =	shalt  }
0x7c: {  	_ =	shalt  }
0x7d: {  	_ =	shalt  }
0x7e: {  	_ =	shalt  }
0x7f: {  	_ =	shalt  }
0x80: {  	_ =	shalt  }
0x81: {  	_ =	shalt  }
0x82: {  	_ =	shalt  }
0x83: {  	_ =	shalt  }
0x84: {  	_ =	shalt  }
0x85: {  	_ =	shalt  }
0x86: {  	_ =	shalt  }
0x87: {  	_ =	shalt  }
.Lfunc_end0:
.L_simem_size_0:
called_computation.1_lowered:
.L_overlay_start_0:
0x88: {  	s2 =	sld [smem:$0x3FD9]  }
0x89: {  	s3 =	sld [smem:$0x3FFE];
	_ =	sdelay $0x1  }
0x8a: {  	s1 =	srdreg.scid  }
0x8b: {  	s0 =	sand.u32 $0x1, s1  }
0x8c: {  	s16 =	sshll.u32 s0, $0xA;
	s2 =	sadd.s32 s3, s2  }
0x8d: {  	s2 =	sadd.s32 s2, s16  }
0x8e: {  	[smem:$0x3FC3] =	sst s2  }
0x8f: {  	_ = 	snop  }
0x90: {  	(tm) =	ssettm $0x1  }
0x91: {  	s17 =	sld [smem:$0x3FFB];
	_ =	sdelay $0x3  }
0x92: {  	_ =	strace s17  }
0x93: {  	s2 =	sld [smem:$0x3FFC];
	_ =	sdelay $0x3  }
0x94: {  	_ =	strace s2  }
0x95: {  	s2 =	sld [smem:$0x3FFD];
	_ =	sdelay $0x3  }
0x96: {  	_ =	strace s2  }
0x97: {  	_ =	strace $0x8FFFFFFF  }
0x98: {  	s18 =	sld [smem:$0x3FDB];
	_ =	sdelay $0x1  }
0x99: {  	s19 =	simm.s32 $_scs_section_size  }
0x9a: {  	s4 =	simm.s32 $_size__tile_overlayer_lowered;
	s5 =	simm.s32 $_tile_overlayer_lowered  }
0x9b: {  	s22 =	simm.s32 $0x1BFF;
	s21 =	sshll.u32 s5, $0x1;
	s2 =	sadd.s32 s19, s18  }
0x9c: {  	s6 =	simm.s32 $0x0;
	s20 =	sshll.u32 s4, $0x1;
	s4 =	sadd.s32 s21, s2  }
0x9d: {  	[timem:s6], [sflag:s22] =	dma.local [hbm:s4], s20  }
0x9e: {  	_ =	swait.ge [sflag:s22], s20  }
0x9f: {  	s3 =	ssub.s32 $0x0, s20;
	[sflag:s22] =	ssyncset.done $0x0  }
0xa0: {  	[sflag:s22] =	ssyncadd.s32 s3;
	_ =	sdelay $0x1  }
0xa1: {  	s23 =	simm.s32 $0x1B8B  }
0xa2: {  	_ =	swait.ge [sflag:s23], $0x1  }
0xa3: {  	[sflag:s23] =	ssyncset.done $0x0  }
0xa4: {  	s25 =	simm.s32 $0x1B8E;
	s24 =	sld [smem:$0x3FFE];
	[sflag:s23] =	ssyncadd.s32 $0xFFFFFFFF  }
0xa5: {  	s26 =	simm.s32 $execute0_lowered;
	[smem:$0x3FD2] =	sst s25  }
0xa6: {  	s4 =	sshll.u32 s26, $0x1;
	_ =	strace $0x80000049;
	[dreg:$0x1] =	wrdreg $0xFFFFFFFF  }
0xa7: {  	s28 =	simm.s32 $_size_execute0_lowered;
	s2 =	sadd.s32 s2, s4;
	[dreg:$0x0] =	wrdreg $0x0  }
0xa8: {  	s4 =	sshll.u32 s28, $0x1;
	[dreg:$0x2] =	wrdreg s2  }
0xa9: {  	[dreg:$0x3] =	wrdreg s4  }
0xaa: {  	[dreg:$0x4] =	wrdreg $0xC0  }
0xab: {  	_ =	task [dreg:s6], $0x5FFFF  }
0xac: {  	[dreg:$0x1] =	wrdreg $0xFFFFFFFF  }
0xad: {  	[dreg:$0x0] =	wrdreg $0x60  }
0xae: {  	[dreg:$0x2] =	wrdreg s24  }
0xaf: {  	[dreg:$0x3] =	wrdreg $0x15B000  }
0xb0: {  	[dreg:$0x4] =	wrdreg $0x9  }
0xb1: {  	_ =	task.clear_ibuf [dreg:s6], $0x5FFFF;
	_ =	strace $0x90000049  }
0xb2: {  	s29 =	simm.s32 $0x9;
	_ =	strace $0x8000004B  }
0xb3: {  	_ =	swait.ge [sflag:s29], $0x1  }
0xb4: {  	[sflag:s29] =	ssyncadd.s32 $0xFFFFFFFF  }
0xb5: {  	_ =	strace $0x9000004B  }
0xb6: {  	_ =	sfence  }
0xb7: {  	s30 =	sld [smem:$0x0];
	_ =	sdelay $0x2  }
0xb8: {  	s31 =	sshll.u32 s1, $0xD;
	s1 =	sshrl.u32 s1, $0x2  }
0xb9: {  	s3 =	sand.u32 $0x4000, s31;
	s1 =	sadd.s32 s1, s30  }
0xba: {  	s0 =	sor.u32 s3, s0;
	s1 =	sshll.u32 s1, $0x11  }
0xbb: {  	s0 =	sor.u32 s1, s0  }
0xbc: {  	s0 =	sadd.s32 $0x8F2B, s0  }
0xbd: {  	[sflag:s0] =	ssyncadd.remote.s32 $0x1  }
0xbe: {  	_ =	sfence.sel $0xFFFF  }
0xbf: {  	[dreg:$0x0] =	wrdreg $0xFFFFFFFF;
	(pc) =	sbr.abs _section_cstart, $3  }
0xc0: {  	[dreg:$0x1] =	wrdreg $0xFFFFFFFF  }
0xc1: {  	_ =	task.clear_ibuf [dreg:s6], $0x2FFFF;
	_ =	strace $0x9FFFFFFF  }
0xc2: {  	(tm) =	ssettm $0x7FFFFFFF  }
0xc3: {  	_ =	shalt  }
tec
execute0_lowered:
.L_overlay_start_1:
0x0: {  	(tag) =	ssettag $0x1  }
0x1: {  	s0 =	rddreg [dreg:$0x0];
	s1 =	srdreg.scid  }
0x2: {  	s11 =	stileid.u32;
	s2 =	rddreg [dreg:$0x1]  }
0x3: {  	s3 =	simm.s32 $0x0;
	s16 =	simm.s32 $0x6;
	s5 =	smul.u32 $0x2780, s11  }
0x4: {  	s18 =	simm.s32 $0x1;
	s20 =	simm.s32 $0x80;
	s10 =	smul.u32 $0x9E00, s11  }
0x5: {  	s12 =	simm.s32 $0x3;
	s1 =	sand.u32 $0x1, s1;
	s25 =	smul.u32 $0x2710, s11  }
0x6: {  	[smem:$0x7FF] =	sst s3;
	s7 =	sadd.s32 $0x2200, s0;
	s4 =	smul.u32 $0x27800, s1  }
0x7: {  	_ =	strace $0x8000004A;
	s8 =	ssub.s32 $0x2, s1;
	s9 =	sshll.u32 s1, $0x4  }
0x8: {  	s1 =	smul.u32 $0x27100, s1;
	s21 =	sshrl.u32 s8, $0x1;
	s9 =	sor.u32 s11, s9  }
0x9: {  	s23 =	sshrl.u32 s10, $0x2;
	s10 =	simm.s32 $0x2;
	s11 =	simm.s32 $0x4  }
0xa: {  	s6 =	sadd.s32 s5, s4;
	s4 =	sadd.s32 $0x15C00, s0;
	s22 =	smul.u32 $0x2710, s9  }
0xb: {  	s24 =	sadd.s32 s23, s2;
	s1 =	sadd.s32 s25, s1;
	s6 =	sshrl.u32 s6, $0x3  }
0xc: {  	s9 =	sadd.s32 $0x9E0, s24;
	s26 =	sadd.s32 $0x13C0, s24;
	s29 =	sshrl.u32 s1, $0x3  }
0xd: {  	s0 =	sadd.s32 s6, s0;
	s6 =	ssub.s32 s8, s21;
	[dreg:$0x4] =	wrdreg s9  }
0xe: {  	s21 =	sadd.s32 s5, s2;
	[dreg:$0x5] =	wrdreg s26;
	s5 =	sadd.s32 $0x1DA0, s24  }
0xf: {  	s1 =	sadd.s32 $0x4E200, s1;
	s8 =	sshrl.u32 s22, $0x3;
	[dreg:$0x6] =	wrdreg s5  }
0x10: {  	s13 =	sadd.s32 s29, s7;
	s0 =	sadd.s32 $0x29800, s0;
	[dreg:$0x3] =	wrdreg s21  }
0x11: {  	s28 =	sadd.s32 s7, s8;
	s30 =	smax.u32 s6, $0x1;
	[dreg:$0x9] =	wrdreg s0  }
0x12: {  	s31 =	sshrl.u32 s1, $0x3;
	s8 =	sadd.s32 $0x4E0, s28;
	[dreg:$0xa] =	wrdreg s30  }
0x13: {  	s14 =	sadd.s32 s31, s7;
	s5 =	sadd.s32 $0xA120, s28;
	[dreg:$0x7] =	wrdreg s8  }
0x14: {  	v0 =	vimm.f32 $0.0e+00;
	v1 =	vimm.s32 $0x0;
	v2 =	vimm.s32 $0x2710;
	s0 =	simm.s32 $0x0;
	[dreg:$0x8] =	wrdreg s5;
	s5 =	simm.s32 $0x5  }
.LBB2_1:
0x15: {  	s8 =	simm.s32 $0x40;
	s9 =	simm.s32 $0x0  }
.LBB2_2:
0x16: {  	p0 =	sne.s32 s8, $0x2740;
	[tilespmem:s9+$0x15120] =	vst v0;
	s9 =	smov.u32 s8;
	s8 =	sadd.s32 $0x40, s8  }
.Ltmp0:
0x17: {  	(pc) =	sbr.rel @p0 .LBB2_2-.Ltmp0, $2  }
0x18: {  	_ =	sdelay $0x2  }
0x19: {  	s9 =	sshra.s32 s9, $0x2  }
0x1a: {  	[tilespmem:s9+$0x15120] =	vst v0  }
0x1b: {  	[tilespmem:$0x2700] =	vst v1  }
0x1c: {  	[tilespmem:$0x2710] =	vst v1  }
0x1d: {  	[tilespmem:$0x2720] =	vst v1  }
0x1e: {  	[tilespmem:$0x2730] =	vst v1  }
0x1f: {  	[tilespmem:$0x2740] =	vst v1  }
0x20: {  	[tilespmem:$0x2750] =	vst v1  }
0x21: {  	[tilespmem:$0x2760] =	vst v1  }
0x22: {  	[tilespmem:$0x2770] =	vst v1  }
0x23: {  	[tilespmem:$0x4F00] =	vst v2  }
0x24: {  	[tilespmem:$0x4F10] =	vst v2  }
0x25: {  	[tilespmem:$0x4F20] =	vst v2  }
0x26: {  	[tilespmem:$0x4F30] =	vst v2  }
0x27: {  	[tilespmem:$0x4F40] =	vst v2  }
0x28: {  	[tilespmem:$0x4F50] =	vst v2  }
0x29: {  	[tilespmem:$0x4F60] =	vst v2  }
0x2a: {  	[tilespmem:$0x4F70] =	vst v2  }
0x2b: {  	[tilespmem:$0x2780] =	vst v1  }
0x2c: {  	[tilespmem:$0x2790] =	vst v1  }
0x2d: {  	[tilespmem:$0x27A0] =	vst v1  }
0x2e: {  	[tilespmem:$0x27B0] =	vst v1  }
0x2f: {  	[tilespmem:$0x27C0] =	vst v1  }
0x30: {  	[tilespmem:$0x27D0] =	vst v1  }
0x31: {  	[tilespmem:$0x27E0] =	vst v1  }
0x32: {  	[tilespmem:$0x27F0] =	vst v1  }
0x33: {  	[tilespmem:$0x4F80] =	vst v2  }
0x34: {  	[tilespmem:$0x4F90] =	vst v2  }
0x35: {  	[tilespmem:$0x4FA0] =	vst v2  }
0x36: {  	[tilespmem:$0x4FB0] =	vst v2  }
0x37: {  	[tilespmem:$0x4FC0] =	vst v2  }
0x38: {  	[tilespmem:$0x4FD0] =	vst v2  }
0x39: {  	[tilespmem:$0x4FE0] =	vst v2  }
0x3a: {  	s29 =	simm.s32 $0x15120;
	[tilespmem:$0x4FF0] =	vst v2  }
0x3b: {  	[spmem:s21] =	stream.linear.scatter [tilespmem:s29], [sflag:$0x6], $0x9E0, $0x38;
	[tilespmem:$0x18280] =	vst v63  }
0x3c: {  	_ =	swait.ge [sflag:s16], $0x9E0  }
0x3d: {  	[sflag:s16] =	ssyncset.done $0x0  }
0x3e: {  	s8 =	rddreg [dreg:$0x4];
	[sflag:s16] =	ssyncadd.s32 $0xFFFFF620  }
0x3f: {  	[spmem:s8] =	stream.linear.scatter [tilespmem:s29], [sflag:$0x6], $0x9E0, $0x38;
	[tilespmem:$0x18280] =	vst v63  }
0x40: {  	_ =	swait.ge [sflag:s16], $0x9E0  }
0x41: {  	[sflag:s16] =	ssyncset.done $0x0  }
0x42: {  	s30 =	rddreg [dreg:$0x5];
	[sflag:s16] =	ssyncadd.s32 $0xFFFFF620  }
0x43: {  	[spmem:s30] =	stream.linear.scatter [tilespmem:s29], [sflag:$0x6], $0x9E0, $0x38;
	[tilespmem:$0x18280] =	vst v63  }
0x44: {  	_ =	swait.ge [sflag:s16], $0x9E0  }
0x45: {  	[sflag:s16] =	ssyncset.done $0x0  }
0x46: {  	s31 =	rddreg [dreg:$0x6];
	[sflag:s16] =	ssyncadd.s32 $0xFFFFF620  }
0x47: {  	[spmem:s31] =	stream.linear.scatter [tilespmem:s29], [sflag:$0x6], $0x9E0, $0x38;
	[tilespmem:$0x18280] =	vst v63  }
0x48: {  	_ =	swait.ge [sflag:s16], $0x9E0  }
0x49: {  	s9 =	simm.s32 $0x10;
	s22 =	sadd.s32 $0x0, s13;
	[sflag:s16] =	ssyncset.done $0x0  }
0x4a: {  	s21 =	simm.s32 $0x80;
	s8 =	simm.s32 $0x0;
	[sflag:s16] =	ssyncadd.s32 $0xFFFFF620  }
.LBB2_4:
0x4b: {  	[tilespmem:s8], [sflag:$0x1] =	stream.linear.gather [hbm4b:s22+s3], $0x80, $0x38;
	[tilespmem:$0x18280] =	vst v63  }
0x4c: {  	s22 =	smov.u32 s9;
	s8 =	smov.u32 s21;
	p0 =	sne.s32 s9, $0x4D0  }
.Ltmp1:
0x4d: {  	s9 =	sadd.s32 $0x10, s9;
	(pc) =	sbr.rel @p0 .LBB2_4-.Ltmp1, $2  }
0x4e: {  	_ =	sdelay $0x2  }
0x4f: {  	s21 =	sadd.s32 $0x80, s21;
	s22 =	sadd.s32 s22, s13  }
0x50: {  	[tilespmem:s8], [sflag:$0x1] =	stream.linear.gather [hbm4b:s22+s3], $0x80, $0x38;
	[tilespmem:$0x18280] =	vst v63  }
0x51: {  	s31 =	rddreg [dreg:$0x7];
	s9 =	simm.s32 $0x5000  }
0x52: {  	[tilespmem:s9], [sflag:$0x1] =	stream.linear.gather [hbm4b:s31+s3], $0x10, $0x38;
	[tilespmem:$0x18280] =	vst v63  }
0x53: {  	_ =	swait.ge [sflag:s18], $0x80  }
0x54: {  	s8 =	simm.s32 $0x4D;
	[sflag:s18] =	ssyncset.done $0x0  }
.LBB2_6:
0x55: {  	p0 =	sne.s32 s8, $0x1;
	s8 =	sadd.s32 $0xFFFFFFFF, s8;
	[sflag:s18] =	ssyncadd.s32 $0xFFFFFF80  }
.Ltmp2:
0x56: {  	(pc) =	sbr.rel @p0 .LBB2_6-.Ltmp2, $3  }
0x57: {  	_ =	sdelay $0x1  }
0x58: {  	_ =	swait.ge [sflag:s18], $0x80  }
0x59: {  	[sflag:s18] =	ssyncset.done $0x0  }
0x5a: {  	[sflag:s18] =	ssyncadd.s32 $0xFFFFFF80  }
0x5b: {  	_ =	swait.ge [sflag:s18], $0x10  }
0x5c: {  	s8 =	simm.s32 $0x2800;
	s9 =	simm.s32 $0x10;
	[sflag:s18] =	ssyncset.done $0x0  }
0x5d: {  	s22 =	sadd.s32 $0x0, s14;
	s21 =	simm.s32 $0x2880;
	[sflag:s18] =	ssyncadd.s32 $0xFFFFFFF0  }
.LBB2_8:
0x5e: {  	[tilespmem:s8], [sflag:$0x1] =	stream.linear.gather [hbm4b:s22+s3], $0x80, $0x38;
	[tilespmem:$0x18280] =	vst v63  }
0x5f: {  	s22 =	smov.u32 s9;
	s8 =	smov.u32 s21;
	p0 =	sne.s32 s9, $0x4D0  }
.Ltmp3:
0x60: {  	s9 =	sadd.s32 $0x10, s9;
	(pc) =	sbr.rel @p0 .LBB2_8-.Ltmp3, $2  }
0x61: {  	_ =	sdelay $0x2  }
0x62: {  	s21 =	sadd.s32 $0x80, s21;
	s22 =	sadd.s32 s22, s14  }
0x63: {  	[dreg:$0xb] =	wrdreg s0  }
0x64: {  	[tilespmem:s8], [sflag:$0x1] =	stream.linear.gather [hbm4b:s22+s3], $0x80, $0x38;
	[tilespmem:$0x18280] =	vst v63  }
0x65: {  	s31 =	rddreg [dreg:$0x8];
	s9 =	simm.s32 $0x5010  }
0x66: {  	[tilespmem:s9], [sflag:$0x1] =	stream.linear.gather [hbm4b:s31+s3], $0x10, $0x38;
	[tilespmem:$0x18280] =	vst v63  }
0x67: {  	_ =	swait.ge [sflag:s18], $0x80  }
0x68: {  	s8 =	simm.s32 $0x4D;
	[sflag:s18] =	ssyncset.done $0x0  }
.LBB2_10:
0x69: {  	p0 =	sne.s32 s8, $0x1;
	s8 =	sadd.s32 $0xFFFFFFFF, s8;
	[sflag:s18] =	ssyncadd.s32 $0xFFFFFF80  }
.Ltmp4:
0x6a: {  	(pc) =	sbr.rel @p0 .LBB2_10-.Ltmp4, $3  }
0x6b: {  	_ =	sdelay $0x1  }
0x6c: {  	_ =	swait.ge [sflag:s18], $0x80  }
0x6d: {  	[sflag:s18] =	ssyncset.done $0x0  }
0x6e: {  	[sflag:s18] =	ssyncadd.s32 $0xFFFFFF80  }
0x6f: {  	_ =	swait.ge [sflag:s18], $0x10  }
0x70: {  	[sflag:s18] =	ssyncset.done $0x0  }
0x71: {  	[sflag:s18] =	ssyncadd.s32 $0xFFFFFFF0  }
0x72: {  	s0 =	simm.s32 $0x5020;
	[bflag:$0x0] =	sbarrier.arrive $0xFFFF  }
0x73: {  	[tilespmem:s0], [sflag:$0x2] =	stream.indirect.gather [hbm4b:s4+s20], $0x10, s3, s20, $0xb8;
	[tilespmem:$0x18280] =	vst v63  }
0x74: {  	s25 =	simm.s32 $0x5820  }
0x75: {  	[tilespmem:s25], [sflag:$0x2] =	stream.indirect.gather [hbm4b:s4+s20], $0x10, s20, s20, $0xb8;
	[tilespmem:$0x18280] =	vst v63  }
0x76: {  	s21 =	simm.s32 $0x100;
	s26 =	simm.s32 $0x6020  }
0x77: {  	[tilespmem:s26], [sflag:$0x2] =	stream.indirect.gather [hbm4b:s4+s20], $0x10, s21, s20, $0xb8;
	[tilespmem:$0x18280] =	vst v63  }
0x78: {  	s28 =	simm.s32 $0x180;
	s29 =	simm.s32 $0x6820  }
0x79: {  	[tilespmem:s29], [sflag:$0x2] =	stream.indirect.gather [hbm4b:s4+s20], $0x10, s28, s20, $0xb8;
	[tilespmem:$0x18280] =	vst v63  }
0x7a: {  	s30 =	simm.s32 $0x200;
	s31 =	simm.s32 $0x7020  }
0x7b: {  	[tilespmem:s31], [sflag:$0x2] =	stream.indirect.gather [hbm4b:s4+s20], $0x10, s30, s20, $0xb8;
	[tilespmem:$0x18280] =	vst v63  }
0x7c: {  	s1 =	simm.s32 $0x7820;
	s0 =	simm.s32 $0x280  }
0x7d: {  	[tilespmem:s1], [sflag:$0x2] =	stream.indirect.gather [hbm4b:s4+s20], $0x10, s0, s20, $0xb8;
	[tilespmem:$0x18280] =	vst v63  }
0x7e: {  	s6 =	simm.s32 $0x300;
	s7 =	simm.s32 $0x8020  }
0x7f: {  	[tilespmem:s7], [sflag:$0x2] =	stream.indirect.gather [hbm4b:s4+s20], $0x10, s6, s20, $0xb8;
	[tilespmem:$0x18280] =	vst v63  }
0x80: {  	s22 =	simm.s32 $0x380;
	s24 =	simm.s32 $0x8820  }
0x81: {  	[tilespmem:s24], [sflag:$0x2] =	stream.indirect.gather [hbm4b:s4+s20], $0x10, s22, s20, $0xb8;
	[tilespmem:$0x18280] =	vst v63  }
0x82: {  	s25 =	simm.s32 $0x400;
	s26 =	simm.s32 $0x9020  }
0x83: {  	[tilespmem:s26], [sflag:$0x2] =	stream.indirect.gather [hbm4b:s4+s20], $0x10, s25, s20, $0xb8;
	[tilespmem:$0x18280] =	vst v63  }
0x84: {  	s28 =	simm.s32 $0x480;
	s29 =	simm.s32 $0x9820  }
0x85: {  	[tilespmem:s29], [sflag:$0x2] =	stream.indirect.gather [hbm4b:s4+s20], $0x10, s28, s20, $0xb8;
	[tilespmem:$0x18280] =	vst v63  }
0x86: {  	s30 =	simm.s32 $0x500;
	s31 =	simm.s32 $0xA020  }
0x87: {  	[tilespmem:s31], [sflag:$0x2] =	stream.indirect.gather [hbm4b:s4+s20], $0x10, s30, s20, $0xb8;
	[tilespmem:$0x18280] =	vst v63  }
0x88: {  	s22 =	simm.s32 $0x580;
	s24 =	simm.s32 $0xA820  }
0x89: {  	[tilespmem:s24], [sflag:$0x2] =	stream.indirect.gather [hbm4b:s4+s20], $0x10, s22, s20, $0xb8;
	[tilespmem:$0x18280] =	vst v63  }
0x8a: {  	s25 =	simm.s32 $0x600;
	s26 =	simm.s32 $0xB020  }
0x8b: {  	[tilespmem:s26], [sflag:$0x2] =	stream.indirect.gather [hbm4b:s4+s20], $0x10, s25, s20, $0xb8;
	[tilespmem:$0x18280] =	vst v63  }
0x8c: {  	s28 =	simm.s32 $0x680;
	s29 =	simm.s32 $0xB820  }
0x8d: {  	[tilespmem:s29], [sflag:$0x2] =	stream.indirect.gather [hbm4b:s4+s20], $0x10, s28, s20, $0xb8;
	[tilespmem:$0x18280] =	vst v63  }
0x8e: {  	s30 =	simm.s32 $0x700;
	s31 =	simm.s32 $0xC020  }
0x8f: {  	[tilespmem:s31], [sflag:$0x2] =	stream.indirect.gather [hbm4b:s4+s20], $0x10, s30, s20, $0xb8;
	[tilespmem:$0x18280] =	vst v63  }
0x90: {  	s0 =	simm.s32 $0x780;
	s22 =	simm.s32 $0xC820  }
0x91: {  	[tilespmem:s22], [sflag:$0x2] =	stream.indirect.gather [hbm4b:s4+s20], $0x10, s0, s20, $0xb8;
	[tilespmem:$0x18280] =	vst v63  }
0x92: {  	s24 =	simm.s32 $0x800;
	s25 =	simm.s32 $0xD020  }
0x93: {  	[tilespmem:s25], [sflag:$0x3] =	stream.indirect.gather [hbm4b:s4+s20], $0x10, s24, s20, $0xb8;
	[tilespmem:$0x18280] =	vst v63  }
0x94: {  	s26 =	simm.s32 $0x880;
	s28 =	simm.s32 $0xD820  }
0x95: {  	[tilespmem:s28], [sflag:$0x3] =	stream.indirect.gather [hbm4b:s4+s20], $0x10, s26, s20, $0xb8;
	[tilespmem:$0x18280] =	vst v63  }
0x96: {  	s29 =	simm.s32 $0x900;
	s30 =	simm.s32 $0xE020  }
0x97: {  	[tilespmem:s30], [sflag:$0x3] =	stream.indirect.gather [hbm4b:s4+s20], $0x10, s29, s20, $0xb8;
	[tilespmem:$0x18280] =	vst v63  }
0x98: {  	s0 =	simm.s32 $0x980;
	s22 =	simm.s32 $0xE820  }
0x99: {  	[tilespmem:s22], [sflag:$0x3] =	stream.indirect.gather [hbm4b:s4+s20], $0x10, s0, s20, $0xb8;
	[tilespmem:$0x18280] =	vst v63  }
0x9a: {  	s24 =	simm.s32 $0xA00;
	s25 =	simm.s32 $0xF020  }
0x9b: {  	[tilespmem:s25], [sflag:$0x3] =	stream.indirect.gather [hbm4b:s4+s20], $0x10, s24, s20, $0xb8;
	[tilespmem:$0x18280] =	vst v63  }
0x9c: {  	s26 =	simm.s32 $0xA80;
	s28 =	simm.s32 $0xF820  }
0x9d: {  	[tilespmem:s28], [sflag:$0x3] =	stream.indirect.gather [hbm4b:s4+s20], $0x10, s26, s20, $0xb8;
	[tilespmem:$0x18280] =	vst v63  }
0x9e: {  	s29 =	simm.s32 $0xB00;
	s30 =	simm.s32 $0x10020  }
0x9f: {  	[tilespmem:s30], [sflag:$0x3] =	stream.indirect.gather [hbm4b:s4+s20], $0x10, s29, s20, $0xb8;
	[tilespmem:$0x18280] =	vst v63  }
0xa0: {  	s0 =	simm.s32 $0xB80;
	s22 =	simm.s32 $0x10820  }
0xa1: {  	[tilespmem:s22], [sflag:$0x3] =	stream.indirect.gather [hbm4b:s4+s20], $0x10, s0, s20, $0xb8;
	[tilespmem:$0x18280] =	vst v63  }
0xa2: {  	s24 =	simm.s32 $0xC00;
	s25 =	simm.s32 $0x11020  }
0xa3: {  	[tilespmem:s25], [sflag:$0x3] =	stream.indirect.gather [hbm4b:s4+s20], $0x10, s24, s20, $0xb8;
	[tilespmem:$0x18280] =	vst v63  }
0xa4: {  	s26 =	simm.s32 $0xC80;
	s28 =	simm.s32 $0x11820  }
0xa5: {  	[tilespmem:s28], [sflag:$0x3] =	stream.indirect.gather [hbm4b:s4+s20], $0x10, s26, s20, $0xb8;
	[tilespmem:$0x18280] =	vst v63  }
0xa6: {  	s29 =	simm.s32 $0xD00;
	s30 =	simm.s32 $0x12020  }
0xa7: {  	[tilespmem:s30], [sflag:$0x3] =	stream.indirect.gather [hbm4b:s4+s20], $0x10, s29, s20, $0xb8;
	[tilespmem:$0x18280] =	vst v63  }
0xa8: {  	s22 =	simm.s32 $0xD80;
	s24 =	simm.s32 $0x12820  }
0xa9: {  	[tilespmem:s24], [sflag:$0x3] =	stream.indirect.gather [hbm4b:s4+s20], $0x10, s22, s20, $0xb8;
	[tilespmem:$0x18280] =	vst v63  }
0xaa: {  	s25 =	simm.s32 $0xE00;
	s26 =	simm.s32 $0x13020  }
0xab: {  	[tilespmem:s26], [sflag:$0x3] =	stream.indirect.gather [hbm4b:s4+s20], $0x10, s25, s20, $0xb8;
	[tilespmem:$0x18280] =	vst v63  }
0xac: {  	s28 =	simm.s32 $0xE80;
	s29 =	simm.s32 $0x13820  }
0xad: {  	[tilespmem:s29], [sflag:$0x3] =	stream.indirect.gather [hbm4b:s4+s20], $0x10, s28, s20, $0xb8;
	[tilespmem:$0x18280] =	vst v63  }
0xae: {  	s30 =	simm.s32 $0xF00;
	s24 =	simm.s32 $0x14020  }
0xaf: {  	[tilespmem:s24], [sflag:$0x3] =	stream.indirect.gather [hbm4b:s4+s20], $0x10, s30, s20, $0xb8;
	[tilespmem:$0x18280] =	vst v63  }
0xb0: {  	s0 =	simm.s32 $0xF80;
	s22 =	simm.s32 $0x14820  }
0xb1: {  	[tilespmem:s22], [sflag:$0x3] =	stream.indirect.gather [hbm4b:s4+s20], $0x10, s0, s20, $0xb8;
	[tilespmem:$0x18280] =	vst v63  }
0xb2: {  	_ =	swait.ge [sflag:s10], $0x800  }
0xb3: {  	[sflag:s10] =	ssyncset.done $0x0  }
0xb4: {  	s19 =	simm.s32 $0x5020;
	s25 =	simm.s32 $0x2800;
	[sflag:s10] =	ssyncadd.s32 $0xFFFFF800  }
0xb5: {  	[spmem:s2] =	stream.indirect.scatter.add.f32 [tilespmem:s19], [sflag:$0x4], $0x10, s25, s20, $0xb8;
	[tilespmem:$0x18280] =	vst v63  }
0xb6: {  	_ =	swait.ge [sflag:s10], $0x800  }
0xb7: {  	[sflag:s10] =	ssyncset.done $0x0  }
0xb8: {  	s17 =	simm.s32 $0x5820;
	s26 =	simm.s32 $0x2880;
	[sflag:s10] =	ssyncadd.s32 $0xFFFFF800  }
0xb9: {  	[spmem:s2] =	stream.indirect.scatter.add.f32 [tilespmem:s17], [sflag:$0x4], $0x10, s26, s20, $0xb8;
	[tilespmem:$0x18280] =	vst v63  }
0xba: {  	_ =	swait.ge [sflag:s10], $0x800  }
0xbb: {  	[sflag:s10] =	ssyncset.done $0x0  }
0xbc: {  	s23 =	simm.s32 $0x6020;
	s28 =	simm.s32 $0x2900;
	[sflag:s10] =	ssyncadd.s32 $0xFFFFF800  }
0xbd: {  	[spmem:s2] =	stream.indirect.scatter.add.f32 [tilespmem:s23], [sflag:$0x4], $0x10, s28, s20, $0xb8;
	[tilespmem:$0x18280] =	vst v63  }
0xbe: {  	_ =	swait.ge [sflag:s10], $0x800  }
0xbf: {  	[sflag:s10] =	ssyncset.done $0x0  }
0xc0: {  	s15 =	simm.s32 $0x6820;
	s29 =	simm.s32 $0x2980;
	[sflag:s10] =	ssyncadd.s32 $0xFFFFF800  }
0xc1: {  	[spmem:s2] =	stream.indirect.scatter.add.f32 [tilespmem:s15], [sflag:$0x4], $0x10, s29, s20, $0xb8;
	[tilespmem:$0x18280] =	vst v63  }
0xc2: {  	_ =	swait.ge [sflag:s10], $0x800  }
0xc3: {  	[sflag:s10] =	ssyncset.done $0x0  }
0xc4: {  	s9 =	simm.s32 $0x7020;
	s30 =	simm.s32 $0x2A00;
	[sflag:s10] =	ssyncadd.s32 $0xFFFFF800  }
0xc5: {  	[spmem:s2] =	stream.indirect.scatter.add.f32 [tilespmem:s9], [sflag:$0x4], $0x10, s30, s20, $0xb8;
	[tilespmem:$0x18280] =	vst v63  }
0xc6: {  	_ =	swait.ge [sflag:s10], $0x800  }
0xc7: {  	[sflag:s10] =	ssyncset.done $0x0  }
0xc8: {  	s8 =	simm.s32 $0x7820;
	s0 =	simm.s32 $0x2A80;
	[sflag:s10] =	ssyncadd.s32 $0xFFFFF800  }
0xc9: {  	[spmem:s2] =	stream.indirect.scatter.add.f32 [tilespmem:s8], [sflag:$0x4], $0x10, s0, s20, $0xb8;
	[tilespmem:$0x18280] =	vst v63  }
0xca: {  	_ =	swait.ge [sflag:s10], $0x800  }
0xcb: {  	[sflag:s10] =	ssyncset.done $0x0  }
0xcc: {  	s7 =	simm.s32 $0x8020;
	s8 =	simm.s32 $0x2B00;
	[sflag:s10] =	ssyncadd.s32 $0xFFFFF800  }
0xcd: {  	[spmem:s2] =	stream.indirect.scatter.add.f32 [tilespmem:s7], [sflag:$0x4], $0x10, s8, s20, $0xb8;
	[tilespmem:$0x18280] =	vst v63  }
0xce: {  	_ =	swait.ge [sflag:s10], $0x800  }
0xcf: {  	[sflag:s10] =	ssyncset.done $0x0  }
0xd0: {  	s6 =	simm.s32 $0x8820;
	s9 =	simm.s32 $0x2B80;
	[sflag:s10] =	ssyncadd.s32 $0xFFFFF800  }
0xd1: {  	[spmem:s2] =	stream.indirect.scatter.add.f32 [tilespmem:s6], [sflag:$0x4], $0x10, s9, s20, $0xb8;
	[tilespmem:$0x18280] =	vst v63  }
0xd2: {  	_ =	swait.ge [sflag:s10], $0x800  }
0xd3: {  	[sflag:s10] =	ssyncset.done $0x0  }
0xd4: {  	s1 =	simm.s32 $0x9020;
	s15 =	simm.s32 $0x2C00;
	[sflag:s10] =	ssyncadd.s32 $0xFFFFF800  }
0xd5: {  	[spmem:s2] =	stream.indirect.scatter.add.f32 [tilespmem:s1], [sflag:$0x4], $0x10, s15, s20, $0xb8;
	[tilespmem:$0x18280] =	vst v63  }
0xd6: {  	_ =	swait.ge [sflag:s10], $0x800  }
0xd7: {  	[sflag:s10] =	ssyncset.done $0x0  }
0xd8: {  	s22 =	simm.s32 $0x2C80;
	s15 =	simm.s32 $0x9820;
	[sflag:s10] =	ssyncadd.s32 $0xFFFFF800  }
0xd9: {  	[spmem:s2] =	stream.indirect.scatter.add.f32 [tilespmem:s15], [sflag:$0x4], $0x10, s22, s20, $0xb8;
	[tilespmem:$0x18280] =	vst v63  }
0xda: {  	_ =	swait.ge [sflag:s10], $0x800  }
0xdb: {  	[sflag:s10] =	ssyncset.done $0x0  }
0xdc: {  	s0 =	simm.s32 $0x2D00;
	s9 =	simm.s32 $0xA020;
	[sflag:s10] =	ssyncadd.s32 $0xFFFFF800  }
0xdd: {  	[spmem:s2] =	stream.indirect.scatter.add.f32 [tilespmem:s9], [sflag:$0x4], $0x10, s0, s20, $0xb8;
	[tilespmem:$0x18280] =	vst v63  }
0xde: {  	_ =	swait.ge [sflag:s10], $0x800  }
0xdf: {  	[sflag:s10] =	ssyncset.done $0x0  }
0xe0: {  	s8 =	simm.s32 $0xA820;
	s1 =	simm.s32 $0x2D80;
	[sflag:s10] =	ssyncadd.s32 $0xFFFFF800  }
0xe1: {  	[spmem:s2] =	stream.indirect.scatter.add.f32 [tilespmem:s8], [sflag:$0x4], $0x10, s1, s20, $0xb8;
	[tilespmem:$0x18280] =	vst v63  }
0xe2: {  	_ =	swait.ge [sflag:s10], $0x800  }
0xe3: {  	[sflag:s10] =	ssyncset.done $0x0  }
0xe4: {  	s7 =	simm.s32 $0xB020;
	s6 =	simm.s32 $0x2E00;
	[sflag:s10] =	ssyncadd.s32 $0xFFFFF800  }
0xe5: {  	[spmem:s2] =	stream.indirect.scatter.add.f32 [tilespmem:s7], [sflag:$0x4], $0x10, s6, s20, $0xb8;
	[tilespmem:$0x18280] =	vst v63  }
0xe6: {  	_ =	swait.ge [sflag:s10], $0x800  }
0xe7: {  	[sflag:s10] =	ssyncset.done $0x0  }
0xe8: {  	s22 =	simm.s32 $0x2E80;
	s6 =	simm.s32 $0xB820;
	[sflag:s10] =	ssyncadd.s32 $0xFFFFF800  }
0xe9: {  	[spmem:s2] =	stream.indirect.scatter.add.f32 [tilespmem:s6], [sflag:$0x4], $0x10, s22, s20, $0xb8;
	[tilespmem:$0x18280] =	vst v63  }
0xea: {  	_ =	swait.ge [sflag:s10], $0x800  }
0xeb: {  	[sflag:s10] =	ssyncset.done $0x0  }
0xec: {  	s0 =	simm.s32 $0x2F00;
	s1 =	simm.s32 $0xC020;
	[sflag:s10] =	ssyncadd.s32 $0xFFFFF800  }
0xed: {  	[spmem:s2] =	stream.indirect.scatter.add.f32 [tilespmem:s1], [sflag:$0x4], $0x10, s0, s20, $0xb8;
	[tilespmem:$0x18280] =	vst v63  }
0xee: {  	_ =	swait.ge [sflag:s10], $0x800  }
0xef: {  	[sflag:s10] =	ssyncset.done $0x0  }
0xf0: {  	s22 =	simm.s32 $0x2F80;
	s0 =	simm.s32 $0xC820;
	[sflag:s10] =	ssyncadd.s32 $0xFFFFF800  }
0xf1: {  	[spmem:s2] =	stream.indirect.scatter.add.f32 [tilespmem:s0], [sflag:$0x4], $0x10, s22, s20, $0xb8;
	[tilespmem:$0x18280] =	vst v63  }
0xf2: {  	_ =	swait.ge [sflag:s11], $0x800  }
0xf3: {  	[sflag:s11] =	ssyncset.done $0x0  }
0xf4: {  	[sflag:s11] =	ssyncadd.s32 $0xFFFFF800  }
0xf5: {  	_ =	swait.ge [sflag:s11], $0x800  }
0xf6: {  	[sflag:s11] =	ssyncset.done $0x0  }
0xf7: {  	[sflag:s11] =	ssyncadd.s32 $0xFFFFF800  }
0xf8: {  	_ =	swait.ge [sflag:s11], $0x800  }
0xf9: {  	[sflag:s11] =	ssyncset.done $0x0  }
0xfa: {  	[sflag:s11] =	ssyncadd.s32 $0xFFFFF800  }
0xfb: {  	_ =	swait.ge [sflag:s11], $0x800  }
0xfc: {  	[sflag:s11] =	ssyncset.done $0x0  }
0xfd: {  	[sflag:s11] =	ssyncadd.s32 $0xFFFFF800  }
0xfe: {  	_ =	swait.ge [sflag:s11], $0x800  }
0xff: {  	[sflag:s11] =	ssyncset.done $0x0  }
0x100: {  	[sflag:s11] =	ssyncadd.s32 $0xFFFFF800  }
0x101: {  	_ =	swait.ge [sflag:s11], $0x800  }
0x102: {  	[sflag:s11] =	ssyncset.done $0x0  }
0x103: {  	[sflag:s11] =	ssyncadd.s32 $0xFFFFF800  }
0x104: {  	_ =	swait.ge [sflag:s11], $0x800  }
0x105: {  	[sflag:s11] =	ssyncset.done $0x0  }
0x106: {  	[sflag:s11] =	ssyncadd.s32 $0xFFFFF800  }
0x107: {  	_ =	swait.ge [sflag:s11], $0x800  }
0x108: {  	[sflag:s11] =	ssyncset.done $0x0  }
0x109: {  	[sflag:s11] =	ssyncadd.s32 $0xFFFFF800  }
0x10a: {  	_ =	swait.ge [sflag:s11], $0x800  }
0x10b: {  	[sflag:s11] =	ssyncset.done $0x0  }
0x10c: {  	[sflag:s11] =	ssyncadd.s32 $0xFFFFF800  }
0x10d: {  	_ =	swait.ge [sflag:s11], $0x800  }
0x10e: {  	[sflag:s11] =	ssyncset.done $0x0  }
0x10f: {  	[sflag:s11] =	ssyncadd.s32 $0xFFFFF800  }
0x110: {  	_ =	swait.ge [sflag:s11], $0x800  }
0x111: {  	[sflag:s11] =	ssyncset.done $0x0  }
0x112: {  	[sflag:s11] =	ssyncadd.s32 $0xFFFFF800  }
0x113: {  	_ =	swait.ge [sflag:s11], $0x800  }
0x114: {  	[sflag:s11] =	ssyncset.done $0x0  }
0x115: {  	[sflag:s11] =	ssyncadd.s32 $0xFFFFF800  }
0x116: {  	_ =	swait.ge [sflag:s11], $0x800  }
0x117: {  	[sflag:s11] =	ssyncset.done $0x0  }
0x118: {  	[sflag:s11] =	ssyncadd.s32 $0xFFFFF800  }
0x119: {  	_ =	swait.ge [sflag:s11], $0x800  }
0x11a: {  	[sflag:s11] =	ssyncset.done $0x0  }
0x11b: {  	[sflag:s11] =	ssyncadd.s32 $0xFFFFF800  }
0x11c: {  	_ =	swait.ge [sflag:s11], $0x800  }
0x11d: {  	[sflag:s11] =	ssyncset.done $0x0  }
0x11e: {  	[sflag:s11] =	ssyncadd.s32 $0xFFFFF800  }
0x11f: {  	_ =	swait.ge [sflag:s11], $0x800  }
0x120: {  	[sflag:s11] =	ssyncset.done $0x0  }
0x121: {  	s19 =	simm.s32 $0x5020;
	s22 =	simm.s32 $0x1000;
	[sflag:s11] =	ssyncadd.s32 $0xFFFFF800  }
0x122: {  	[tilespmem:s19], [sflag:$0x2] =	stream.indirect.gather [hbm4b:s4+s20], $0x10, s22, s20, $0xb8;
	[tilespmem:$0x18280] =	vst v63  }
0x123: {  	s17 =	simm.s32 $0x5820;
	s19 =	simm.s32 $0x1080  }
0x124: {  	[tilespmem:s17], [sflag:$0x2] =	stream.indirect.gather [hbm4b:s4+s20], $0x10, s19, s20, $0xb8;
	[tilespmem:$0x18280] =	vst v63  }
0x125: {  	s26 =	simm.s32 $0x6020;
	s22 =	simm.s32 $0x1100  }
0x126: {  	[tilespmem:s26], [sflag:$0x2] =	stream.indirect.gather [hbm4b:s4+s20], $0x10, s22, s20, $0xb8;
	[tilespmem:$0x18280] =	vst v63  }
0x127: {  	s29 =	simm.s32 $0x6820;
	s26 =	simm.s32 $0x1180  }
0x128: {  	[tilespmem:s29], [sflag:$0x2] =	stream.indirect.gather [hbm4b:s4+s20], $0x10, s26, s20, $0xb8;
	[tilespmem:$0x18280] =	vst v63  }
0x129: {  	s30 =	simm.s32 $0x7020;
	s29 =	simm.s32 $0x1200  }
0x12a: {  	[tilespmem:s30], [sflag:$0x2] =	stream.indirect.gather [hbm4b:s4+s20], $0x10, s29, s20, $0xb8;
	[tilespmem:$0x18280] =	vst v63  }
0x12b: {  	s23 =	simm.s32 $0x7820;
	s17 =	simm.s32 $0x1280  }
0x12c: {  	[tilespmem:s23], [sflag:$0x2] =	stream.indirect.gather [hbm4b:s4+s20], $0x10, s17, s20, $0xb8;
	[tilespmem:$0x18280] =	vst v63  }
0x12d: {  	s28 =	simm.s32 $0x8020;
	s19 =	simm.s32 $0x1300  }
0x12e: {  	[tilespmem:s28], [sflag:$0x2] =	stream.indirect.gather [hbm4b:s4+s20], $0x10, s19, s20, $0xb8;
	[tilespmem:$0x18280] =	vst v63  }
0x12f: {  	s25 =	simm.s32 $0x8820;
	s22 =	simm.s32 $0x1380  }
0x130: {  	[tilespmem:s25], [sflag:$0x2] =	stream.indirect.gather [hbm4b:s4+s20], $0x10, s22, s20, $0xb8;
	[tilespmem:$0x18280] =	vst v63  }
0x131: {  	s24 =	simm.s32 $0x9020;
	s23 =	simm.s32 $0x1400  }
0x132: {  	[tilespmem:s24], [sflag:$0x2] =	stream.indirect.gather [hbm4b:s4+s20], $0x10, s23, s20, $0xb8;
	[tilespmem:$0x18280] =	vst v63  }
0x133: {  	s25 =	simm.s32 $0x1480  }
0x134: {  	[tilespmem:s15], [sflag:$0x2] =	stream.indirect.gather [hbm4b:s4+s20], $0x10, s25, s20, $0xb8;
	[tilespmem:$0x18280] =	vst v63  }
0x135: {  	s26 =	simm.s32 $0x1500  }
0x136: {  	[tilespmem:s9], [sflag:$0x2] =	stream.indirect.gather [hbm4b:s4+s20], $0x10, s26, s20, $0xb8;
	[tilespmem:$0x18280] =	vst v63  }
0x137: {  	s28 =	simm.s32 $0x1580  }
0x138: {  	[tilespmem:s8], [sflag:$0x2] =	stream.indirect.gather [hbm4b:s4+s20], $0x10, s28, s20, $0xb8;
	[tilespmem:$0x18280] =	vst v63  }
0x139: {  	s29 =	simm.s32 $0x1600  }
0x13a: {  	[tilespmem:s7], [sflag:$0x2] =	stream.indirect.gather [hbm4b:s4+s20], $0x10, s29, s20, $0xb8;
	[tilespmem:$0x18280] =	vst v63  }
0x13b: {  	s30 =	simm.s32 $0x1680  }
0x13c: {  	[tilespmem:s6], [sflag:$0x2] =	stream.indirect.gather [hbm4b:s4+s20], $0x10, s30, s20, $0xb8;
	[tilespmem:$0x18280] =	vst v63  }
0x13d: {  	s6 =	simm.s32 $0x1700  }
0x13e: {  	[tilespmem:s1], [sflag:$0x2] =	stream.indirect.gather [hbm4b:s4+s20], $0x10, s6, s20, $0xb8;
	[tilespmem:$0x18280] =	vst v63  }
0x13f: {  	s7 =	simm.s32 $0x1780  }
0x140: {  	[tilespmem:s0], [sflag:$0x2] =	stream.indirect.gather [hbm4b:s4+s20], $0x10, s7, s20, $0xb8;
	[tilespmem:$0x18280] =	vst v63  }
0x141: {  	_ =	swait.ge [sflag:s12], $0x800  }
0x142: {  	[sflag:s12] =	ssyncset.done $0x0  }
0x143: {  	s26 =	simm.s32 $0xD020;
	s8 =	simm.s32 $0x3000;
	[sflag:s12] =	ssyncadd.s32 $0xFFFFF800  }
0x144: {  	[spmem:s2] =	stream.indirect.scatter.add.f32 [tilespmem:s26], [sflag:$0x5], $0x10, s8, s20, $0xb8;
	[tilespmem:$0x18280] =	vst v63  }
0x145: {  	_ =	swait.ge [sflag:s12], $0x800  }
0x146: {  	[sflag:s12] =	ssyncset.done $0x0  }
0x147: {  	s31 =	simm.s32 $0xD820;
	s9 =	simm.s32 $0x3080;
	[sflag:s12] =	ssyncadd.s32 $0xFFFFF800  }
0x148: {  	[spmem:s2] =	stream.indirect.scatter.add.f32 [tilespmem:s31], [sflag:$0x5], $0x10, s9, s20, $0xb8;
	[tilespmem:$0x18280] =	vst v63  }
0x149: {  	_ =	swait.ge [sflag:s12], $0x800  }
0x14a: {  	[sflag:s12] =	ssyncset.done $0x0  }
0x14b: {  	s15 =	simm.s32 $0x3100;
	s29 =	simm.s32 $0xE020;
	[sflag:s12] =	ssyncadd.s32 $0xFFFFF800  }
0x14c: {  	[spmem:s2] =	stream.indirect.scatter.add.f32 [tilespmem:s29], [sflag:$0x5], $0x10, s15, s20, $0xb8;
	[tilespmem:$0x18280] =	vst v63  }
0x14d: {  	_ =	swait.ge [sflag:s12], $0x800  }
0x14e: {  	[sflag:s12] =	ssyncset.done $0x0  }
0x14f: {  	s19 =	simm.s32 $0x3180;
	s31 =	simm.s32 $0xE820;
	[sflag:s12] =	ssyncadd.s32 $0xFFFFF800  }
0x150: {  	[spmem:s2] =	stream.indirect.scatter.add.f32 [tilespmem:s31], [sflag:$0x5], $0x10, s19, s20, $0xb8;
	[tilespmem:$0x18280] =	vst v63  }
0x151: {  	_ =	swait.ge [sflag:s12], $0x800  }
0x152: {  	[sflag:s12] =	ssyncset.done $0x0  }
0x153: {  	s22 =	simm.s32 $0x3200;
	s23 =	simm.s32 $0xF020;
	[sflag:s12] =	ssyncadd.s32 $0xFFFFF800  }
0x154: {  	[spmem:s2] =	stream.indirect.scatter.add.f32 [tilespmem:s23], [sflag:$0x5], $0x10, s22, s20, $0xb8;
	[tilespmem:$0x18280] =	vst v63  }
0x155: {  	_ =	swait.ge [sflag:s12], $0x800  }
0x156: {  	[sflag:s12] =	ssyncset.done $0x0  }
0x157: {  	s24 =	simm.s32 $0x3280;
	s28 =	simm.s32 $0xF820;
	[sflag:s12] =	ssyncadd.s32 $0xFFFFF800  }
0x158: {  	[spmem:s2] =	stream.indirect.scatter.add.f32 [tilespmem:s28], [sflag:$0x5], $0x10, s24, s20, $0xb8;
	[tilespmem:$0x18280] =	vst v63  }
0x159: {  	_ =	swait.ge [sflag:s12], $0x800  }
0x15a: {  	[sflag:s12] =	ssyncset.done $0x0  }
0x15b: {  	s25 =	simm.s32 $0x3300;
	s30 =	simm.s32 $0x10020;
	[sflag:s12] =	ssyncadd.s32 $0xFFFFF800  }
0x15c: {  	[spmem:s2] =	stream.indirect.scatter.add.f32 [tilespmem:s30], [sflag:$0x5], $0x10, s25, s20, $0xb8;
	[tilespmem:$0x18280] =	vst v63  }
0x15d: {  	_ =	swait.ge [sflag:s12], $0x800  }
0x15e: {  	[sflag:s12] =	ssyncset.done $0x0  }
0x15f: {  	s0 =	simm.s32 $0x3380;
	s25 =	simm.s32 $0x10820;
	[sflag:s12] =	ssyncadd.s32 $0xFFFFF800  }
0x160: {  	[spmem:s2] =	stream.indirect.scatter.add.f32 [tilespmem:s25], [sflag:$0x5], $0x10, s0, s20, $0xb8;
	[tilespmem:$0x18280] =	vst v63  }
0x161: {  	_ =	swait.ge [sflag:s12], $0x800  }
0x162: {  	[sflag:s12] =	ssyncset.done $0x0  }
0x163: {  	s1 =	simm.s32 $0x3400;
	s15 =	simm.s32 $0x11020;
	[sflag:s12] =	ssyncadd.s32 $0xFFFFF800  }
0x164: {  	[spmem:s2] =	stream.indirect.scatter.add.f32 [tilespmem:s15], [sflag:$0x5], $0x10, s1, s20, $0xb8;
	[tilespmem:$0x18280] =	vst v63  }
0x165: {  	_ =	swait.ge [sflag:s12], $0x800  }
0x166: {  	[sflag:s12] =	ssyncset.done $0x0  }
0x167: {  	s6 =	simm.s32 $0x3480;
	s9 =	simm.s32 $0x11820;
	[sflag:s12] =	ssyncadd.s32 $0xFFFFF800  }
0x168: {  	[spmem:s2] =	stream.indirect.scatter.add.f32 [tilespmem:s9], [sflag:$0x5], $0x10, s6, s20, $0xb8;
	[tilespmem:$0x18280] =	vst v63  }
0x169: {  	_ =	swait.ge [sflag:s12], $0x800  }
0x16a: {  	[sflag:s12] =	ssyncset.done $0x0  }
0x16b: {  	s7 =	simm.s32 $0x3500;
	s8 =	simm.s32 $0x12020;
	[sflag:s12] =	ssyncadd.s32 $0xFFFFF800  }
0x16c: {  	[spmem:s2] =	stream.indirect.scatter.add.f32 [tilespmem:s8], [sflag:$0x5], $0x10, s7, s20, $0xb8;
	[tilespmem:$0x18280] =	vst v63  }
0x16d: {  	_ =	swait.ge [sflag:s12], $0x800  }
0x16e: {  	[sflag:s12] =	ssyncset.done $0x0  }
0x16f: {  	s19 =	simm.s32 $0x3580;
	s7 =	simm.s32 $0x12820;
	[sflag:s12] =	ssyncadd.s32 $0xFFFFF800  }
0x170: {  	[spmem:s2] =	stream.indirect.scatter.add.f32 [tilespmem:s7], [sflag:$0x5], $0x10, s19, s20, $0xb8;
	[tilespmem:$0x18280] =	vst v63  }
0x171: {  	_ =	swait.ge [sflag:s12], $0x800  }
0x172: {  	[sflag:s12] =	ssyncset.done $0x0  }
0x173: {  	s22 =	simm.s32 $0x3600;
	s6 =	simm.s32 $0x13020;
	[sflag:s12] =	ssyncadd.s32 $0xFFFFF800  }
0x174: {  	[spmem:s2] =	stream.indirect.scatter.add.f32 [tilespmem:s6], [sflag:$0x5], $0x10, s22, s20, $0xb8;
	[tilespmem:$0x18280] =	vst v63  }
0x175: {  	_ =	swait.ge [sflag:s12], $0x800  }
0x176: {  	[sflag:s12] =	ssyncset.done $0x0  }
0x177: {  	s24 =	simm.s32 $0x3680;
	s1 =	simm.s32 $0x13820;
	[sflag:s12] =	ssyncadd.s32 $0xFFFFF800  }
0x178: {  	[spmem:s2] =	stream.indirect.scatter.add.f32 [tilespmem:s1], [sflag:$0x5], $0x10, s24, s20, $0xb8;
	[tilespmem:$0x18280] =	vst v63  }
0x179: {  	_ =	swait.ge [sflag:s12], $0x800  }
0x17a: {  	[sflag:s12] =	ssyncset.done $0x0  }
0x17b: {  	s0 =	simm.s32 $0x3700;
	s24 =	simm.s32 $0x14020;
	[sflag:s12] =	ssyncadd.s32 $0xFFFFF800  }
0x17c: {  	[spmem:s2] =	stream.indirect.scatter.add.f32 [tilespmem:s24], [sflag:$0x5], $0x10, s0, s20, $0xb8;
	[tilespmem:$0x18280] =	vst v63  }
0x17d: {  	_ =	swait.ge [sflag:s12], $0x800  }
0x17e: {  	[sflag:s12] =	ssyncset.done $0x0  }
0x17f: {  	s19 =	simm.s32 $0x3780;
	s0 =	simm.s32 $0x14820;
	[sflag:s12] =	ssyncadd.s32 $0xFFFFF800  }
0x180: {  	[spmem:s2] =	stream.indirect.scatter.add.f32 [tilespmem:s0], [sflag:$0x5], $0x10, s19, s20, $0xb8;
	[tilespmem:$0x18280] =	vst v63  }
0x181: {  	_ =	swait.ge [sflag:s5], $0x800  }
0x182: {  	[sflag:s5] =	ssyncset.done $0x0  }
0x183: {  	[sflag:s5] =	ssyncadd.s32 $0xFFFFF800  }
0x184: {  	_ =	swait.ge [sflag:s5], $0x800  }
0x185: {  	[sflag:s5] =	ssyncset.done $0x0  }
0x186: {  	[sflag:s5] =	ssyncadd.s32 $0xFFFFF800  }
0x187: {  	_ =	swait.ge [sflag:s5], $0x800  }
0x188: {  	[sflag:s5] =	ssyncset.done $0x0  }
0x189: {  	[sflag:s5] =	ssyncadd.s32 $0xFFFFF800  }
0x18a: {  	_ =	swait.ge [sflag:s5], $0x800  }
0x18b: {  	[sflag:s5] =	ssyncset.done $0x0  }
0x18c: {  	[sflag:s5] =	ssyncadd.s32 $0xFFFFF800  }
0x18d: {  	_ =	swait.ge [sflag:s5], $0x800  }
0x18e: {  	[sflag:s5] =	ssyncset.done $0x0  }
0x18f: {  	[sflag:s5] =	ssyncadd.s32 $0xFFFFF800  }
0x190: {  	_ =	swait.ge [sflag:s5], $0x800  }
0x191: {  	[sflag:s5] =	ssyncset.done $0x0  }
0x192: {  	[sflag:s5] =	ssyncadd.s32 $0xFFFFF800  }
0x193: {  	_ =	swait.ge [sflag:s5], $0x800  }
0x194: {  	[sflag:s5] =	ssyncset.done $0x0  }
0x195: {  	[sflag:s5] =	ssyncadd.s32 $0xFFFFF800  }
0x196: {  	_ =	swait.ge [sflag:s5], $0x800  }
0x197: {  	[sflag:s5] =	ssyncset.done $0x0  }
0x198: {  	[sflag:s5] =	ssyncadd.s32 $0xFFFFF800  }
0x199: {  	_ =	swait.ge [sflag:s5], $0x800  }
0x19a: {  	[sflag:s5] =	ssyncset.done $0x0  }
0x19b: {  	[sflag:s5] =	ssyncadd.s32 $0xFFFFF800  }
0x19c: {  	_ =	swait.ge [sflag:s5], $0x800  }
0x19d: {  	[sflag:s5] =	ssyncset.done $0x0  }
0x19e: {  	[sflag:s5] =	ssyncadd.s32 $0xFFFFF800  }
0x19f: {  	_ =	swait.ge [sflag:s5], $0x800  }
0x1a0: {  	[sflag:s5] =	ssyncset.done $0x0  }
0x1a1: {  	[sflag:s5] =	ssyncadd.s32 $0xFFFFF800  }
0x1a2: {  	_ =	swait.ge [sflag:s5], $0x800  }
0x1a3: {  	[sflag:s5] =	ssyncset.done $0x0  }
0x1a4: {  	[sflag:s5] =	ssyncadd.s32 $0xFFFFF800  }
0x1a5: {  	_ =	swait.ge [sflag:s5], $0x800  }
0x1a6: {  	[sflag:s5] =	ssyncset.done $0x0  }
0x1a7: {  	[sflag:s5] =	ssyncadd.s32 $0xFFFFF800  }
0x1a8: {  	_ =	swait.ge [sflag:s5], $0x800  }
0x1a9: {  	[sflag:s5] =	ssyncset.done $0x0  }
0x1aa: {  	[sflag:s5] =	ssyncadd.s32 $0xFFFFF800  }
0x1ab: {  	_ =	swait.ge [sflag:s5], $0x800  }
0x1ac: {  	[sflag:s5] =	ssyncset.done $0x0  }
0x1ad: {  	[sflag:s5] =	ssyncadd.s32 $0xFFFFF800  }
0x1ae: {  	_ =	swait.ge [sflag:s5], $0x800  }
0x1af: {  	[sflag:s5] =	ssyncset.done $0x0  }
0x1b0: {  	s22 =	simm.s32 $0x1800;
	[sflag:s5] =	ssyncadd.s32 $0xFFFFF800  }
0x1b1: {  	[tilespmem:s26], [sflag:$0x3] =	stream.indirect.gather [hbm4b:s4+s20], $0x10, s22, s20, $0xb8;
	[tilespmem:$0x18280] =	vst v63  }
0x1b2: {  	s17 =	simm.s32 $0xD820;
	s26 =	simm.s32 $0x1880  }
0x1b3: {  	[tilespmem:s17], [sflag:$0x3] =	stream.indirect.gather [hbm4b:s4+s20], $0x10, s26, s20, $0xb8;
	[tilespmem:$0x18280] =	vst v63  }
0x1b4: {  	s17 =	simm.s32 $0x1900  }
0x1b5: {  	[tilespmem:s29], [sflag:$0x3] =	stream.indirect.gather [hbm4b:s4+s20], $0x10, s17, s20, $0xb8;
	[tilespmem:$0x18280] =	vst v63  }
0x1b6: {  	s19 =	simm.s32 $0x1980  }
0x1b7: {  	[tilespmem:s31], [sflag:$0x3] =	stream.indirect.gather [hbm4b:s4+s20], $0x10, s19, s20, $0xb8;
	[tilespmem:$0x18280] =	vst v63  }
0x1b8: {  	s22 =	simm.s32 $0x1A00  }
0x1b9: {  	[tilespmem:s23], [sflag:$0x3] =	stream.indirect.gather [hbm4b:s4+s20], $0x10, s22, s20, $0xb8;
	[tilespmem:$0x18280] =	vst v63  }
0x1ba: {  	s26 =	simm.s32 $0x1A80  }
0x1bb: {  	[tilespmem:s28], [sflag:$0x3] =	stream.indirect.gather [hbm4b:s4+s20], $0x10, s26, s20, $0xb8;
	[tilespmem:$0x18280] =	vst v63  }
0x1bc: {  	s29 =	simm.s32 $0x1B00  }
0x1bd: {  	[tilespmem:s30], [sflag:$0x3] =	stream.indirect.gather [hbm4b:s4+s20], $0x10, s29, s20, $0xb8;
	[tilespmem:$0x18280] =	vst v63  }
0x1be: {  	s30 =	simm.s32 $0x1B80  }
0x1bf: {  	[tilespmem:s25], [sflag:$0x3] =	stream.indirect.gather [hbm4b:s4+s20], $0x10, s30, s20, $0xb8;
	[tilespmem:$0x18280] =	vst v63  }
0x1c0: {  	s31 =	simm.s32 $0x1C00  }
0x1c1: {  	[tilespmem:s15], [sflag:$0x3] =	stream.indirect.gather [hbm4b:s4+s20], $0x10, s31, s20, $0xb8;
	[tilespmem:$0x18280] =	vst v63  }
0x1c2: {  	s15 =	simm.s32 $0x1C80  }
0x1c3: {  	[tilespmem:s9], [sflag:$0x3] =	stream.indirect.gather [hbm4b:s4+s20], $0x10, s15, s20, $0xb8;
	[tilespmem:$0x18280] =	vst v63  }
0x1c4: {  	s17 =	simm.s32 $0x1D00  }
0x1c5: {  	[tilespmem:s8], [sflag:$0x3] =	stream.indirect.gather [hbm4b:s4+s20], $0x10, s17, s20, $0xb8;
	[tilespmem:$0x18280] =	vst v63  }
0x1c6: {  	s19 =	simm.s32 $0x1D80  }
0x1c7: {  	[tilespmem:s7], [sflag:$0x3] =	stream.indirect.gather [hbm4b:s4+s20], $0x10, s19, s20, $0xb8;
	[tilespmem:$0x18280] =	vst v63  }
0x1c8: {  	s22 =	simm.s32 $0x1E00  }
0x1c9: {  	[tilespmem:s6], [sflag:$0x3] =	stream.indirect.gather [hbm4b:s4+s20], $0x10, s22, s20, $0xb8;
	[tilespmem:$0x18280] =	vst v63  }
0x1ca: {  	s23 =	simm.s32 $0x1E80  }
0x1cb: {  	[tilespmem:s1], [sflag:$0x3] =	stream.indirect.gather [hbm4b:s4+s20], $0x10, s23, s20, $0xb8;
	[tilespmem:$0x18280] =	vst v63  }
0x1cc: {  	s25 =	simm.s32 $0x1F00  }
0x1cd: {  	[tilespmem:s24], [sflag:$0x3] =	stream.indirect.gather [hbm4b:s4+s20], $0x10, s25, s20, $0xb8;
	[tilespmem:$0x18280] =	vst v63  }
0x1ce: {  	s26 =	simm.s32 $0x1F80  }
0x1cf: {  	[tilespmem:s0], [sflag:$0x3] =	stream.indirect.gather [hbm4b:s4+s20], $0x10, s26, s20, $0xb8;
	[tilespmem:$0x18280] =	vst v63  }
0x1d0: {  	_ =	swait.ge [sflag:s10], $0x800  }
0x1d1: {  	[sflag:s10] =	ssyncset.done $0x0  }
0x1d2: {  	s28 =	simm.s32 $0x3800;
	s24 =	simm.s32 $0x5020;
	[sflag:s10] =	ssyncadd.s32 $0xFFFFF800  }
0x1d3: {  	[spmem:s2] =	stream.indirect.scatter.add.f32 [tilespmem:s24], [sflag:$0x4], $0x10, s28, s20, $0xb8;
	[tilespmem:$0x18280] =	vst v63  }
0x1d4: {  	_ =	swait.ge [sflag:s10], $0x800  }
0x1d5: {  	[sflag:s10] =	ssyncset.done $0x0  }
0x1d6: {  	s29 =	simm.s32 $0x3880;
	s22 =	simm.s32 $0x5820;
	[sflag:s10] =	ssyncadd.s32 $0xFFFFF800  }
0x1d7: {  	[spmem:s2] =	stream.indirect.scatter.add.f32 [tilespmem:s22], [sflag:$0x4], $0x10, s29, s20, $0xb8;
	[tilespmem:$0x18280] =	vst v63  }
0x1d8: {  	_ =	swait.ge [sflag:s10], $0x800  }
0x1d9: {  	[sflag:s10] =	ssyncset.done $0x0  }
0x1da: {  	s30 =	simm.s32 $0x3900;
	s19 =	simm.s32 $0x6020;
	[sflag:s10] =	ssyncadd.s32 $0xFFFFF800  }
0x1db: {  	[spmem:s2] =	stream.indirect.scatter.add.f32 [tilespmem:s19], [sflag:$0x4], $0x10, s30, s20, $0xb8;
	[tilespmem:$0x18280] =	vst v63  }
0x1dc: {  	_ =	swait.ge [sflag:s10], $0x800  }
0x1dd: {  	[sflag:s10] =	ssyncset.done $0x0  }
0x1de: {  	s31 =	simm.s32 $0x3980;
	s17 =	simm.s32 $0x6820;
	[sflag:s10] =	ssyncadd.s32 $0xFFFFF800  }
0x1df: {  	[spmem:s2] =	stream.indirect.scatter.add.f32 [tilespmem:s17], [sflag:$0x4], $0x10, s31, s20, $0xb8;
	[tilespmem:$0x18280] =	vst v63  }
0x1e0: {  	_ =	swait.ge [sflag:s10], $0x800  }
0x1e1: {  	[sflag:s10] =	ssyncset.done $0x0  }
0x1e2: {  	s0 =	simm.s32 $0x3A00;
	s29 =	simm.s32 $0x7020;
	[sflag:s10] =	ssyncadd.s32 $0xFFFFF800  }
0x1e3: {  	[spmem:s2] =	stream.indirect.scatter.add.f32 [tilespmem:s29], [sflag:$0x4], $0x10, s0, s20, $0xb8;
	[tilespmem:$0x18280] =	vst v63  }
0x1e4: {  	_ =	swait.ge [sflag:s10], $0x800  }
0x1e5: {  	[sflag:s10] =	ssyncset.done $0x0  }
0x1e6: {  	s1 =	simm.s32 $0x3A80;
	s28 =	simm.s32 $0x7820;
	[sflag:s10] =	ssyncadd.s32 $0xFFFFF800  }
0x1e7: {  	[spmem:s2] =	stream.indirect.scatter.add.f32 [tilespmem:s28], [sflag:$0x4], $0x10, s1, s20, $0xb8;
	[tilespmem:$0x18280] =	vst v63  }
0x1e8: {  	_ =	swait.ge [sflag:s10], $0x800  }
0x1e9: {  	[sflag:s10] =	ssyncset.done $0x0  }
0x1ea: {  	s6 =	simm.s32 $0x3B00;
	s26 =	simm.s32 $0x8020;
	[sflag:s10] =	ssyncadd.s32 $0xFFFFF800  }
0x1eb: {  	[spmem:s2] =	stream.indirect.scatter.add.f32 [tilespmem:s26], [sflag:$0x4], $0x10, s6, s20, $0xb8;
	[tilespmem:$0x18280] =	vst v63  }
0x1ec: {  	_ =	swait.ge [sflag:s10], $0x800  }
0x1ed: {  	[sflag:s10] =	ssyncset.done $0x0  }
0x1ee: {  	s7 =	simm.s32 $0x3B80;
	s25 =	simm.s32 $0x8820;
	[sflag:s10] =	ssyncadd.s32 $0xFFFFF800  }
0x1ef: {  	[spmem:s2] =	stream.indirect.scatter.add.f32 [tilespmem:s25], [sflag:$0x4], $0x10, s7, s20, $0xb8;
	[tilespmem:$0x18280] =	vst v63  }
0x1f0: {  	_ =	swait.ge [sflag:s10], $0x800  }
0x1f1: {  	[sflag:s10] =	ssyncset.done $0x0  }
0x1f2: {  	s8 =	simm.s32 $0x3C00;
	s23 =	simm.s32 $0x9020;
	[sflag:s10] =	ssyncadd.s32 $0xFFFFF800  }
0x1f3: {  	[spmem:s2] =	stream.indirect.scatter.add.f32 [tilespmem:s23], [sflag:$0x4], $0x10, s8, s20, $0xb8;
	[tilespmem:$0x18280] =	vst v63  }
0x1f4: {  	_ =	swait.ge [sflag:s10], $0x800  }
0x1f5: {  	[sflag:s10] =	ssyncset.done $0x0  }
0x1f6: {  	s9 =	simm.s32 $0x3C80;
	s15 =	simm.s32 $0x9820;
	[sflag:s10] =	ssyncadd.s32 $0xFFFFF800  }
0x1f7: {  	[spmem:s2] =	stream.indirect.scatter.add.f32 [tilespmem:s15], [sflag:$0x4], $0x10, s9, s20, $0xb8;
	[tilespmem:$0x18280] =	vst v63  }
0x1f8: {  	_ =	swait.ge [sflag:s10], $0x800  }
0x1f9: {  	[sflag:s10] =	ssyncset.done $0x0  }
0x1fa: {  	s30 =	simm.s32 $0x3D00;
	s9 =	simm.s32 $0xA020;
	[sflag:s10] =	ssyncadd.s32 $0xFFFFF800  }
0x1fb: {  	[spmem:s2] =	stream.indirect.scatter.add.f32 [tilespmem:s9], [sflag:$0x4], $0x10, s30, s20, $0xb8;
	[tilespmem:$0x18280] =	vst v63  }
0x1fc: {  	_ =	swait.ge [sflag:s10], $0x800  }
0x1fd: {  	[sflag:s10] =	ssyncset.done $0x0  }
0x1fe: {  	s31 =	simm.s32 $0x3D80;
	s8 =	simm.s32 $0xA820;
	[sflag:s10] =	ssyncadd.s32 $0xFFFFF800  }
0x1ff: {  	[spmem:s2] =	stream.indirect.scatter.add.f32 [tilespmem:s8], [sflag:$0x4], $0x10, s31, s20, $0xb8;
	[tilespmem:$0x18280] =	vst v63  }
0x200: {  	_ =	swait.ge [sflag:s10], $0x800  }
0x201: {  	[sflag:s10] =	ssyncset.done $0x0  }
0x202: {  	s0 =	simm.s32 $0x3E00;
	s7 =	simm.s32 $0xB020;
	[sflag:s10] =	ssyncadd.s32 $0xFFFFF800  }
0x203: {  	[spmem:s2] =	stream.indirect.scatter.add.f32 [tilespmem:s7], [sflag:$0x4], $0x10, s0, s20, $0xb8;
	[tilespmem:$0x18280] =	vst v63  }
0x204: {  	_ =	swait.ge [sflag:s10], $0x800  }
0x205: {  	[sflag:s10] =	ssyncset.done $0x0  }
0x206: {  	s1 =	simm.s32 $0x3E80;
	s6 =	simm.s32 $0xB820;
	[sflag:s10] =	ssyncadd.s32 $0xFFFFF800  }
0x207: {  	[spmem:s2] =	stream.indirect.scatter.add.f32 [tilespmem:s6], [sflag:$0x4], $0x10, s1, s20, $0xb8;
	[tilespmem:$0x18280] =	vst v63  }
0x208: {  	_ =	swait.ge [sflag:s10], $0x800  }
0x209: {  	[sflag:s10] =	ssyncset.done $0x0  }
0x20a: {  	s30 =	simm.s32 $0x3F00;
	s1 =	simm.s32 $0xC020;
	[sflag:s10] =	ssyncadd.s32 $0xFFFFF800  }
0x20b: {  	[spmem:s2] =	stream.indirect.scatter.add.f32 [tilespmem:s1], [sflag:$0x4], $0x10, s30, s20, $0xb8;
	[tilespmem:$0x18280] =	vst v63  }
0x20c: {  	_ =	swait.ge [sflag:s10], $0x800  }
0x20d: {  	[sflag:s10] =	ssyncset.done $0x0  }
0x20e: {  	s31 =	simm.s32 $0x3F80;
	s0 =	simm.s32 $0xC820;
	[sflag:s10] =	ssyncadd.s32 $0xFFFFF800  }
0x20f: {  	[spmem:s2] =	stream.indirect.scatter.add.f32 [tilespmem:s0], [sflag:$0x4], $0x10, s31, s20, $0xb8;
	[tilespmem:$0x18280] =	vst v63  }
0x210: {  	_ =	swait.ge [sflag:s11], $0x800  }
0x211: {  	[sflag:s11] =	ssyncset.done $0x0  }
0x212: {  	[sflag:s11] =	ssyncadd.s32 $0xFFFFF800  }
0x213: {  	_ =	swait.ge [sflag:s11], $0x800  }
0x214: {  	[sflag:s11] =	ssyncset.done $0x0  }
0x215: {  	[sflag:s11] =	ssyncadd.s32 $0xFFFFF800  }
0x216: {  	_ =	swait.ge [sflag:s11], $0x800  }
0x217: {  	[sflag:s11] =	ssyncset.done $0x0  }
0x218: {  	[sflag:s11] =	ssyncadd.s32 $0xFFFFF800  }
0x219: {  	_ =	swait.ge [sflag:s11], $0x800  }
0x21a: {  	[sflag:s11] =	ssyncset.done $0x0  }
0x21b: {  	[sflag:s11] =	ssyncadd.s32 $0xFFFFF800  }
0x21c: {  	_ =	swait.ge [sflag:s11], $0x800  }
0x21d: {  	[sflag:s11] =	ssyncset.done $0x0  }
0x21e: {  	[sflag:s11] =	ssyncadd.s32 $0xFFFFF800  }
0x21f: {  	_ =	swait.ge [sflag:s11], $0x800  }
0x220: {  	[sflag:s11] =	ssyncset.done $0x0  }
0x221: {  	[sflag:s11] =	ssyncadd.s32 $0xFFFFF800  }
0x222: {  	_ =	swait.ge [sflag:s11], $0x800  }
0x223: {  	[sflag:s11] =	ssyncset.done $0x0  }
0x224: {  	[sflag:s11] =	ssyncadd.s32 $0xFFFFF800  }
0x225: {  	_ =	swait.ge [sflag:s11], $0x800  }
0x226: {  	[sflag:s11] =	ssyncset.done $0x0  }
0x227: {  	[sflag:s11] =	ssyncadd.s32 $0xFFFFF800  }
0x228: {  	_ =	swait.ge [sflag:s11], $0x800  }
0x229: {  	[sflag:s11] =	ssyncset.done $0x0  }
0x22a: {  	[sflag:s11] =	ssyncadd.s32 $0xFFFFF800  }
0x22b: {  	_ =	swait.ge [sflag:s11], $0x800  }
0x22c: {  	[sflag:s11] =	ssyncset.done $0x0  }
0x22d: {  	[sflag:s11] =	ssyncadd.s32 $0xFFFFF800  }
0x22e: {  	_ =	swait.ge [sflag:s11], $0x800  }
0x22f: {  	[sflag:s11] =	ssyncset.done $0x0  }
0x230: {  	[sflag:s11] =	ssyncadd.s32 $0xFFFFF800  }
0x231: {  	_ =	swait.ge [sflag:s11], $0x800  }
0x232: {  	[sflag:s11] =	ssyncset.done $0x0  }
0x233: {  	[sflag:s11] =	ssyncadd.s32 $0xFFFFF800  }
0x234: {  	_ =	swait.ge [sflag:s11], $0x800  }
0x235: {  	[sflag:s11] =	ssyncset.done $0x0  }
0x236: {  	[sflag:s11] =	ssyncadd.s32 $0xFFFFF800  }
0x237: {  	_ =	swait.ge [sflag:s11], $0x800  }
0x238: {  	[sflag:s11] =	ssyncset.done $0x0  }
0x239: {  	[sflag:s11] =	ssyncadd.s32 $0xFFFFF800  }
0x23a: {  	_ =	swait.ge [sflag:s11], $0x800  }
0x23b: {  	[sflag:s11] =	ssyncset.done $0x0  }
0x23c: {  	[sflag:s11] =	ssyncadd.s32 $0xFFFFF800  }
0x23d: {  	_ =	swait.ge [sflag:s11], $0x800  }
0x23e: {  	[sflag:s11] =	ssyncset.done $0x0  }
0x23f: {  	s30 =	simm.s32 $0x2000;
	[sflag:s11] =	ssyncadd.s32 $0xFFFFF800  }
0x240: {  	[tilespmem:s24], [sflag:$0x2] =	stream.indirect.gather [hbm4b:s4+s20], $0x10, s30, s20, $0xb8;
	[tilespmem:$0x18280] =	vst v63  }
0x241: {  	s31 =	simm.s32 $0x2080  }
0x242: {  	[tilespmem:s22], [sflag:$0x2] =	stream.indirect.gather [hbm4b:s4+s20], $0x10, s31, s20, $0xb8;
	[tilespmem:$0x18280] =	vst v63  }
0x243: {  	s30 =	simm.s32 $0x2100  }
0x244: {  	[tilespmem:s19], [sflag:$0x2] =	stream.indirect.gather [hbm4b:s4+s20], $0x10, s30, s20, $0xb8;
	[tilespmem:$0x18280] =	vst v63  }
0x245: {  	s31 =	simm.s32 $0x2180  }
0x246: {  	[tilespmem:s17], [sflag:$0x2] =	stream.indirect.gather [hbm4b:s4+s20], $0x10, s31, s20, $0xb8;
	[tilespmem:$0x18280] =	vst v63  }
0x247: {  	s30 =	simm.s32 $0x2200  }
0x248: {  	[tilespmem:s29], [sflag:$0x2] =	stream.indirect.gather [hbm4b:s4+s20], $0x10, s30, s20, $0xb8;
	[tilespmem:$0x18280] =	vst v63  }
0x249: {  	s31 =	simm.s32 $0x2280  }
0x24a: {  	[tilespmem:s28], [sflag:$0x2] =	stream.indirect.gather [hbm4b:s4+s20], $0x10, s31, s20, $0xb8;
	[tilespmem:$0x18280] =	vst v63  }
0x24b: {  	s30 =	simm.s32 $0x2300  }
0x24c: {  	[tilespmem:s26], [sflag:$0x2] =	stream.indirect.gather [hbm4b:s4+s20], $0x10, s30, s20, $0xb8;
	[tilespmem:$0x18280] =	vst v63  }
0x24d: {  	s26 =	simm.s32 $0x2380  }
0x24e: {  	[tilespmem:s25], [sflag:$0x2] =	stream.indirect.gather [hbm4b:s4+s20], $0x10, s26, s20, $0xb8;
	[tilespmem:$0x18280] =	vst v63  }
0x24f: {  	s28 =	simm.s32 $0x2400  }
0x250: {  	[tilespmem:s23], [sflag:$0x2] =	stream.indirect.gather [hbm4b:s4+s20], $0x10, s28, s20, $0xb8;
	[tilespmem:$0x18280] =	vst v63  }
0x251: {  	s26 =	simm.s32 $0x2480  }
0x252: {  	[tilespmem:s15], [sflag:$0x2] =	stream.indirect.gather [hbm4b:s4+s20], $0x10, s26, s20, $0xb8;
	[tilespmem:$0x18280] =	vst v63  }
0x253: {  	s15 =	simm.s32 $0x2500  }
0x254: {  	[tilespmem:s9], [sflag:$0x2] =	stream.indirect.gather [hbm4b:s4+s20], $0x10, s15, s20, $0xb8;
	[tilespmem:$0x18280] =	vst v63  }
0x255: {  	s23 =	simm.s32 $0x2580  }
0x256: {  	[tilespmem:s8], [sflag:$0x2] =	stream.indirect.gather [hbm4b:s4+s20], $0x10, s23, s20, $0xb8;
	[tilespmem:$0x18280] =	vst v63  }
0x257: {  	s15 =	simm.s32 $0x2600  }
0x258: {  	[tilespmem:s7], [sflag:$0x2] =	stream.indirect.gather [hbm4b:s4+s20], $0x10, s15, s20, $0xb8;
	[tilespmem:$0x18280] =	vst v63  }
0x259: {  	s8 =	simm.s32 $0x2680  }
0x25a: {  	[tilespmem:s6], [sflag:$0x2] =	stream.indirect.gather [hbm4b:s4+s20], $0x10, s8, s20, $0xb8;
	[tilespmem:$0x18280] =	vst v63  }
0x25b: {  	s7 =	simm.s32 $0x2700  }
0x25c: {  	[tilespmem:s1], [sflag:$0x2] =	stream.indirect.gather [hbm4b:s4+s20], $0x10, s7, s20, $0xb8;
	[tilespmem:$0x18280] =	vst v63  }
0x25d: {  	s8 =	simm.s32 $0x2780  }
0x25e: {  	[tilespmem:s0], [sflag:$0x2] =	stream.indirect.gather [hbm4b:s4+s20], $0x10, s8, s20, $0xb8;
	[tilespmem:$0x18280] =	vst v63  }
0x25f: {  	_ =	swait.ge [sflag:s12], $0x800  }
0x260: {  	[sflag:s12] =	ssyncset.done $0x0  }
0x261: {  	s1 =	simm.s32 $0x4000;
	s8 =	simm.s32 $0xD020;
	[sflag:s12] =	ssyncadd.s32 $0xFFFFF800  }
0x262: {  	[spmem:s2] =	stream.indirect.scatter.add.f32 [tilespmem:s8], [sflag:$0x5], $0x10, s1, s20, $0xb8;
	[tilespmem:$0x18280] =	vst v63  }
0x263: {  	_ =	swait.ge [sflag:s12], $0x800  }
0x264: {  	[sflag:s12] =	ssyncset.done $0x0  }
0x265: {  	s1 =	simm.s32 $0x4080;
	s8 =	simm.s32 $0xD820;
	[sflag:s12] =	ssyncadd.s32 $0xFFFFF800  }
0x266: {  	[spmem:s2] =	stream.indirect.scatter.add.f32 [tilespmem:s8], [sflag:$0x5], $0x10, s1, s20, $0xb8;
	[tilespmem:$0x18280] =	vst v63  }
0x267: {  	_ =	swait.ge [sflag:s12], $0x800  }
0x268: {  	[sflag:s12] =	ssyncset.done $0x0  }
0x269: {  	s1 =	simm.s32 $0x4100;
	s8 =	simm.s32 $0xE020;
	[sflag:s12] =	ssyncadd.s32 $0xFFFFF800  }
0x26a: {  	[spmem:s2] =	stream.indirect.scatter.add.f32 [tilespmem:s8], [sflag:$0x5], $0x10, s1, s20, $0xb8;
	[tilespmem:$0x18280] =	vst v63  }
0x26b: {  	_ =	swait.ge [sflag:s12], $0x800  }
0x26c: {  	[sflag:s12] =	ssyncset.done $0x0  }
0x26d: {  	s1 =	simm.s32 $0x4180;
	s8 =	simm.s32 $0xE820;
	[sflag:s12] =	ssyncadd.s32 $0xFFFFF800  }
0x26e: {  	[spmem:s2] =	stream.indirect.scatter.add.f32 [tilespmem:s8], [sflag:$0x5], $0x10, s1, s20, $0xb8;
	[tilespmem:$0x18280] =	vst v63  }
0x26f: {  	_ =	swait.ge [sflag:s12], $0x800  }
0x270: {  	[sflag:s12] =	ssyncset.done $0x0  }
0x271: {  	s1 =	simm.s32 $0x4200;
	s8 =	simm.s32 $0xF020;
	[sflag:s12] =	ssyncadd.s32 $0xFFFFF800  }
0x272: {  	[spmem:s2] =	stream.indirect.scatter.add.f32 [tilespmem:s8], [sflag:$0x5], $0x10, s1, s20, $0xb8;
	[tilespmem:$0x18280] =	vst v63  }
0x273: {  	_ =	swait.ge [sflag:s12], $0x800  }
0x274: {  	[sflag:s12] =	ssyncset.done $0x0  }
0x275: {  	s1 =	simm.s32 $0x4280;
	s8 =	simm.s32 $0xF820;
	[sflag:s12] =	ssyncadd.s32 $0xFFFFF800  }
0x276: {  	[spmem:s2] =	stream.indirect.scatter.add.f32 [tilespmem:s8], [sflag:$0x5], $0x10, s1, s20, $0xb8;
	[tilespmem:$0x18280] =	vst v63  }
0x277: {  	_ =	swait.ge [sflag:s12], $0x800  }
0x278: {  	[sflag:s12] =	ssyncset.done $0x0  }
0x279: {  	s1 =	simm.s32 $0x4300;
	s8 =	simm.s32 $0x10020;
	[sflag:s12] =	ssyncadd.s32 $0xFFFFF800  }
0x27a: {  	[spmem:s2] =	stream.indirect.scatter.add.f32 [tilespmem:s8], [sflag:$0x5], $0x10, s1, s20, $0xb8;
	[tilespmem:$0x18280] =	vst v63  }
0x27b: {  	_ =	swait.ge [sflag:s12], $0x800  }
0x27c: {  	[sflag:s12] =	ssyncset.done $0x0  }
0x27d: {  	s1 =	simm.s32 $0x4380;
	s8 =	simm.s32 $0x10820;
	[sflag:s12] =	ssyncadd.s32 $0xFFFFF800  }
0x27e: {  	[spmem:s2] =	stream.indirect.scatter.add.f32 [tilespmem:s8], [sflag:$0x5], $0x10, s1, s20, $0xb8;
	[tilespmem:$0x18280] =	vst v63  }
0x27f: {  	_ =	swait.ge [sflag:s12], $0x800  }
0x280: {  	[sflag:s12] =	ssyncset.done $0x0  }
0x281: {  	s1 =	simm.s32 $0x4400;
	s8 =	simm.s32 $0x11020;
	[sflag:s12] =	ssyncadd.s32 $0xFFFFF800  }
0x282: {  	[spmem:s2] =	stream.indirect.scatter.add.f32 [tilespmem:s8], [sflag:$0x5], $0x10, s1, s20, $0xb8;
	[tilespmem:$0x18280] =	vst v63  }
0x283: {  	_ =	swait.ge [sflag:s12], $0x800  }
0x284: {  	[sflag:s12] =	ssyncset.done $0x0  }
0x285: {  	s1 =	simm.s32 $0x4480;
	s8 =	simm.s32 $0x11820;
	[sflag:s12] =	ssyncadd.s32 $0xFFFFF800  }
0x286: {  	[spmem:s2] =	stream.indirect.scatter.add.f32 [tilespmem:s8], [sflag:$0x5], $0x10, s1, s20, $0xb8;
	[tilespmem:$0x18280] =	vst v63  }
0x287: {  	_ =	swait.ge [sflag:s12], $0x800  }
0x288: {  	[sflag:s12] =	ssyncset.done $0x0  }
0x289: {  	s1 =	simm.s32 $0x4500;
	s8 =	simm.s32 $0x12020;
	[sflag:s12] =	ssyncadd.s32 $0xFFFFF800  }
0x28a: {  	[spmem:s2] =	stream.indirect.scatter.add.f32 [tilespmem:s8], [sflag:$0x5], $0x10, s1, s20, $0xb8;
	[tilespmem:$0x18280] =	vst v63  }
0x28b: {  	_ =	swait.ge [sflag:s12], $0x800  }
0x28c: {  	[sflag:s12] =	ssyncset.done $0x0  }
0x28d: {  	s1 =	simm.s32 $0x4580;
	s8 =	simm.s32 $0x12820;
	[sflag:s12] =	ssyncadd.s32 $0xFFFFF800  }
0x28e: {  	[spmem:s2] =	stream.indirect.scatter.add.f32 [tilespmem:s8], [sflag:$0x5], $0x10, s1, s20, $0xb8;
	[tilespmem:$0x18280] =	vst v63  }
0x28f: {  	_ =	swait.ge [sflag:s12], $0x800  }
0x290: {  	[sflag:s12] =	ssyncset.done $0x0  }
0x291: {  	s1 =	simm.s32 $0x4600;
	s8 =	simm.s32 $0x13020;
	[sflag:s12] =	ssyncadd.s32 $0xFFFFF800  }
0x292: {  	[spmem:s2] =	stream.indirect.scatter.add.f32 [tilespmem:s8], [sflag:$0x5], $0x10, s1, s20, $0xb8;
	[tilespmem:$0x18280] =	vst v63  }
0x293: {  	_ =	swait.ge [sflag:s12], $0x800  }
0x294: {  	[sflag:s12] =	ssyncset.done $0x0  }
0x295: {  	s1 =	simm.s32 $0x4680;
	s8 =	simm.s32 $0x13820;
	[sflag:s12] =	ssyncadd.s32 $0xFFFFF800  }
0x296: {  	[spmem:s2] =	stream.indirect.scatter.add.f32 [tilespmem:s8], [sflag:$0x5], $0x10, s1, s20, $0xb8;
	[tilespmem:$0x18280] =	vst v63  }
0x297: {  	_ =	swait.ge [sflag:s12], $0x800  }
0x298: {  	[sflag:s12] =	ssyncset.done $0x0  }
0x299: {  	s1 =	simm.s32 $0x4700;
	s8 =	simm.s32 $0x14020;
	[sflag:s12] =	ssyncadd.s32 $0xFFFFF800  }
0x29a: {  	[spmem:s2] =	stream.indirect.scatter.add.f32 [tilespmem:s8], [sflag:$0x5], $0x10, s1, s20, $0xb8;
	[tilespmem:$0x18280] =	vst v63  }
0x29b: {  	_ =	swait.ge [sflag:s12], $0x800  }
0x29c: {  	[sflag:s12] =	ssyncset.done $0x0  }
0x29d: {  	s0 =	simm.s32 $0x4780;
	s1 =	simm.s32 $0x14820;
	[sflag:s12] =	ssyncadd.s32 $0xFFFFF800  }
0x29e: {  	[spmem:s2] =	stream.indirect.scatter.add.f32 [tilespmem:s1], [sflag:$0x5], $0x10, s0, s20, $0xb8;
	[tilespmem:$0x18280] =	vst v63  }
0x29f: {  	_ =	swait.ge [sflag:s10], $0x800  }
0x2a0: {  	[sflag:s10] =	ssyncset.done $0x0  }
0x2a1: {  	s24 =	simm.s32 $0x5020;
	s8 =	simm.s32 $0x4800;
	[sflag:s10] =	ssyncadd.s32 $0xFFFFF800  }
0x2a2: {  	[spmem:s2] =	stream.indirect.scatter.add.f32 [tilespmem:s24], [sflag:$0x4], $0x10, s8, s20, $0xb8;
	[tilespmem:$0x18280] =	vst v63  }
0x2a3: {  	_ =	swait.ge [sflag:s10], $0x800  }
0x2a4: {  	[sflag:s10] =	ssyncset.done $0x0  }
0x2a5: {  	s22 =	simm.s32 $0x5820;
	s0 =	simm.s32 $0x4880;
	[sflag:s10] =	ssyncadd.s32 $0xFFFFF800  }
0x2a6: {  	[spmem:s2] =	stream.indirect.scatter.add.f32 [tilespmem:s22], [sflag:$0x4], $0x10, s0, s20, $0xb8;
	[tilespmem:$0x18280] =	vst v63  }
0x2a7: {  	_ =	swait.ge [sflag:s10], $0x800  }
0x2a8: {  	[sflag:s10] =	ssyncset.done $0x0  }
0x2a9: {  	s19 =	simm.s32 $0x6020;
	s1 =	simm.s32 $0x4900;
	[sflag:s10] =	ssyncadd.s32 $0xFFFFF800  }
0x2aa: {  	[spmem:s2] =	stream.indirect.scatter.add.f32 [tilespmem:s19], [sflag:$0x4], $0x10, s1, s20, $0xb8;
	[tilespmem:$0x18280] =	vst v63  }
0x2ab: {  	_ =	swait.ge [sflag:s10], $0x800  }
0x2ac: {  	[sflag:s10] =	ssyncset.done $0x0  }
0x2ad: {  	s17 =	simm.s32 $0x6820;
	s19 =	simm.s32 $0x4980;
	[sflag:s10] =	ssyncadd.s32 $0xFFFFF800  }
0x2ae: {  	[spmem:s2] =	stream.indirect.scatter.add.f32 [tilespmem:s17], [sflag:$0x4], $0x10, s19, s20, $0xb8;
	[tilespmem:$0x18280] =	vst v63  }
0x2af: {  	_ =	swait.ge [sflag:s10], $0x800  }
0x2b0: {  	[sflag:s10] =	ssyncset.done $0x0  }
0x2b1: {  	s21 =	simm.s32 $0x4A00;
	s29 =	simm.s32 $0x7020;
	[sflag:s10] =	ssyncadd.s32 $0xFFFFF800  }
0x2b2: {  	[spmem:s2] =	stream.indirect.scatter.add.f32 [tilespmem:s29], [sflag:$0x4], $0x10, s21, s20, $0xb8;
	[tilespmem:$0x18280] =	vst v63  }
0x2b3: {  	_ =	swait.ge [sflag:s10], $0x800  }
0x2b4: {  	[sflag:s10] =	ssyncset.done $0x0  }
0x2b5: {  	s31 =	simm.s32 $0x7820;
	s22 =	simm.s32 $0x4A80;
	[sflag:s10] =	ssyncadd.s32 $0xFFFFF800  }
0x2b6: {  	[spmem:s2] =	stream.indirect.scatter.add.f32 [tilespmem:s31], [sflag:$0x4], $0x10, s22, s20, $0xb8;
	[tilespmem:$0x18280] =	vst v63  }
0x2b7: {  	_ =	swait.ge [sflag:s10], $0x800  }
0x2b8: {  	[sflag:s10] =	ssyncset.done $0x0  }
0x2b9: {  	s30 =	simm.s32 $0x8020;
	s24 =	simm.s32 $0x4B00;
	[sflag:s10] =	ssyncadd.s32 $0xFFFFF800  }
0x2ba: {  	[spmem:s2] =	stream.indirect.scatter.add.f32 [tilespmem:s30], [sflag:$0x4], $0x10, s24, s20, $0xb8;
	[tilespmem:$0x18280] =	vst v63  }
0x2bb: {  	_ =	swait.ge [sflag:s10], $0x800  }
0x2bc: {  	[sflag:s10] =	ssyncset.done $0x0  }
0x2bd: {  	s25 =	simm.s32 $0x8820;
	s29 =	simm.s32 $0x4B80;
	[sflag:s10] =	ssyncadd.s32 $0xFFFFF800  }
0x2be: {  	[spmem:s2] =	stream.indirect.scatter.add.f32 [tilespmem:s25], [sflag:$0x4], $0x10, s29, s20, $0xb8;
	[tilespmem:$0x18280] =	vst v63  }
0x2bf: {  	_ =	swait.ge [sflag:s10], $0x800  }
0x2c0: {  	[sflag:s10] =	ssyncset.done $0x0  }
0x2c1: {  	s28 =	simm.s32 $0x9020;
	s30 =	simm.s32 $0x4C00;
	[sflag:s10] =	ssyncadd.s32 $0xFFFFF800  }
0x2c2: {  	[spmem:s2] =	stream.indirect.scatter.add.f32 [tilespmem:s28], [sflag:$0x4], $0x10, s30, s20, $0xb8;
	[tilespmem:$0x18280] =	vst v63  }
0x2c3: {  	_ =	swait.ge [sflag:s10], $0x800  }
0x2c4: {  	[sflag:s10] =	ssyncset.done $0x0  }
0x2c5: {  	s26 =	simm.s32 $0x9820;
	s31 =	simm.s32 $0x4C80;
	[sflag:s10] =	ssyncadd.s32 $0xFFFFF800  }
0x2c6: {  	[spmem:s2] =	stream.indirect.scatter.add.f32 [tilespmem:s26], [sflag:$0x4], $0x10, s31, s20, $0xb8;
	[tilespmem:$0x18280] =	vst v63  }
0x2c7: {  	_ =	swait.ge [sflag:s10], $0x800  }
0x2c8: {  	[sflag:s10] =	ssyncset.done $0x0  }
0x2c9: {  	s9 =	simm.s32 $0xA020;
	s0 =	simm.s32 $0x4D00;
	[sflag:s10] =	ssyncadd.s32 $0xFFFFF800  }
0x2ca: {  	[spmem:s2] =	stream.indirect.scatter.add.f32 [tilespmem:s9], [sflag:$0x4], $0x10, s0, s20, $0xb8;
	[tilespmem:$0x18280] =	vst v63  }
0x2cb: {  	_ =	swait.ge [sflag:s10], $0x800  }
0x2cc: {  	[sflag:s10] =	ssyncset.done $0x0  }
0x2cd: {  	s23 =	simm.s32 $0xA820;
	s8 =	simm.s32 $0x4D80;
	[sflag:s10] =	ssyncadd.s32 $0xFFFFF800  }
0x2ce: {  	[spmem:s2] =	stream.indirect.scatter.add.f32 [tilespmem:s23], [sflag:$0x4], $0x10, s8, s20, $0xb8;
	[tilespmem:$0x18280] =	vst v63  }
0x2cf: {  	_ =	swait.ge [sflag:s10], $0x800  }
0x2d0: {  	[sflag:s10] =	ssyncset.done $0x0  }
0x2d1: {  	s15 =	simm.s32 $0xB020;
	s9 =	simm.s32 $0x4E00;
	[sflag:s10] =	ssyncadd.s32 $0xFFFFF800  }
0x2d2: {  	[spmem:s2] =	stream.indirect.scatter.add.f32 [tilespmem:s15], [sflag:$0x4], $0x10, s9, s20, $0xb8;
	[tilespmem:$0x18280] =	vst v63  }
0x2d3: {  	_ =	swait.ge [sflag:s10], $0x800  }
0x2d4: {  	[sflag:s10] =	ssyncset.done $0x0  }
0x2d5: {  	s6 =	simm.s32 $0xB820;
	s15 =	simm.s32 $0x4E80;
	[sflag:s10] =	ssyncadd.s32 $0xFFFFF800  }
0x2d6: {  	[spmem:s2] =	stream.indirect.scatter.add.f32 [tilespmem:s6], [sflag:$0x4], $0x10, s15, s20, $0xb8;
	[tilespmem:$0x18280] =	vst v63  }
0x2d7: {  	_ =	swait.ge [sflag:s10], $0x800  }
0x2d8: {  	[sflag:s10] =	ssyncset.done $0x0  }
0x2d9: {  	s7 =	simm.s32 $0xC020;
	s17 =	simm.s32 $0x4F00;
	[sflag:s10] =	ssyncadd.s32 $0xFFFFF800  }
0x2da: {  	[spmem:s2] =	stream.indirect.scatter.add.f32 [tilespmem:s7], [sflag:$0x4], $0x10, s17, s20, $0xb8;
	[tilespmem:$0x18280] =	vst v63  }
0x2db: {  	_ =	swait.ge [sflag:s10], $0x800  }
0x2dc: {  	[sflag:s10] =	ssyncset.done $0x0  }
0x2dd: {  	s19 =	simm.s32 $0x4F80;
	s21 =	simm.s32 $0xC820;
	[sflag:s10] =	ssyncadd.s32 $0xFFFFF800  }
0x2de: {  	[spmem:s2] =	stream.indirect.scatter.add.f32 [tilespmem:s21], [sflag:$0x4], $0x10, s19, s20, $0xb8;
	[tilespmem:$0x18280] =	vst v63  }
0x2df: {  	_ =	swait.ge [sflag:s11], $0x800  }
0x2e0: {  	[sflag:s11] =	ssyncset.done $0x0  }
0x2e1: {  	[sflag:s11] =	ssyncadd.s32 $0xFFFFF800  }
0x2e2: {  	_ =	swait.ge [sflag:s11], $0x800  }
0x2e3: {  	[sflag:s11] =	ssyncset.done $0x0  }
0x2e4: {  	[sflag:s11] =	ssyncadd.s32 $0xFFFFF800  }
0x2e5: {  	_ =	swait.ge [sflag:s11], $0x800  }
0x2e6: {  	[sflag:s11] =	ssyncset.done $0x0  }
0x2e7: {  	[sflag:s11] =	ssyncadd.s32 $0xFFFFF800  }
0x2e8: {  	_ =	swait.ge [sflag:s11], $0x800  }
0x2e9: {  	[sflag:s11] =	ssyncset.done $0x0  }
0x2ea: {  	[sflag:s11] =	ssyncadd.s32 $0xFFFFF800  }
0x2eb: {  	_ =	swait.ge [sflag:s11], $0x800  }
0x2ec: {  	[sflag:s11] =	ssyncset.done $0x0  }
0x2ed: {  	[sflag:s11] =	ssyncadd.s32 $0xFFFFF800  }
0x2ee: {  	_ =	swait.ge [sflag:s11], $0x800  }
0x2ef: {  	[sflag:s11] =	ssyncset.done $0x0  }
0x2f0: {  	[sflag:s11] =	ssyncadd.s32 $0xFFFFF800  }
0x2f1: {  	_ =	swait.ge [sflag:s11], $0x800  }
0x2f2: {  	[sflag:s11] =	ssyncset.done $0x0  }
0x2f3: {  	[sflag:s11] =	ssyncadd.s32 $0xFFFFF800  }
0x2f4: {  	_ =	swait.ge [sflag:s11], $0x800  }
0x2f5: {  	[sflag:s11] =	ssyncset.done $0x0  }
0x2f6: {  	[sflag:s11] =	ssyncadd.s32 $0xFFFFF800  }
0x2f7: {  	_ =	swait.ge [sflag:s11], $0x800  }
0x2f8: {  	[sflag:s11] =	ssyncset.done $0x0  }
0x2f9: {  	[sflag:s11] =	ssyncadd.s32 $0xFFFFF800  }
0x2fa: {  	_ =	swait.ge [sflag:s11], $0x800  }
0x2fb: {  	[sflag:s11] =	ssyncset.done $0x0  }
0x2fc: {  	[sflag:s11] =	ssyncadd.s32 $0xFFFFF800  }
0x2fd: {  	_ =	swait.ge [sflag:s11], $0x800  }
0x2fe: {  	[sflag:s11] =	ssyncset.done $0x0  }
0x2ff: {  	[sflag:s11] =	ssyncadd.s32 $0xFFFFF800  }
0x300: {  	_ =	swait.ge [sflag:s11], $0x800  }
0x301: {  	[sflag:s11] =	ssyncset.done $0x0  }
0x302: {  	[sflag:s11] =	ssyncadd.s32 $0xFFFFF800  }
0x303: {  	_ =	swait.ge [sflag:s11], $0x800  }
0x304: {  	[sflag:s11] =	ssyncset.done $0x0  }
0x305: {  	[sflag:s11] =	ssyncadd.s32 $0xFFFFF800  }
0x306: {  	_ =	swait.ge [sflag:s11], $0x800  }
0x307: {  	[sflag:s11] =	ssyncset.done $0x0  }
0x308: {  	[sflag:s11] =	ssyncadd.s32 $0xFFFFF800  }
0x309: {  	_ =	swait.ge [sflag:s11], $0x800  }
0x30a: {  	[sflag:s11] =	ssyncset.done $0x0  }
0x30b: {  	[sflag:s11] =	ssyncadd.s32 $0xFFFFF800  }
0x30c: {  	_ =	swait.ge [sflag:s11], $0x800  }
0x30d: {  	[sflag:s11] =	ssyncset.done $0x0  }
0x30e: {  	[sflag:s11] =	ssyncadd.s32 $0xFFFFF800  }
0x30f: {  	_ =	swait.ge [sflag:s5], $0x800  }
0x310: {  	[sflag:s5] =	ssyncset.done $0x0  }
0x311: {  	[sflag:s5] =	ssyncadd.s32 $0xFFFFF800  }
0x312: {  	_ =	swait.ge [sflag:s5], $0x800  }
0x313: {  	[sflag:s5] =	ssyncset.done $0x0  }
0x314: {  	[sflag:s5] =	ssyncadd.s32 $0xFFFFF800  }
0x315: {  	_ =	swait.ge [sflag:s5], $0x800  }
0x316: {  	[sflag:s5] =	ssyncset.done $0x0  }
0x317: {  	[sflag:s5] =	ssyncadd.s32 $0xFFFFF800  }
0x318: {  	_ =	swait.ge [sflag:s5], $0x800  }
0x319: {  	[sflag:s5] =	ssyncset.done $0x0  }
0x31a: {  	[sflag:s5] =	ssyncadd.s32 $0xFFFFF800  }
0x31b: {  	_ =	swait.ge [sflag:s5], $0x800  }
0x31c: {  	[sflag:s5] =	ssyncset.done $0x0  }
0x31d: {  	[sflag:s5] =	ssyncadd.s32 $0xFFFFF800  }
0x31e: {  	_ =	swait.ge [sflag:s5], $0x800  }
0x31f: {  	[sflag:s5] =	ssyncset.done $0x0  }
0x320: {  	[sflag:s5] =	ssyncadd.s32 $0xFFFFF800  }
0x321: {  	_ =	swait.ge [sflag:s5], $0x800  }
0x322: {  	[sflag:s5] =	ssyncset.done $0x0  }
0x323: {  	[sflag:s5] =	ssyncadd.s32 $0xFFFFF800  }
0x324: {  	_ =	swait.ge [sflag:s5], $0x800  }
0x325: {  	[sflag:s5] =	ssyncset.done $0x0  }
0x326: {  	[sflag:s5] =	ssyncadd.s32 $0xFFFFF800  }
0x327: {  	_ =	swait.ge [sflag:s5], $0x800  }
0x328: {  	[sflag:s5] =	ssyncset.done $0x0  }
0x329: {  	[sflag:s5] =	ssyncadd.s32 $0xFFFFF800  }
0x32a: {  	_ =	swait.ge [sflag:s5], $0x800  }
0x32b: {  	[sflag:s5] =	ssyncset.done $0x0  }
0x32c: {  	[sflag:s5] =	ssyncadd.s32 $0xFFFFF800  }
0x32d: {  	_ =	swait.ge [sflag:s5], $0x800  }
0x32e: {  	[sflag:s5] =	ssyncset.done $0x0  }
0x32f: {  	[sflag:s5] =	ssyncadd.s32 $0xFFFFF800  }
0x330: {  	_ =	swait.ge [sflag:s5], $0x800  }
0x331: {  	[sflag:s5] =	ssyncset.done $0x0  }
0x332: {  	[sflag:s5] =	ssyncadd.s32 $0xFFFFF800  }
0x333: {  	_ =	swait.ge [sflag:s5], $0x800  }
0x334: {  	[sflag:s5] =	ssyncset.done $0x0  }
0x335: {  	[sflag:s5] =	ssyncadd.s32 $0xFFFFF800  }
0x336: {  	_ =	swait.ge [sflag:s5], $0x800  }
0x337: {  	[sflag:s5] =	ssyncset.done $0x0  }
0x338: {  	[sflag:s5] =	ssyncadd.s32 $0xFFFFF800  }
0x339: {  	_ =	swait.ge [sflag:s5], $0x800  }
0x33a: {  	[sflag:s5] =	ssyncset.done $0x0  }
0x33b: {  	[sflag:s5] =	ssyncadd.s32 $0xFFFFF800  }
0x33c: {  	_ =	swait.ge [sflag:s5], $0x800  }
0x33d: {  	s22 =	simm.s32 $0x5000;
	[sflag:s5] =	ssyncset.done $0x0  }
0x33e: {  	s24 =	simm.s32 $0x15020;
	s23 =	simm.s32 $0x10;
	[sflag:s5] =	ssyncadd.s32 $0xFFFFF800  }
0x33f: {  	[tilespmem:s24], [sflag:$0x6] =	stream.indirect.gather [hbm4b:s4+s23], $0x10, s22, s23, $0xb8;
	[tilespmem:$0x18280] =	vst v63  }
0x340: {  	_ =	swait.ge [sflag:s16], $0x100  }
0x341: {  	[sflag:s16] =	ssyncset.done $0x0  }
0x342: {  	s25 =	simm.s32 $0x5010;
	[sflag:s16] =	ssyncadd.s32 $0xFFFFFF00  }
0x343: {  	[spmem:s2] =	stream.indirect.scatter.add.f32 [tilespmem:s24], [sflag:$0x6], $0x10, s25, s23, $0xb8;
	[tilespmem:$0x18280] =	vst v63  }
0x344: {  	_ =	swait.ge [sflag:s16], $0x100  }
0x345: {  	[sflag:s16] =	ssyncset.done $0x0  }
0x346: {  	[sflag:s16] =	ssyncadd.s32 $0xFFFFFF00  }
0x347: {  	s26 =	stileid.u32;
	[bflag:$0x0] =	sbarrier.arrive $0xFFFF  }
0x348: {  	s8 =	sshll.u32 s26, $0x6;
	s21 =	rddreg [dreg:$0x3]  }
0x349: {  	s8 =	sor.u32 $0x1C06, s8;
	s29 =	rddreg [dreg:$0x9];
	s28 =	sshrl.u32 s21, $0x3  }
0x34a: {  	[hbm:s29], [sflag:s8] =	dma.local [spmem:s28], $0x4F0  }
0x34b: {  	_ =	swait.ge [sflag:s16], $0x4F0  }
0x34c: {  	s30 =	rddreg [dreg:$0xb]  }
0x34d: {  	s31 =	rddreg [dreg:$0xa];
	s0 =	sadd.s32 $0x1, s30  }
0x34e: {  	p0 =	sne.s32 s0, s31  }
.Ltmp5:
0x34f: {  	_ = 	snop;
	(pc) =	sbr.rel @p0 .LBB2_1-.Ltmp5, $3  }
0x350: {  	_ =	sdelay $0x1  }
0x351: {  	[sflag:s16] =	ssyncset.done $0x0  }
0x352: {  	[sflag:s16] =	ssyncadd.s32 $0xFFFFFB10  }
0x353: {  	_ =	sfence.sel $0x180000  }
0x354: {  	[bflag:$0x0] =	sbarrier.arrive $0xFFFF  }
0x355: {  	_ =	strace $0x9000004A  }
0x356: {  	s0 =	stileid.u32;
	[bflag:$0x2] =	sbarrier.arrive $0xFFFF  }
0x357: {  	p0 =	sne.s32 s0, $0x0;
	s0 =	rddreg [dreg:$0x2]  }
0x358: {  	s0 =	sadd.s32 @!p0 $0x100000, s0  }
0x359: {  	[sflag:s0] =	ssyncadd.tile.s32 @!p0 $0x1;
	_ =	shalt  }
.Lfunc_end2:
_tile_overlayer_lowered:
.L_overlay_start_2:
0x35a: {  	(tag) =	ssettag $0x2  }
0x35b: {  	s0 =	rddreg [dreg:$0x0];
	s2 =	stileid.u32  }
0x35c: {  	s1 =	rddreg [dreg:$0x1];
	p0 =	sne.s32 s2, $0x0  }
0x35d: {  	s3 =	rddreg [dreg:$0x2];
	[bflag:$0x3] =	sbarrier.arrive $0xFFFF;
	s2 =	simm.s32 @!p0 $0x1C06  }
0x35e: {  	[timem:s3], [sflag:s2] =	dma.local @!p0 [hbm:s0], s1  }
0x35f: {  	s0 =	simm.s32 @!p0 $0x6  }
0x360: {  	_ =	swait.ge @!p0 [sflag:s0], s1  }
0x361: {  	s1 =	ssub.s32 @!p0 $0x0, s1;
	[sflag:s0] =	ssyncset.done @!p0 $0x0  }
0x362: {  	[sflag:s0] =	ssyncadd.s32 @!p0 s1  }
0x363: {  	[bflag:$0x3] =	sbarrier.arrive $0xFFFF  }
0x364: {  	_ =	shalt  }

// kernel: kernel.7.cloned.1.call-start
scs
__scs_entry_jumppad:
0x0: {  	(pc) =	sbr.rel $0x88, $3  }
0x1: {  	(tag) =	ssettag $0x0;
	lr =	simm.s32 $0x1  }
0x2: {  	[smem:$0x3F9C] =	sst lr;
	_ =	strace $0xD0000000  }
0x3: {  	_ = 	snop  }
0x4: {  	_ = 	snop  }
0x5: {  	_ = 	snop  }
0x6: {  	_ = 	snop  }
0x7: {  	_ = 	snop  }
__scs_overlays_trampoline_lowered:
0x8: {  	[smem:$0x3FAB] =	sst s0  }
0x9: {  	[smem:$0x3FAC] =	sst s1  }
0xa: {  	[smem:$0x3FAD] =	sst s2  }
0xb: {  	[smem:$0x3FAE] =	sst s3  }
0xc: {  	[smem:$0x3FAF] =	sst s4  }
0xd: {  	[smem:$0x3FB0] =	sst s5  }
0xe: {  	[smem:$0x3FB1] =	sst s6  }
0xf: {  	[smem:$0x3FB2] =	sst s7  }
0x10: {  	[smem:$0x3FB3] =	sst s8  }
0x11: {  	[smem:$0x3FB4] =	sst s9;
	s0 =	simm.s32 @!p0 $0x0  }
0x12: {  	s1 =	sld [smem:$0x3F9A];
	s0 =	simm.s32 @p0 $0x1  }
0x13: {  	[smem:$0x3FB5] =	sst s0;
	s0 =	simm.s32 @!p1 $0x0  }
0x14: {  	s2 =	sld [smem:$0x3F99];
	s0 =	simm.s32 @p1 $0x1  }
0x15: {  	[smem:$0x3FB6] =	sst s0;
	s0 =	simm.s32 @!p2 $0x0  }
0x16: {  	s3 =	sld [smem:$0x3FDB];
	s0 =	simm.s32 @p2 $0x1  }
0x17: {  	s4 =	simm.s32 $0x1BF5;
	[smem:$0x3FB8] =	sst s0  }
0x18: {  	s0 =	sld [smem:$0x3F9B];
	_ =	swait.ge [sflag:s4], $0x0  }
0x19: {  	s7 =	sld [smem:$0x3F9C]  }
0x1a: {  	s8 =	sadd.s32 $0xFFFFE003, lr  }
0x1b: {  	s9 =	sadd.s32 $0xFFFFFEF7, lr;
	s5 =	simm.s32 $0xFFFFFFFF;
	p2 =	slt.u32 s8, $0xFFFFF086  }
0x1c: {  	p1 =	slt.u32 s9, $0xF7A;
	s5 =	simm.s32 @!p2 $0x0  }
0x1d: {  	s5 =	simm.s32 @p1 $0x1;
	p0 =	seq.s32 s7, s2  }
0x1e: {  	s7 =	smul.u32 @!p0 $0xF7A, s2;
	p2 =	seq.s32 @!p0 s5, $0x0  }
0x1f: {  	s9 =	smul.u32 $0xF7A, s1;
	s8 =	simm.s32 @!p0 $0x1BF5;
	p2 =	por !p2, p0  }
0x20: {  	[sflag:s8] =	ssyncset.s32 @!p0 $0xFFFFF086;
	s6 =	sadd.s32 @!p0 s3, s7;
	s7 =	simm.s32 @!p0 $0x108  }
0x21: {  	s3 =	sadd.s32 s3, s9;
	s6 =	sadd.s32 @!p0 $0x88, s6;
	s7 =	simm.s32 @p2 $0x1082  }
0x22: {  	[simem:s7], [sflag:s8] =	dma.local @!p0 [hbm:s6], $0xF7A  }
0x23: {  	s9 =	sor.u32 $0xD0000000, s2;
	s6 =	simm.s32 $0x108;
	_ =	swait.ge @!p0 [sflag:s8], $0x0  }
0x24: {  	s3 =	sadd.s32 $0x88, s3;
	s6 =	simm.s32 @!p1 $0x1082;
	[sflag:s4] =	ssyncset.s32 $0xFFFFF086  }
0x25: {  	[simem:s6], [sflag:s4] =	dma.local [hbm:s3], $0xF7A  }
0x26: {  	[smem:$0x3F9C] =	sst s1;
	(tag) =	ssettag s2;
	_ =	strace s9  }
0x27: {  	s1 =	sld [smem:$0x3FAC]  }
0x28: {  	s2 =	sld [smem:$0x3FAD]  }
0x29: {  	s4 =	sld [smem:$0x3FAF]  }
0x2a: {  	p0 =	seq.s32 s5, $0x0;
	s5 =	sld [smem:$0x3FB0]  }
0x2b: {  	s6 =	sld [smem:$0x3FB1]  }
0x2c: {  	s7 =	sld [smem:$0x3FB2]  }
0x2d: {  	s3 =	simm.s32 $0x108;
	s8 =	sld [smem:$0x3FB3]  }
0x2e: {  	s3 =	simm.s32 @!p0 $0x1082;
	s9 =	sld [smem:$0x3FB4]  }
0x2f: {  	lr =	sadd.s32 s0, s3;
	s0 =	sld [smem:$0x3FAB]  }
0x30: {  	s3 =	sld [smem:$0x3FAE]  }
0x31: {  	[smem:$0x3FB7] =	sst s10  }
0x32: {  	s10 =	sld [smem:$0x3FB5];
	_ =	sdelay $0x3  }
0x33: {  	p0 =	seq.s32 s10, $0x1;
	s10 =	sld [smem:$0x3FB7];
	_ =	sdelay $0x3  }
0x34: {  	[smem:$0x3FB7] =	sst s10  }
0x35: {  	s10 =	sld [smem:$0x3FB6];
	_ =	sdelay $0x3  }
0x36: {  	p1 =	seq.s32 s10, $0x1;
	s10 =	sld [smem:$0x3FB7];
	_ =	sdelay $0x3  }
0x37: {  	[smem:$0x3FB7] =	sst s10  }
0x38: {  	s10 =	sld [smem:$0x3FB8]  }
0x39: {  	_ = 	snop;
	(pc) =	sbr.ind lr, $3  }
0x3a: {  	_ = 	snop  }
0x3b: {  	_ = 	snop  }
0x3c: {  	p2 =	seq.s32 s10, $0x1;
	s10 =	sld [smem:$0x3FB7]  }
0x3d: {  	_ =	shalt  }
0x3e: {  	_ =	shalt  }
0x3f: {  	_ =	shalt  }
0x40: {  	_ =	shalt  }
0x41: {  	_ =	shalt  }
0x42: {  	_ =	shalt  }
0x43: {  	_ =	shalt  }
0x44: {  	_ =	shalt  }
0x45: {  	_ =	shalt  }
0x46: {  	_ =	shalt  }
0x47: {  	_ =	shalt  }
0x48: {  	_ =	shalt  }
0x49: {  	_ =	shalt  }
0x4a: {  	_ =	shalt  }
0x4b: {  	_ =	shalt  }
0x4c: {  	_ =	shalt  }
0x4d: {  	_ =	shalt  }
0x4e: {  	_ =	shalt  }
0x4f: {  	_ =	shalt  }
0x50: {  	_ =	shalt  }
0x51: {  	_ =	shalt  }
0x52: {  	_ =	shalt  }
0x53: {  	_ =	shalt  }
0x54: {  	_ =	shalt  }
0x55: {  	_ =	shalt  }
0x56: {  	_ =	shalt  }
0x57: {  	_ =	shalt  }
0x58: {  	_ =	shalt  }
0x59: {  	_ =	shalt  }
0x5a: {  	_ =	shalt  }
0x5b: {  	_ =	shalt  }
0x5c: {  	_ =	shalt  }
0x5d: {  	_ =	shalt  }
0x5e: {  	_ =	shalt  }
0x5f: {  	_ =	shalt  }
0x60: {  	_ =	shalt  }
0x61: {  	_ =	shalt  }
0x62: {  	_ =	shalt  }
0x63: {  	_ =	shalt  }
0x64: {  	_ =	shalt  }
0x65: {  	_ =	shalt  }
0x66: {  	_ =	shalt  }
0x67: {  	_ =	shalt  }
0x68: {  	_ =	shalt  }
0x69: {  	_ =	shalt  }
0x6a: {  	_ =	shalt  }
0x6b: {  	_ =	shalt  }
0x6c: {  	_ =	shalt  }
0x6d: {  	_ =	shalt  }
0x6e: {  	_ =	shalt  }
0x6f: {  	_ =	shalt  }
0x70: {  	_ =	shalt  }
0x71: {  	_ =	shalt  }
0x72: {  	_ =	shalt  }
0x73: {  	_ =	shalt  }
0x74: {  	_ =	shalt  }
0x75: {  	_ =	shalt  }
0x76: {  	_ =	shalt  }
0x77: {  	_ =	shalt  }
0x78: {  	_ =	shalt  }
0x79: {  	_ =	shalt  }
0x7a: {  	_ =	shalt  }
0x7b: {  	_ =	shalt  }
0x7c: {  	_ =	shalt  }
0x7d: {  	_ =	shalt  }
0x7e: {  	_ =	shalt  }
0x7f: {  	_ =	shalt  }
0x80: {  	_ =	shalt  }
0x81: {  	_ =	shalt  }
0x82: {  	_ =	shalt  }
0x83: {  	_ =	shalt  }
0x84: {  	_ =	shalt  }
0x85: {  	_ =	shalt  }
0x86: {  	_ =	shalt  }
0x87: {  	_ =	shalt  }
.Lfunc_end0:
.L_simem_size_0:
called_computation_lowered:
.L_overlay_start_0:
0x88: {  	s2 =	sld [smem:$0x3FD9]  }
0x89: {  	s3 =	sld [smem:$0x3FFE];
	_ =	sdelay $0x1  }
0x8a: {  	s1 =	srdreg.scid  }
0x8b: {  	s0 =	sand.u32 $0x1, s1  }
0x8c: {  	s16 =	sshll.u32 s0, $0xA;
	s2 =	sadd.s32 s3, s2  }
0x8d: {  	s2 =	sadd.s32 s2, s16  }
0x8e: {  	[smem:$0x3FC3] =	sst s2  }
0x8f: {  	_ = 	snop  }
0x90: {  	(tm) =	ssettm $0x1  }
0x91: {  	s17 =	sld [smem:$0x3FFB];
	_ =	sdelay $0x3  }
0x92: {  	_ =	strace s17  }
0x93: {  	s2 =	sld [smem:$0x3FFC];
	_ =	sdelay $0x3  }
0x94: {  	_ =	strace s2  }
0x95: {  	s2 =	sld [smem:$0x3FFD];
	_ =	sdelay $0x3  }
0x96: {  	_ =	strace s2  }
0x97: {  	_ =	strace $0x8FFFFFFF  }
0x98: {  	s18 =	sld [smem:$0x3FDB];
	_ =	sdelay $0x1  }
0x99: {  	s19 =	simm.s32 $_scs_section_size  }
0x9a: {  	s4 =	simm.s32 $_size__tile_overlayer_lowered;
	s5 =	simm.s32 $_tile_overlayer_lowered  }
0x9b: {  	s22 =	simm.s32 $0x1BFF;
	s21 =	sshll.u32 s5, $0x1;
	s2 =	sadd.s32 s19, s18  }
0x9c: {  	s6 =	simm.s32 $0x0;
	s20 =	sshll.u32 s4, $0x1;
	s4 =	sadd.s32 s21, s2  }
0x9d: {  	[timem:s6], [sflag:s22] =	dma.local [hbm:s4], s20  }
0x9e: {  	_ =	swait.ge [sflag:s22], s20  }
0x9f: {  	s3 =	ssub.s32 $0x0, s20;
	[sflag:s22] =	ssyncset.done $0x0  }
0xa0: {  	[sflag:s22] =	ssyncadd.s32 s3;
	_ =	sdelay $0x1  }
0xa1: {  	s23 =	simm.s32 $0x1B8B  }
0xa2: {  	_ =	swait.ge [sflag:s23], $0x1  }
0xa3: {  	[sflag:s23] =	ssyncset.done $0x0  }
0xa4: {  	s25 =	simm.s32 $0x1B8E;
	s24 =	sld [smem:$0x3FFE];
	[sflag:s23] =	ssyncadd.s32 $0xFFFFFFFF  }
0xa5: {  	s26 =	simm.s32 $execute0_lowered;
	[smem:$0x3FD2] =	sst s25  }
0xa6: {  	s4 =	sshll.u32 s26, $0x1;
	_ =	strace $0x80000046;
	[dreg:$0x1] =	wrdreg $0xFFFFFFFF  }
0xa7: {  	s28 =	simm.s32 $_size_execute0_lowered;
	s2 =	sadd.s32 s2, s4;
	[dreg:$0x0] =	wrdreg $0x0  }
0xa8: {  	s4 =	sshll.u32 s28, $0x1;
	[dreg:$0x2] =	wrdreg s2  }
0xa9: {  	[dreg:$0x3] =	wrdreg s4  }
0xaa: {  	[dreg:$0x4] =	wrdreg $0xC0  }
0xab: {  	_ =	task [dreg:s6], $0x5FFFF  }
0xac: {  	[dreg:$0x1] =	wrdreg $0xFFFFFFFF  }
0xad: {  	[dreg:$0x0] =	wrdreg $0x60  }
0xae: {  	[dreg:$0x2] =	wrdreg s24  }
0xaf: {  	[dreg:$0x3] =	wrdreg $0x60000  }
0xb0: {  	[dreg:$0x4] =	wrdreg $0x87800  }
0xb1: {  	[dreg:$0x5] =	wrdreg $0x9  }
0xb2: {  	_ =	task.clear_ibuf [dreg:s6], $0x6FFFF;
	_ =	strace $0x90000046  }
0xb3: {  	s29 =	simm.s32 $0x9;
	_ =	strace $0x80000048  }
0xb4: {  	_ =	swait.ge [sflag:s29], $0x1  }
0xb5: {  	[sflag:s29] =	ssyncadd.s32 $0xFFFFFFFF  }
0xb6: {  	_ =	strace $0x90000048  }
0xb7: {  	_ =	sfence  }
0xb8: {  	s30 =	sld [smem:$0x0];
	_ =	sdelay $0x2  }
0xb9: {  	s31 =	sshll.u32 s1, $0xD;
	s1 =	sshrl.u32 s1, $0x2  }
0xba: {  	s3 =	sand.u32 $0x4000, s31;
	s1 =	sadd.s32 s1, s30  }
0xbb: {  	s0 =	sor.u32 s3, s0;
	s1 =	sshll.u32 s1, $0x11  }
0xbc: {  	s0 =	sor.u32 s1, s0  }
0xbd: {  	s0 =	sadd.s32 $0x8F2B, s0  }
0xbe: {  	[sflag:s0] =	ssyncadd.remote.s32 $0x1  }
0xbf: {  	_ =	sfence.sel $0xFFFF  }
0xc0: {  	[dreg:$0x0] =	wrdreg $0xFFFFFFFF;
	(pc) =	sbr.abs _section_cstart, $3  }
0xc1: {  	[dreg:$0x1] =	wrdreg $0xFFFFFFFF  }
0xc2: {  	_ =	task.clear_ibuf [dreg:s6], $0x2FFFF;
	_ =	strace $0x9FFFFFFF  }
0xc3: {  	(tm) =	ssettm $0x7FFFFFFF  }
tec
execute0_lowered:
.L_overlay_start_1:
0x0: {  	(tag) =	ssettag $0x1  }
0x1: {  	s0 =	rddreg [dreg:$0x0]  }
0x2: {  	s2 =	rddreg [dreg:$0x1];
	s1 =	srdreg.scid  }
0x3: {  	s14 =	stileid.u32;
	s3 =	rddreg [dreg:$0x2];
	s4 =	simm.s32 $0x0  }
0x4: {  	s20 =	simm.s32 $0x5620;
	s28 =	simm.s32 $0x10;
	s29 =	simm.s32 $0x2  }
0x5: {  	s30 =	simm.s32 $0x3;
	s31 =	simm.s32 $0x0;
	s6 =	smul.u32 $0x2780, s14  }
0x6: {  	s1 =	sand.u32 $0x1, s1;
	[smem:$0x7FF] =	sst s4;
	s16 =	smul.u32 $0x2710, s14  }
0x7: {  	s7 =	sadd.s32 $0x2200, s0;
	s5 =	smul.u32 $0x27800, s1;
	_ =	strace $0x80000047  }
0x8: {  	s8 =	ssub.s32 $0x2, s1;
	s9 =	sshll.u32 s1, $0x4;
	s1 =	smul.u32 $0x27100, s1  }
0x9: {  	s21 =	sshrl.u32 s8, $0x1;
	s9 =	sor.u32 s14, s9;
	s11 =	sadd.s32 $0x9E0, s6  }
0xa: {  	s12 =	sadd.s32 $0x13C0, s6;
	s13 =	sadd.s32 $0x1DA0, s6;
	s5 =	sadd.s32 s6, s5  }
0xb: {  	s17 =	ssub.s32 s8, s21;
	s10 =	smul.u32 $0x2710, s9;
	s22 =	sadd.s32 s11, s2  }
0xc: {  	s23 =	sadd.s32 s12, s2;
	s8 =	sadd.s32 s13, s2;
	s9 =	sadd.s32 s6, s3  }
0xd: {  	s1 =	sadd.s32 s16, s1;
	s21 =	simm.s32 $0x4;
	[dreg:$0x4] =	wrdreg s22  }
0xe: {  	s5 =	sshrl.u32 s5, $0x3;
	[dreg:$0x5] =	wrdreg s23;
	s25 =	sshrl.u32 s1, $0x3  }
0xf: {  	s1 =	sadd.s32 $0x4E200, s1;
	s17 =	smax.u32 s17, $0x1;
	s22 =	simm.s32 $0x4E00  }
0x10: {  	s23 =	simm.s32 $0x1;
	s0 =	sadd.s32 s5, s0;
	s5 =	sadd.s32 s6, s2  }
0x11: {  	s24 =	sshrl.u32 s10, $0x3;
	s10 =	sadd.s32 s11, s3;
	s11 =	sadd.s32 s12, s3  }
0x12: {  	s12 =	sadd.s32 s13, s3;
	s18 =	sadd.s32 s25, s7;
	s26 =	sshrl.u32 s1, $0x3  }
0x13: {  	s25 =	simm.s32 $0x80;
	s6 =	sadd.s32 s7, s24;
	s15 =	sadd.s32 $0x15C00, s0  }
0x14: {  	s16 =	sadd.s32 $0x1FA00, s0;
	s19 =	sadd.s32 s26, s7;
	s24 =	simm.s32 $0x4E10  }
0x15: {  	v0 =	vimm.f32 $1.000000000e+00;
	v1 =	vimm.f32 $0.0e+00;
	s26 =	simm.s32 $0x4E20;
	s13 =	sadd.s32 $0x4E0, s6;
	s14 =	sadd.s32 $0xA120, s6  }
.LBB2_1:
0x16: {  	s0 =	simm.s32 $0x0  }
.LBB2_2:
0x17: {  	p0 =	sne.s32 s0, $0x1FC0  }
.Ltmp0:
0x18: {  	_ = 	snop;
	(pc) =	sbr.rel @p0 .LBB2_2-.Ltmp0, $3  }
0x19: {  	_ =	sdelay $0x1  }
0x1a: {  	s1 =	sshra.s32 s0, $0x2  }
0x1b: {  	s0 =	sadd.s32 $0x40, s0;
	[tilespmem:s1+$0x4E20] =	vst v0  }
0x1c: {  	s0 =	simm.s32 $0x40;
	s1 =	simm.s32 $0x0  }
.LBB2_4:
0x1d: {  	p0 =	sne.s32 s0, $0x2740;
	[tilespmem:s1+$0x5620] =	vst v1;
	s1 =	smov.u32 s0;
	s0 =	sadd.s32 $0x40, s0  }
.Ltmp1:
0x1e: {  	(pc) =	sbr.rel @p0 .LBB2_4-.Ltmp1, $2  }
0x1f: {  	_ =	sdelay $0x2  }
0x20: {  	s1 =	sshra.s32 s1, $0x2  }
0x21: {  	[tilespmem:s1+$0x5620] =	vst v1  }
0x22: {  	[spmem:s5] =	stream.linear.scatter [tilespmem:s20], [sflag:$0x4], $0x9E0, $0x38;
	[tilespmem:$0xAF00] =	vst v63  }
0x23: {  	_ =	swait.ge [sflag:s21], $0x9E0  }
0x24: {  	[sflag:s21] =	ssyncset.done $0x0  }
0x25: {  	s0 =	rddreg [dreg:$0x4];
	[sflag:s21] =	ssyncadd.s32 $0xFFFFF620  }
0x26: {  	[spmem:s0] =	stream.linear.scatter [tilespmem:s20], [sflag:$0x4], $0x9E0, $0x38;
	[tilespmem:$0xAF00] =	vst v63  }
0x27: {  	_ =	swait.ge [sflag:s21], $0x9E0  }
0x28: {  	[sflag:s21] =	ssyncset.done $0x0  }
0x29: {  	s7 =	rddreg [dreg:$0x5];
	[sflag:s21] =	ssyncadd.s32 $0xFFFFF620  }
0x2a: {  	[spmem:s7] =	stream.linear.scatter [tilespmem:s20], [sflag:$0x4], $0x9E0, $0x38;
	[tilespmem:$0xAF00] =	vst v63  }
0x2b: {  	_ =	swait.ge [sflag:s21], $0x9E0  }
0x2c: {  	[sflag:s21] =	ssyncset.done $0x0  }
0x2d: {  	[sflag:s21] =	ssyncadd.s32 $0xFFFFF620  }
0x2e: {  	[spmem:s8] =	stream.linear.scatter [tilespmem:s20], [sflag:$0x4], $0x9E0, $0x38;
	[tilespmem:$0xAF00] =	vst v63  }
0x2f: {  	_ =	swait.ge [sflag:s21], $0x9E0  }
0x30: {  	[sflag:s21] =	ssyncset.done $0x0  }
0x31: {  	[sflag:s21] =	ssyncadd.s32 $0xFFFFF620  }
0x32: {  	[spmem:s9] =	stream.linear.scatter [tilespmem:s20], [sflag:$0x4], $0x9E0, $0x38;
	[tilespmem:$0xAF00] =	vst v63  }
0x33: {  	_ =	swait.ge [sflag:s21], $0x9E0  }
0x34: {  	[sflag:s21] =	ssyncset.done $0x0  }
0x35: {  	[sflag:s21] =	ssyncadd.s32 $0xFFFFF620  }
0x36: {  	[spmem:s10] =	stream.linear.scatter [tilespmem:s20], [sflag:$0x4], $0x9E0, $0x38;
	[tilespmem:$0xAF00] =	vst v63  }
0x37: {  	_ =	swait.ge [sflag:s21], $0x9E0  }
0x38: {  	[sflag:s21] =	ssyncset.done $0x0  }
0x39: {  	[sflag:s21] =	ssyncadd.s32 $0xFFFFF620  }
0x3a: {  	[spmem:s11] =	stream.linear.scatter [tilespmem:s20], [sflag:$0x4], $0x9E0, $0x38;
	[tilespmem:$0xAF00] =	vst v63  }
0x3b: {  	_ =	swait.ge [sflag:s21], $0x9E0  }
0x3c: {  	[sflag:s21] =	ssyncset.done $0x0  }
0x3d: {  	[sflag:s21] =	ssyncadd.s32 $0xFFFFF620  }
0x3e: {  	[spmem:s12] =	stream.linear.scatter [tilespmem:s20], [sflag:$0x4], $0x9E0, $0x38;
	[tilespmem:$0xAF00] =	vst v63  }
0x3f: {  	_ =	swait.ge [sflag:s21], $0x9E0  }
0x40: {  	s1 =	simm.s32 $0x0;
	s6 =	simm.s32 $0x80;
	[sflag:s21] =	ssyncset.done $0x0  }
0x41: {  	s0 =	simm.s32 $0x10;
	s7 =	sadd.s32 $0x0, s18;
	[sflag:s21] =	ssyncadd.s32 $0xFFFFF620  }
.LBB2_6:
0x42: {  	[tilespmem:s1], [sflag:$0x1] =	stream.linear.gather [hbm4b:s7+s4], $0x80, $0x38;
	[tilespmem:$0xAF00] =	vst v63  }
0x43: {  	s7 =	smov.u32 s0;
	s1 =	smov.u32 s6;
	p0 =	sne.s32 s0, $0x4D0  }
.Ltmp2:
0x44: {  	s0 =	sadd.s32 $0x10, s0;
	(pc) =	sbr.rel @p0 .LBB2_6-.Ltmp2, $2  }
0x45: {  	_ =	sdelay $0x2  }
0x46: {  	s6 =	sadd.s32 $0x80, s6;
	s7 =	sadd.s32 s7, s18  }
0x47: {  	[tilespmem:s1], [sflag:$0x1] =	stream.linear.gather [hbm4b:s7+s4], $0x80, $0x38;
	[tilespmem:$0xAF00] =	vst v63  }
0x48: {  	_ = 	snop  }
0x49: {  	[tilespmem:s22], [sflag:$0x1] =	stream.linear.gather [hbm4b:s13+s4], $0x10, $0x38;
	[tilespmem:$0xAF00] =	vst v63  }
0x4a: {  	_ =	swait.ge [sflag:s23], $0x80  }
0x4b: {  	s0 =	simm.s32 $0x4D;
	[sflag:s23] =	ssyncset.done $0x0  }
.LBB2_8:
0x4c: {  	p0 =	sne.s32 s0, $0x1;
	s0 =	sadd.s32 $0xFFFFFFFF, s0;
	[sflag:s23] =	ssyncadd.s32 $0xFFFFFF80  }
.Ltmp3:
0x4d: {  	(pc) =	sbr.rel @p0 .LBB2_8-.Ltmp3, $3  }
0x4e: {  	_ =	sdelay $0x1  }
0x4f: {  	_ =	swait.ge [sflag:s23], $0x80  }
0x50: {  	[sflag:s23] =	ssyncset.done $0x0  }
0x51: {  	[sflag:s23] =	ssyncadd.s32 $0xFFFFFF80  }
0x52: {  	_ =	swait.ge [sflag:s23], $0x10  }
0x53: {  	s1 =	simm.s32 $0x2700;
	s0 =	simm.s32 $0x10;
	[sflag:s23] =	ssyncset.done $0x0  }
0x54: {  	s7 =	sadd.s32 $0x0, s19;
	s6 =	simm.s32 $0x2780;
	[sflag:s23] =	ssyncadd.s32 $0xFFFFFFF0  }
.LBB2_10:
0x55: {  	[tilespmem:s1], [sflag:$0x1] =	stream.linear.gather [hbm4b:s7+s4], $0x80, $0x38;
	[tilespmem:$0xAF00] =	vst v63  }
0x56: {  	s7 =	smov.u32 s0;
	s1 =	smov.u32 s6;
	p0 =	sne.s32 s0, $0x4D0  }
.Ltmp4:
0x57: {  	s0 =	sadd.s32 $0x10, s0;
	(pc) =	sbr.rel @p0 .LBB2_10-.Ltmp4, $2  }
0x58: {  	_ =	sdelay $0x2  }
0x59: {  	s6 =	sadd.s32 $0x80, s6;
	s7 =	sadd.s32 s7, s19  }
0x5a: {  	[tilespmem:s1], [sflag:$0x1] =	stream.linear.gather [hbm4b:s7+s4], $0x80, $0x38;
	[tilespmem:$0xAF00] =	vst v63  }
0x5b: {  	_ = 	snop  }
0x5c: {  	[tilespmem:s24], [sflag:$0x1] =	stream.linear.gather [hbm4b:s14+s4], $0x10, $0x38;
	[tilespmem:$0xAF00] =	vst v63  }
0x5d: {  	_ =	swait.ge [sflag:s23], $0x80  }
0x5e: {  	s0 =	simm.s32 $0x4D;
	[sflag:s23] =	ssyncset.done $0x0  }
.LBB2_12:
0x5f: {  	p0 =	sne.s32 s0, $0x1;
	s0 =	sadd.s32 $0xFFFFFFFF, s0;
	[sflag:s23] =	ssyncadd.s32 $0xFFFFFF80  }
.Ltmp5:
0x60: {  	(pc) =	sbr.rel @p0 .LBB2_12-.Ltmp5, $3  }
0x61: {  	_ =	sdelay $0x1  }
0x62: {  	_ =	swait.ge [sflag:s23], $0x80  }
0x63: {  	[sflag:s23] =	ssyncset.done $0x0  }
0x64: {  	[sflag:s23] =	ssyncadd.s32 $0xFFFFFF80  }
0x65: {  	_ =	swait.ge [sflag:s23], $0x10  }
0x66: {  	[sflag:s23] =	ssyncset.done $0x0  }
0x67: {  	[sflag:s23] =	ssyncadd.s32 $0xFFFFFFF0  }
0x68: {  	s0 =	simm.s32 $0x0;
	[bflag:$0x0] =	sbarrier.arrive $0xFFFF  }
0x69: {  	[spmem:s2] =	stream.indirect.scatter.add.f32 [tilespmem:s26], [sflag:$0x2], $0x10, s0, s25, $0xb8;
	[tilespmem:$0xAF00] =	vst v63  }
0x6a: {  	s1 =	simm.s32 $0x2700;
	s0 =	simm.s32 $0x200  }
.LBB2_14:
0x6b: {  	[spmem:s3] =	stream.indirect.scatter.add.f32 [tilespmem:s26], [sflag:$0x3], $0x10, s1, s25, $0xb8;
	[tilespmem:$0xAF00] =	vst v63  }
0x6c: {  	s1 =	smov.u32 s0;
	p0 =	sne.s32 s0, $0x9A00  }
.Ltmp6:
0x6d: {  	s0 =	sadd.s32 $0x200, s0;
	(pc) =	sbr.rel @p0 .LBB2_14-.Ltmp6, $4  }
0x6e: {  	_ = 	snop  }
0x6f: {  	s1 =	sshra.s32 s1, $0x2  }
0x70: {  	[spmem:s2] =	stream.indirect.scatter.add.f32 [tilespmem:s26], [sflag:$0x2], $0x10, s1, s25, $0xb8;
	[tilespmem:$0xAF00] =	vst v63  }
0x71: {  	s1 =	sadd.s32 $0x2700, s1  }
0x72: {  	[spmem:s3] =	stream.indirect.scatter.add.f32 [tilespmem:s26], [sflag:$0x3], $0x10, s1, s25, $0xb8;
	[tilespmem:$0xAF00] =	vst v63  }
0x73: {  	_ = 	snop  }
0x74: {  	[spmem:s2] =	stream.indirect.scatter.add.f32 [tilespmem:s26], [sflag:$0x2], $0x10, s22, s28, $0xb8;
	[tilespmem:$0xAF00] =	vst v63  }
0x75: {  	_ = 	snop  }
0x76: {  	[spmem:s3] =	stream.indirect.scatter.add.f32 [tilespmem:s26], [sflag:$0x3], $0x10, s24, s28, $0xb8;
	[tilespmem:$0xAF00] =	vst v63  }
0x77: {  	_ =	swait.ge [sflag:s29], $0x800  }
0x78: {  	[sflag:s29] =	ssyncset.done $0x0  }
0x79: {  	[sflag:s29] =	ssyncadd.s32 $0xFFFFF800  }
0x7a: {  	_ =	swait.ge [sflag:s30], $0x800  }
0x7b: {  	s0 =	simm.s32 $0x4D;
	[sflag:s30] =	ssyncset.done $0x0  }
.LBB2_16:
0x7c: {  	p0 =	sne.s32 s0, $0x1;
	s0 =	sadd.s32 $0xFFFFFFFF, s0;
	[sflag:s30] =	ssyncadd.s32 $0xFFFFF800  }
.Ltmp7:
0x7d: {  	_ =	swait.ge [sflag:s29], $0x800;
	(pc) =	sbr.rel @p0 .LBB2_16-.Ltmp7, $4  }
0x7e: {  	[sflag:s29] =	ssyncset.done $0x0  }
0x7f: {  	[sflag:s29] =	ssyncadd.s32 $0xFFFFF800  }
0x80: {  	_ =	swait.ge [sflag:s30], $0x800  }
0x81: {  	[sflag:s30] =	ssyncset.done $0x0  }
0x82: {  	[sflag:s30] =	ssyncadd.s32 $0xFFFFF800  }
0x83: {  	_ =	swait.ge [sflag:s29], $0x100  }
0x84: {  	[sflag:s29] =	ssyncset.done $0x0  }
0x85: {  	[sflag:s29] =	ssyncadd.s32 $0xFFFFFF00  }
0x86: {  	_ =	swait.ge [sflag:s30], $0x100  }
0x87: {  	s0 =	stileid.u32;
	[sflag:s30] =	ssyncset.done $0x0  }
0x88: {  	s0 =	sshll.u32 s0, $0x6;
	[sflag:s30] =	ssyncadd.s32 $0xFFFFFF00  }
0x89: {  	s1 =	sshrl.u32 s5, $0x3;
	s0 =	sor.u32 $0x1C04, s0;
	[bflag:$0x0] =	sbarrier.arrive $0xFFFF  }
0x8a: {  	[hbm:s15], [sflag:s0] =	dma.local [spmem:s1], $0x4F0  }
0x8b: {  	s31 =	sadd.s32 $0x1, s31;
	_ =	swait.ge [sflag:s21], $0x4F0  }
0x8c: {  	p0 =	sne.s32 s31, s17;
	[sflag:s21] =	ssyncset.done $0x0  }
.Ltmp8:
0x8d: {  	s7 =	sshrl.u32 s9, $0x3;
	[sflag:s21] =	ssyncadd.s32 $0xFFFFFB10;
	(pc) =	sbr.rel @p0 .LBB2_1-.Ltmp8, $4  }
0x8e: {  	[hbm:s16], [sflag:s0] =	dma.local [spmem:s7], $0x4F0  }
0x8f: {  	_ =	swait.ge [sflag:s21], $0x4F0  }
0x90: {  	[sflag:s21] =	ssyncset.done $0x0  }
0x91: {  	[sflag:s21] =	ssyncadd.s32 $0xFFFFFB10  }
0x92: {  	_ =	sfence.sel $0x180000  }
0x93: {  	[bflag:$0x0] =	sbarrier.arrive $0xFFFF  }
0x94: {  	_ =	strace $0x90000047  }
0x95: {  	s0 =	stileid.u32;
	[bflag:$0x2] =	sbarrier.arrive $0xFFFF  }
0x96: {  	p0 =	sne.s32 s0, $0x0;
	s0 =	rddreg [dreg:$0x3]  }
0x97: {  	s0 =	sadd.s32 @!p0 $0x100000, s0  }
0x98: {  	[sflag:s0] =	ssyncadd.tile.s32 @!p0 $0x1;
	_ =	shalt  }
.Lfunc_end2:
_tile_overlayer_lowered:
.L_overlay_start_2:
0x99: {  	(tag) =	ssettag $0x2  }
0x9a: {  	s0 =	rddreg [dreg:$0x0];
	s2 =	stileid.u32  }
0x9b: {  	s1 =	rddreg [dreg:$0x1];
	p0 =	sne.s32 s2, $0x0  }
0x9c: {  	s3 =	rddreg [dreg:$0x2];
	[bflag:$0x3] =	sbarrier.arrive $0xFFFF;
	s2 =	simm.s32 @!p0 $0x1C04  }
0x9d: {  	[timem:s3], [sflag:s2] =	dma.local @!p0 [hbm:s0], s1  }
0x9e: {  	s0 =	simm.s32 @!p0 $0x4  }
0x9f: {  	_ =	swait.ge @!p0 [sflag:s0], s1  }
0xa0: {  	s1 =	ssub.s32 @!p0 $0x0, s1;
	[sflag:s0] =	ssyncset.done @!p0 $0x0  }
0xa1: {  	[sflag:s0] =	ssyncadd.s32 @!p0 s1  }
0xa2: {  	[bflag:$0x3] =	sbarrier.arrive $0xFFFF  }
0xa3: {  	_ =	shalt  }

</sc_bundles>
